<compile_context>
chip_gen: v7x
topology: tpu7x:2x2x1
jax: 0.10.2.dev20260603
libtpu: 0.0.44.dev20260713+nightly
codegen_flags: <defaults>
</compile_context>

<pallas_src>
import jax
import jax.numpy as jnp
from jax import lax
from jax.experimental import pallas as pl
from jax.experimental.pallas import tpu as pltpu
from jax.experimental.pallas import tpu_sc as plsc

_B = 4
_S = 4096
_D = 1024
_NC = 2
_NS = 16
_NW = _NC * _NS
_PPW = _S // _NW
_C = 8
_NCHUNK = _PPW // _C
_NBUF = 3
_NOUT = -(-_NCHUNK // _NBUF)
_LANES = 16


def _body(tokens_hbm, table_hbm, pos_hbm, out_hbm, idx_v, pos_v, rows_v,
          si0, si1, si2, so0, so1, so2):
    wid = lax.axis_index("s") * _NC + lax.axis_index("c")
    p0 = wid * _PPW
    sem_in = (si0, si1, si2)
    sem_out = (so0, so1, so2)

    pltpu.sync_copy(tokens_hbm.at[pl.ds(wid * _NCHUNK, _NCHUNK)], idx_v)

    def issue_in(ci, k):
        s0 = p0 + ci * _C
        pltpu.async_copy(pos_hbm.at[pl.ds(s0, _C)], pos_v.at[k], sem_in[k])
        pltpu.async_copy(
            table_hbm.at[idx_v.at[ci]],
            rows_v.at[k],
            sem_in[k],
        )

    def wait_in(k):
        pltpu.make_async_copy(pos_hbm.at[pl.ds(0, _C)], pos_v.at[k],
                              sem_in[k]).wait()
        pltpu.make_async_copy(table_hbm.at[pl.ds(0, _B * _C)], rows_v.at[k],
                              sem_in[k]).wait()

    def issue_out(ci, k):
        s0 = p0 + ci * _C
        for b in range(_B):
            pltpu.async_copy(
                rows_v.at[k, pl.ds(b * _C, _C)],
                out_hbm.at[b, pl.ds(s0, _C)],
                sem_out[k],
            )

    def wait_out(k):
        for _ in range(_B):
            pltpu.make_async_copy(pos_hbm.at[pl.ds(0, _C)], pos_v.at[k],
                                  sem_out[k]).wait()

    def add_chunk(k):
        @plsc.parallel_loop(0, _C * (_D // _LANES), unroll=4)
        def _(t):
            c = t >> 6
            off = (t & (_D // _LANES - 1)) * _LANES
            pv = pos_v[k, c, pl.ds(off, _LANES)]
            for b in range(_B):
                r = b * _C + c
                rows_v[k, r, pl.ds(off, _LANES)] = (
                    rows_v[k, r, pl.ds(off, _LANES)] + pv
                )

    for k in range(_NBUF - 1):
        issue_in(k, k)

    def ring(i, carry):
        for k in range(_NBUF):
            ci = i * _NBUF + k
            kprev = (k + _NBUF - 1) % _NBUF
            if k == 0:
                @pl.when(i < _NOUT - 1)
                def _():
                    @pl.when(i > 0)
                    def _():
                        wait_out(kprev)
                    issue_in(ci + _NBUF - 1, kprev)
            else:
                @pl.when(ci + _NBUF - 1 < _NCHUNK)
                def _():
                    wait_out(kprev)
                    issue_in(ci + _NBUF - 1, kprev)

            @pl.when(ci < _NCHUNK)
            def _():
                wait_in(k)
                add_chunk(k)
                issue_out(ci, k)
        return carry

    lax.fori_loop(0, _NOUT, ring, 0)
    for k in range(_NBUF):
        wait_out(k)


@jax.jit
def _emb(tokens, table, pos2d):
    mesh = plsc.VectorSubcoreMesh(core_axis_name="c", subcore_axis_name="s")
    return pl.kernel(
        _body,
        out_type=jax.ShapeDtypeStruct((_B, _S, _D), jnp.float32),
        mesh=mesh,
        scratch_types=[
            pltpu.VMEM((_NCHUNK, _B * _C), jnp.int32),
            pltpu.VMEM((_NBUF, _C, _D), jnp.float32),
            pltpu.VMEM((_NBUF, _B * _C, _D), jnp.float32),
        ] + [pltpu.SemaphoreType.DMA] * (2 * _NBUF),
    )(tokens, table, pos2d)


def kernel(tokens, table, pos):
    tk = tokens.astype(jnp.int32).reshape(_B, _S // _C, _C)
    tk = tk.transpose(1, 0, 2).reshape(_S // _C, _B * _C)
    pos2d = pos.reshape(pos.shape[1], pos.shape[2])[: tokens.shape[1]]
    return _emb(tk, table, pos2d)

# --- scband reference (transcript-rebuilt; emitter-appended) ---
"""Pipeline reference for scband-gptembedding-23081154249029 (READ-ONLY COPY).

The authoritative reference and input builder live on the scoring server;
editing this copy changes nothing except your own understanding.
"""

import jax, jax.numpy as jnp
import numpy as np

VOCAB = 100000
D_MODEL = 1024
CTX = 4096
BATCH = 4
SEQ = 4096

def setup_inputs(seed: int = 0) -> dict:
    key = jax.random.key(seed)
    k1, k2, k3 = jax.random.split(key, 3)
    tokens = jax.random.randint(k1, (BATCH, SEQ), 0, VOCAB, dtype=jnp.int64 if jax.config.jax_enable_x64 else jnp.int32)
    table = jax.random.normal(k2, (VOCAB, D_MODEL), dtype=jnp.float32)
    pos = jax.random.normal(k3, (1, CTX, D_MODEL), dtype=jnp.float32)
    return {"tokens": tokens, "table": table, "pos": pos}

def reference(tokens, table, pos):
    # token embedding lookup (gather)
    token_embeddings = jnp.take(table, tokens, axis=0)  # [B, S, D]
    # add positional encoding sliced to seq length; dropout is identity in eval mode
    out = pos[:, :tokens.shape[1], :] + token_embeddings
    return out

if __name__ == "__main__":
    import jax
    _d = setup_inputs()
    print(jax.jit(kernel)(*tuple(_d.values())))

</pallas_src>

<mosaic_0001>
#map = affine_map<(d0, d1) -> (0, 0)>
#map1 = affine_map<(d0, d1) -> (0, 0, 0)>
module attributes {stable_mosaic.version = 14 : i64} {
  func.func @_body(%arg0: i32, %arg1: i32, %arg2: memref<512x32xi32, #tpu.memory_space<hbm>>, %arg3: memref<100000x1024xf32, #tpu.memory_space<hbm>>, %arg4: memref<4096x1024xf32, #tpu.memory_space<hbm>>, %arg5: memref<4x4096x1024xf32, #tpu.memory_space<hbm>>, %arg6: memref<16x32xi32, #tpu.memory_space<vmem>>, %arg7: memref<3x8x1024xf32, #tpu.memory_space<vmem>>, %arg8: memref<3x32x1024xf32, #tpu.memory_space<vmem>>, %arg9: memref<!tpu.dma_semaphore, #tpu.memory_space<semaphore_mem>>, %arg10: memref<!tpu.dma_semaphore, #tpu.memory_space<semaphore_mem>>, %arg11: memref<!tpu.dma_semaphore, #tpu.memory_space<semaphore_mem>>, %arg12: memref<!tpu.dma_semaphore, #tpu.memory_space<semaphore_mem>>, %arg13: memref<!tpu.dma_semaphore, #tpu.memory_space<semaphore_mem>>, %arg14: memref<!tpu.dma_semaphore, #tpu.memory_space<semaphore_mem>>) attributes {dimension_semantics = [#tpu.dimension_semantics<core_parallel>, #tpu.dimension_semantics<subcore_parallel>], iteration_bounds = array<i64: 2, 16>, scalar_prefetch = 0 : i64, scratch_operands = 9 : i64, tpu.core_type = #tpu.core_type<sc_vector_subcore>, window_params = [{transform_indices = #map}, {transform_indices = #map}, {transform_indices = #map}, {transform_indices = #map1}]} {
    %mul3A = arith.constant 2 : i32
    %mul3A_0 = arith.muli %arg1, %mul3A : i32
    %add3A = arith.addi %mul3A_0, %arg0 : i32
    %mul3A_1 = arith.constant 128 : i32
    %mul3A_2 = arith.muli %add3A, %mul3A_1 : i32
    %mul3A_3 = arith.constant 16 : i32
    %mul3A_4 = arith.muli %add3A, %mul3A_3 : i32
    "tpu.region"() ({
      %run_scoped3A = tpu.sem_alloc : memref<!tpu.dma_semaphore, #tpu.memory_space<semaphore_mem>>
      %dma_start3A_242 = arith.constant 0 : i32
      %dma_start3A_243 = tpu.memref_slice %arg2[%mul3A_4, %dma_start3A_242] : memref<512x32xi32, #tpu.memory_space<hbm>> -> memref<16x32xi32, #tpu.memory_space<hbm>>
      %dma_start3A_244 = arith.constant 0 : i32
      %dma_start3A_245 = tpu.memref_slice %arg2[%mul3A_4, %dma_start3A_244] : memref<512x32xi32, #tpu.memory_space<hbm>> -> memref<16x32xi32, #tpu.memory_space<hbm>>
      tpu.enqueue_dma source(%dma_start3A_245 : memref<16x32xi32, #tpu.memory_space<hbm>>) target(%arg6 : memref<16x32xi32, #tpu.memory_space<vmem>>) target_semaphore(%run_scoped3A : memref<!tpu.dma_semaphore, #tpu.memory_space<semaphore_mem>>)
      %dma_wait3A_246 = arith.constant 0 : i32
      %dma_wait3A_247 = tpu.memref_slice %arg2[%mul3A_4, %dma_wait3A_246] : memref<512x32xi32, #tpu.memory_space<hbm>> -> memref<16x32xi32, #tpu.memory_space<hbm>>
      %dma_wait3A_248 = arith.constant 0 : i32
      %dma_wait3A_249 = tpu.memref_slice %arg2[%mul3A_4, %dma_wait3A_248] : memref<512x32xi32, #tpu.memory_space<hbm>> -> memref<16x32xi32, #tpu.memory_space<hbm>>
      tpu.wait_dma2 semaphore(%run_scoped3A : memref<!tpu.dma_semaphore, #tpu.memory_space<semaphore_mem>>) src(%dma_wait3A_249 : memref<16x32xi32, #tpu.memory_space<hbm>>) dst(%arg6 : memref<16x32xi32, #tpu.memory_space<vmem>>)
      tpu.yield
    }) : () -> ()
    %add3A_5 = arith.constant 0 : i32
    %add3A_6 = arith.addi %mul3A_2, %add3A_5 : i32
    %dma_start3A = arith.constant 0 : i32
    %dma_start3A_7 = arith.constant 0 : i32
    %dma_start3A_8 = arith.constant 0 : i32
    %dma_start3A_9 = tpu.memref_slice %arg7[%dma_start3A, %dma_start3A_7, %dma_start3A_8] : memref<3x8x1024xf32, #tpu.memory_space<vmem>> -> memref<1x8x1024xf32, #tpu.memory_space<vmem>>
    %dma_start3A_10 = tpu.memref_squeeze %dma_start3A_9 : memref<1x8x1024xf32, #tpu.memory_space<vmem>> -> memref<8x1024xf32, #tpu.memory_space<vmem>>
    %dma_start3A_11 = arith.constant 0 : i32
    %dma_start3A_12 = tpu.memref_slice %arg4[%add3A_6, %dma_start3A_11] : memref<4096x1024xf32, #tpu.memory_space<hbm>> -> memref<8x1024xf32, #tpu.memory_space<hbm>>
    %dma_start3A_13 = arith.constant 0 : i32
    %dma_start3A_14 = arith.constant 0 : i32
    %dma_start3A_15 = tpu.memref_slice %arg7[%dma_start3A, %dma_start3A_13, %dma_start3A_14] : memref<3x8x1024xf32, #tpu.memory_space<vmem>> -> memref<1x8x1024xf32, #tpu.memory_space<vmem>>
    %dma_start3A_16 = tpu.memref_squeeze %dma_start3A_15 : memref<1x8x1024xf32, #tpu.memory_space<vmem>> -> memref<8x1024xf32, #tpu.memory_space<vmem>>
    %dma_start3A_17 = arith.constant 0 : i32
    %dma_start3A_18 = tpu.memref_slice %arg4[%add3A_6, %dma_start3A_17] : memref<4096x1024xf32, #tpu.memory_space<hbm>> -> memref<8x1024xf32, #tpu.memory_space<hbm>>
    tpu.enqueue_dma source(%dma_start3A_18 : memref<8x1024xf32, #tpu.memory_space<hbm>>) target(%dma_start3A_16 : memref<8x1024xf32, #tpu.memory_space<vmem>>) target_semaphore(%arg9 : memref<!tpu.dma_semaphore, #tpu.memory_space<semaphore_mem>>)
    %dma_start3A_19 = arith.constant 0 : i32
    %dma_start3A_20 = arith.constant 0 : i32
    %dma_start3A_21 = arith.constant 0 : i32
    %dma_start3A_22 = arith.constant 0 : i32
    %dma_start3A_23 = tpu.memref_slice %arg8[%dma_start3A_20, %dma_start3A_21, %dma_start3A_22] : memref<3x32x1024xf32, #tpu.memory_space<vmem>> -> memref<1x32x1024xf32, #tpu.memory_space<vmem>>
    %dma_start3A_24 = tpu.memref_squeeze %dma_start3A_23 : memref<1x32x1024xf32, #tpu.memory_space<vmem>> -> memref<32x1024xf32, #tpu.memory_space<vmem>>
    %dma_start3A_25 = arith.constant 0 : i32
    %dma_start3A_26 = tpu.memref_slice %arg6[%dma_start3A_19, %dma_start3A_25] : memref<16x32xi32, #tpu.memory_space<vmem>> -> memref<1x32xi32, #tpu.memory_space<vmem>>
    %dma_start3A_27 = tpu.memref_squeeze %dma_start3A_26 : memref<1x32xi32, #tpu.memory_space<vmem>> -> memref<32xi32, #tpu.memory_space<vmem>>
    %dma_start3A_28 = arith.constant 0 : i32
    %dma_start3A_29 = arith.constant 0 : i32
    %dma_start3A_30 = tpu.memref_slice %arg3[%dma_start3A_28, %dma_start3A_29] : memref<100000x1024xf32, #tpu.memory_space<hbm>> -> memref<100000x1024xf32, #tpu.memory_space<hbm>>
    tpu.enqueue_indirect_dma source(%dma_start3A_30 : memref<100000x1024xf32, #tpu.memory_space<hbm>>) target(%dma_start3A_24 : memref<32x1024xf32, #tpu.memory_space<vmem>>) offsets(%dma_start3A_27 : memref<32xi32, #tpu.memory_space<vmem>>) semaphore(%arg9 : memref<!tpu.dma_semaphore, #tpu.memory_space<semaphore_mem>>)
    %add3A_31 = arith.constant 8 : i32
    %add3A_32 = arith.addi %mul3A_2, %add3A_31 : i32
    %dma_start3A_33 = arith.constant 1 : i32
    %dma_start3A_34 = arith.constant 0 : i32
    %dma_start3A_35 = arith.constant 0 : i32
    %dma_start3A_36 = tpu.memref_slice %arg7[%dma_start3A_33, %dma_start3A_34, %dma_start3A_35] : memref<3x8x1024xf32, #tpu.memory_space<vmem>> -> memref<1x8x1024xf32, #tpu.memory_space<vmem>>
    %dma_start3A_37 = tpu.memref_squeeze %dma_start3A_36 : memref<1x8x1024xf32, #tpu.memory_space<vmem>> -> memref<8x1024xf32, #tpu.memory_space<vmem>>
    %dma_start3A_38 = arith.constant 0 : i32
    %dma_start3A_39 = tpu.memref_slice %arg4[%add3A_32, %dma_start3A_38] : memref<4096x1024xf32, #tpu.memory_space<hbm>> -> memref<8x1024xf32, #tpu.memory_space<hbm>>
    %dma_start3A_40 = arith.constant 0 : i32
    %dma_start3A_41 = arith.constant 0 : i32
    %dma_start3A_42 = tpu.memref_slice %arg7[%dma_start3A_33, %dma_start3A_40, %dma_start3A_41] : memref<3x8x1024xf32, #tpu.memory_space<vmem>> -> memref<1x8x1024xf32, #tpu.memory_space<vmem>>
    %dma_start3A_43 = tpu.memref_squeeze %dma_start3A_42 : memref<1x8x1024xf32, #tpu.memory_space<vmem>> -> memref<8x1024xf32, #tpu.memory_space<vmem>>
    %dma_start3A_44 = arith.constant 0 : i32
    %dma_start3A_45 = tpu.memref_slice %arg4[%add3A_32, %dma_start3A_44] : memref<4096x1024xf32, #tpu.memory_space<hbm>> -> memref<8x1024xf32, #tpu.memory_space<hbm>>
    tpu.enqueue_dma source(%dma_start3A_45 : memref<8x1024xf32, #tpu.memory_space<hbm>>) target(%dma_start3A_43 : memref<8x1024xf32, #tpu.memory_space<vmem>>) target_semaphore(%arg10 : memref<!tpu.dma_semaphore, #tpu.memory_space<semaphore_mem>>)
    %dma_start3A_46 = arith.constant 1 : i32
    %dma_start3A_47 = arith.constant 1 : i32
    %dma_start3A_48 = arith.constant 0 : i32
    %dma_start3A_49 = arith.constant 0 : i32
    %dma_start3A_50 = tpu.memref_slice %arg8[%dma_start3A_47, %dma_start3A_48, %dma_start3A_49] : memref<3x32x1024xf32, #tpu.memory_space<vmem>> -> memref<1x32x1024xf32, #tpu.memory_space<vmem>>
    %dma_start3A_51 = tpu.memref_squeeze %dma_start3A_50 : memref<1x32x1024xf32, #tpu.memory_space<vmem>> -> memref<32x1024xf32, #tpu.memory_space<vmem>>
    %dma_start3A_52 = arith.constant 0 : i32
    %dma_start3A_53 = tpu.memref_slice %arg6[%dma_start3A_46, %dma_start3A_52] : memref<16x32xi32, #tpu.memory_space<vmem>> -> memref<1x32xi32, #tpu.memory_space<vmem>>
    %dma_start3A_54 = tpu.memref_squeeze %dma_start3A_53 : memref<1x32xi32, #tpu.memory_space<vmem>> -> memref<32xi32, #tpu.memory_space<vmem>>
    %dma_start3A_55 = arith.constant 0 : i32
    %dma_start3A_56 = arith.constant 0 : i32
    %dma_start3A_57 = tpu.memref_slice %arg3[%dma_start3A_55, %dma_start3A_56] : memref<100000x1024xf32, #tpu.memory_space<hbm>> -> memref<100000x1024xf32, #tpu.memory_space<hbm>>
    tpu.enqueue_indirect_dma source(%dma_start3A_57 : memref<100000x1024xf32, #tpu.memory_space<hbm>>) target(%dma_start3A_51 : memref<32x1024xf32, #tpu.memory_space<vmem>>) offsets(%dma_start3A_54 : memref<32xi32, #tpu.memory_space<vmem>>) semaphore(%arg10 : memref<!tpu.dma_semaphore, #tpu.memory_space<semaphore_mem>>)
    %scan3A = arith.constant 0 : i32
    %scan3A_58 = arith.constant 0 : i32
    %scan3A_59 = arith.constant 6 : i32
    %scan3A_60 = arith.addi %scan3A_58, %scan3A_59 : i32
    %scan3A_61 = arith.constant 1 : i32
    scf.for %scan3A_242 = %scan3A_58 to %scan3A_60 step %scan3A_61  : i32 {
      %mul3A_243 = arith.constant 3 : i32
      %mul3A_244 = arith.muli %scan3A_242, %mul3A_243 : i32
      %add3A_245 = arith.constant 0 : i32
      %add3A_246 = arith.addi %mul3A_244, %add3A_245 : i32
      %lt3A = arith.constant 5 : i32
      %lt3A_247 = arith.cmpi slt, %scan3A_242, %lt3A : i32
      %convert_element_type3A = arith.extui %lt3A_247 : i1 to i32
      %cond3A = arith.constant 0 : i32
      %cond3A_248 = arith.cmpi ne, %convert_element_type3A, %cond3A : i32
      scf.if %cond3A_248 {
        %gt3A = arith.constant 0 : i32
        %gt3A_289 = arith.cmpi sgt, %scan3A_242, %gt3A : i32
        %convert_element_type3A_290 = arith.extui %gt3A_289 : i1 to i32
        %cond3A_291 = arith.constant 0 : i32
        %cond3A_292 = arith.cmpi ne, %convert_element_type3A_290, %cond3A_291 : i32
        scf.if %cond3A_292 {
          %dma_wait3A_324 = arith.constant 2 : i32
          %dma_wait3A_325 = arith.constant 0 : i32
          %dma_wait3A_326 = arith.constant 0 : i32
          %dma_wait3A_327 = tpu.memref_slice %arg7[%dma_wait3A_324, %dma_wait3A_325, %dma_wait3A_326] : memref<3x8x1024xf32, #tpu.memory_space<vmem>> -> memref<1x8x1024xf32, #tpu.memory_space<vmem>>
          %dma_wait3A_328 = tpu.memref_squeeze %dma_wait3A_327 : memref<1x8x1024xf32, #tpu.memory_space<vmem>> -> memref<8x1024xf32, #tpu.memory_space<vmem>>
          %dma_wait3A_329 = arith.constant 0 : i32
          %dma_wait3A_330 = arith.constant 0 : i32
          %dma_wait3A_331 = tpu.memref_slice %arg4[%dma_wait3A_329, %dma_wait3A_330] : memref<4096x1024xf32, #tpu.memory_space<hbm>> -> memref<8x1024xf32, #tpu.memory_space<hbm>>
          %dma_wait3A_332 = arith.constant 0 : i32
          %dma_wait3A_333 = arith.constant 0 : i32
          %dma_wait3A_334 = tpu.memref_slice %arg7[%dma_wait3A_324, %dma_wait3A_332, %dma_wait3A_333] : memref<3x8x1024xf32, #tpu.memory_space<vmem>> -> memref<1x8x1024xf32, #tpu.memory_space<vmem>>
          %dma_wait3A_335 = tpu.memref_squeeze %dma_wait3A_334 : memref<1x8x1024xf32, #tpu.memory_space<vmem>> -> memref<8x1024xf32, #tpu.memory_space<vmem>>
          %dma_wait3A_336 = arith.constant 0 : i32
          %dma_wait3A_337 = arith.constant 0 : i32
          %dma_wait3A_338 = tpu.memref_slice %arg4[%dma_wait3A_336, %dma_wait3A_337] : memref<4096x1024xf32, #tpu.memory_space<hbm>> -> memref<8x1024xf32, #tpu.memory_space<hbm>>
          tpu.wait_dma2 semaphore(%arg14 : memref<!tpu.dma_semaphore, #tpu.memory_space<semaphore_mem>>) src(%dma_wait3A_338 : memref<8x1024xf32, #tpu.memory_space<hbm>>) dst(%dma_wait3A_335 : memref<8x1024xf32, #tpu.memory_space<vmem>>)
          %dma_wait3A_339 = arith.constant 2 : i32
          %dma_wait3A_340 = arith.constant 0 : i32
          %dma_wait3A_341 = arith.constant 0 : i32
          %dma_wait3A_342 = tpu.memref_slice %arg7[%dma_wait3A_339, %dma_wait3A_340, %dma_wait3A_341] : memref<3x8x1024xf32, #tpu.memory_space<vmem>> -> memref<1x8x1024xf32, #tpu.memory_space<vmem>>
          %dma_wait3A_343 = tpu.memref_squeeze %dma_wait3A_342 : memref<1x8x1024xf32, #tpu.memory_space<vmem>> -> memref<8x1024xf32, #tpu.memory_space<vmem>>
          %dma_wait3A_344 = arith.constant 0 : i32
          %dma_wait3A_345 = arith.constant 0 : i32
          %dma_wait3A_346 = tpu.memref_slice %arg4[%dma_wait3A_344, %dma_wait3A_345] : memref<4096x1024xf32, #tpu.memory_space<hbm>> -> memref<8x1024xf32, #tpu.memory_space<hbm>>
          %dma_wait3A_347 = arith.constant 0 : i32
          %dma_wait3A_348 = arith.constant 0 : i32
          %dma_wait3A_349 = tpu.memref_slice %arg7[%dma_wait3A_339, %dma_wait3A_347, %dma_wait3A_348] : memref<3x8x1024xf32, #tpu.memory_space<vmem>> -> memref<1x8x1024xf32, #tpu.memory_space<vmem>>
          %dma_wait3A_350 = tpu.memref_squeeze %dma_wait3A_349 : memref<1x8x1024xf32, #tpu.memory_space<vmem>> -> memref<8x1024xf32, #tpu.memory_space<vmem>>
          %dma_wait3A_351 = arith.constant 0 : i32
          %dma_wait3A_352 = arith.constant 0 : i32
          %dma_wait3A_353 = tpu.memref_slice %arg4[%dma_wait3A_351, %dma_wait3A_352] : memref<4096x1024xf32, #tpu.memory_space<hbm>> -> memref<8x1024xf32, #tpu.memory_space<hbm>>
          tpu.wait_dma2 semaphore(%arg14 : memref<!tpu.dma_semaphore, #tpu.memory_space<semaphore_mem>>) src(%dma_wait3A_353 : memref<8x1024xf32, #tpu.memory_space<hbm>>) dst(%dma_wait3A_350 : memref<8x1024xf32, #tpu.memory_space<vmem>>)
          %dma_wait3A_354 = arith.constant 2 : i32
          %dma_wait3A_355 = arith.constant 0 : i32
          %dma_wait3A_356 = arith.constant 0 : i32
          %dma_wait3A_357 = tpu.memref_slice %arg7[%dma_wait3A_354, %dma_wait3A_355, %dma_wait3A_356] : memref<3x8x1024xf32, #tpu.memory_space<vmem>> -> memref<1x8x1024xf32, #tpu.memory_space<vmem>>
          %dma_wait3A_358 = tpu.memref_squeeze %dma_wait3A_357 : memref<1x8x1024xf32, #tpu.memory_space<vmem>> -> memref<8x1024xf32, #tpu.memory_space<vmem>>
          %dma_wait3A_359 = arith.constant 0 : i32
          %dma_wait3A_360 = arith.constant 0 : i32
          %dma_wait3A_361 = tpu.memref_slice %arg4[%dma_wait3A_359, %dma_wait3A_360] : memref<4096x1024xf32, #tpu.memory_space<hbm>> -> memref<8x1024xf32, #tpu.memory_space<hbm>>
          %dma_wait3A_362 = arith.constant 0 : i32
          %dma_wait3A_363 = arith.constant 0 : i32
          %dma_wait3A_364 = tpu.memref_slice %arg7[%dma_wait3A_354, %dma_wait3A_362, %dma_wait3A_363] : memref<3x8x1024xf32, #tpu.memory_space<vmem>> -> memref<1x8x1024xf32, #tpu.memory_space<vmem>>
          %dma_wait3A_365 = tpu.memref_squeeze %dma_wait3A_364 : memref<1x8x1024xf32, #tpu.memory_space<vmem>> -> memref<8x1024xf32, #tpu.memory_space<vmem>>
          %dma_wait3A_366 = arith.constant 0 : i32
          %dma_wait3A_367 = arith.constant 0 : i32
          %dma_wait3A_368 = tpu.memref_slice %arg4[%dma_wait3A_366, %dma_wait3A_367] : memref<4096x1024xf32, #tpu.memory_space<hbm>> -> memref<8x1024xf32, #tpu.memory_space<hbm>>
          tpu.wait_dma2 semaphore(%arg14 : memref<!tpu.dma_semaphore, #tpu.memory_space<semaphore_mem>>) src(%dma_wait3A_368 : memref<8x1024xf32, #tpu.memory_space<hbm>>) dst(%dma_wait3A_365 : memref<8x1024xf32, #tpu.memory_space<vmem>>)
          %dma_wait3A_369 = arith.constant 2 : i32
          %dma_wait3A_370 = arith.constant 0 : i32
          %dma_wait3A_371 = arith.constant 0 : i32
          %dma_wait3A_372 = tpu.memref_slice %arg7[%dma_wait3A_369, %dma_wait3A_370, %dma_wait3A_371] : memref<3x8x1024xf32, #tpu.memory_space<vmem>> -> memref<1x8x1024xf32, #tpu.memory_space<vmem>>
          %dma_wait3A_373 = tpu.memref_squeeze %dma_wait3A_372 : memref<1x8x1024xf32, #tpu.memory_space<vmem>> -> memref<8x1024xf32, #tpu.memory_space<vmem>>
          %dma_wait3A_374 = arith.constant 0 : i32
          %dma_wait3A_375 = arith.constant 0 : i32
          %dma_wait3A_376 = tpu.memref_slice %arg4[%dma_wait3A_374, %dma_wait3A_375] : memref<4096x1024xf32, #tpu.memory_space<hbm>> -> memref<8x1024xf32, #tpu.memory_space<hbm>>
          %dma_wait3A_377 = arith.constant 0 : i32
          %dma_wait3A_378 = arith.constant 0 : i32
          %dma_wait3A_379 = tpu.memref_slice %arg7[%dma_wait3A_369, %dma_wait3A_377, %dma_wait3A_378] : memref<3x8x1024xf32, #tpu.memory_space<vmem>> -> memref<1x8x1024xf32, #tpu.memory_space<vmem>>
          %dma_wait3A_380 = tpu.memref_squeeze %dma_wait3A_379 : memref<1x8x1024xf32, #tpu.memory_space<vmem>> -> memref<8x1024xf32, #tpu.memory_space<vmem>>
          %dma_wait3A_381 = arith.constant 0 : i32
          %dma_wait3A_382 = arith.constant 0 : i32
          %dma_wait3A_383 = tpu.memref_slice %arg4[%dma_wait3A_381, %dma_wait3A_382] : memref<4096x1024xf32, #tpu.memory_space<hbm>> -> memref<8x1024xf32, #tpu.memory_space<hbm>>
          tpu.wait_dma2 semaphore(%arg14 : memref<!tpu.dma_semaphore, #tpu.memory_space<semaphore_mem>>) src(%dma_wait3A_383 : memref<8x1024xf32, #tpu.memory_space<hbm>>) dst(%dma_wait3A_380 : memref<8x1024xf32, #tpu.memory_space<vmem>>)
        } else {
        }
        %add3A_293 = arith.constant 3 : i32
        %add3A_294 = arith.addi %add3A_246, %add3A_293 : i32
        %sub3A_295 = arith.constant 1 : i32
        %sub3A_296 = arith.subi %add3A_294, %sub3A_295 : i32
        %mul3A_297 = arith.constant 8 : i32
        %mul3A_298 = arith.muli %sub3A_296, %mul3A_297 : i32
        %add3A_299 = arith.addi %mul3A_2, %mul3A_298 : i32
        %dma_start3A_300 = arith.constant 2 : i32
        %dma_start3A_301 = arith.constant 0 : i32
        %dma_start3A_302 = arith.constant 0 : i32
        %dma_start3A_303 = tpu.memref_slice %arg7[%dma_start3A_300, %dma_start3A_301, %dma_start3A_302] : memref<3x8x1024xf32, #tpu.memory_space<vmem>> -> memref<1x8x1024xf32, #tpu.memory_space<vmem>>
        %dma_start3A_304 = tpu.memref_squeeze %dma_start3A_303 : memref<1x8x1024xf32, #tpu.memory_space<vmem>> -> memref<8x1024xf32, #tpu.memory_space<vmem>>
        %dma_start3A_305 = arith.constant 0 : i32
        %dma_start3A_306 = tpu.memref_slice %arg4[%add3A_299, %dma_start3A_305] : memref<4096x1024xf32, #tpu.memory_space<hbm>> -> memref<8x1024xf32, #tpu.memory_space<hbm>>
        %dma_start3A_307 = arith.constant 0 : i32
        %dma_start3A_308 = arith.constant 0 : i32
        %dma_start3A_309 = tpu.memref_slice %arg7[%dma_start3A_300, %dma_start3A_307, %dma_start3A_308] : memref<3x8x1024xf32, #tpu.memory_space<vmem>> -> memref<1x8x1024xf32, #tpu.memory_space<vmem>>
        %dma_start3A_310 = tpu.memref_squeeze %dma_start3A_309 : memref<1x8x1024xf32, #tpu.memory_space<vmem>> -> memref<8x1024xf32, #tpu.memory_space<vmem>>
        %dma_start3A_311 = arith.constant 0 : i32
        %dma_start3A_312 = tpu.memref_slice %arg4[%add3A_299, %dma_start3A_311] : memref<4096x1024xf32, #tpu.memory_space<hbm>> -> memref<8x1024xf32, #tpu.memory_space<hbm>>
        tpu.enqueue_dma source(%dma_start3A_312 : memref<8x1024xf32, #tpu.memory_space<hbm>>) target(%dma_start3A_310 : memref<8x1024xf32, #tpu.memory_space<vmem>>) target_semaphore(%arg11 : memref<!tpu.dma_semaphore, #tpu.memory_space<semaphore_mem>>)
        %dma_start3A_313 = arith.constant 2 : i32
        %dma_start3A_314 = arith.constant 0 : i32
        %dma_start3A_315 = arith.constant 0 : i32
        %dma_start3A_316 = tpu.memref_slice %arg8[%dma_start3A_313, %dma_start3A_314, %dma_start3A_315] : memref<3x32x1024xf32, #tpu.memory_space<vmem>> -> memref<1x32x1024xf32, #tpu.memory_space<vmem>>
        %dma_start3A_317 = tpu.memref_squeeze %dma_start3A_316 : memref<1x32x1024xf32, #tpu.memory_space<vmem>> -> memref<32x1024xf32, #tpu.memory_space<vmem>>
        %dma_start3A_318 = arith.constant 0 : i32
        %dma_start3A_319 = tpu.memref_slice %arg6[%sub3A_296, %dma_start3A_318] : memref<16x32xi32, #tpu.memory_space<vmem>> -> memref<1x32xi32, #tpu.memory_space<vmem>>
        %dma_start3A_320 = tpu.memref_squeeze %dma_start3A_319 : memref<1x32xi32, #tpu.memory_space<vmem>> -> memref<32xi32, #tpu.memory_space<vmem>>
        %dma_start3A_321 = arith.constant 0 : i32
        %dma_start3A_322 = arith.constant 0 : i32
        %dma_start3A_323 = tpu.memref_slice %arg3[%dma_start3A_321, %dma_start3A_322] : memref<100000x1024xf32, #tpu.memory_space<hbm>> -> memref<100000x1024xf32, #tpu.memory_space<hbm>>
        tpu.enqueue_indirect_dma source(%dma_start3A_323 : memref<100000x1024xf32, #tpu.memory_space<hbm>>) target(%dma_start3A_317 : memref<32x1024xf32, #tpu.memory_space<vmem>>) offsets(%dma_start3A_320 : memref<32xi32, #tpu.memory_space<vmem>>) semaphore(%arg11 : memref<!tpu.dma_semaphore, #tpu.memory_space<semaphore_mem>>)
      } else {
      }
      %lt3A_249 = arith.constant 16 : i32
      %lt3A_250 = arith.cmpi slt, %add3A_246, %lt3A_249 : i32
      %convert_element_type3A_251 = arith.extui %lt3A_250 : i1 to i32
      %cond3A_252 = arith.constant 0 : i32
      %cond3A_253 = arith.cmpi ne, %convert_element_type3A_251, %cond3A_252 : i32
      scf.if %cond3A_253 {
        %dma_wait3A_289 = arith.constant 0 : i32
        %dma_wait3A_290 = arith.constant 0 : i32
        %dma_wait3A_291 = arith.constant 0 : i32
        %dma_wait3A_292 = tpu.memref_slice %arg7[%dma_wait3A_289, %dma_wait3A_290, %dma_wait3A_291] : memref<3x8x1024xf32, #tpu.memory_space<vmem>> -> memref<1x8x1024xf32, #tpu.memory_space<vmem>>
        %dma_wait3A_293 = tpu.memref_squeeze %dma_wait3A_292 : memref<1x8x1024xf32, #tpu.memory_space<vmem>> -> memref<8x1024xf32, #tpu.memory_space<vmem>>
        %dma_wait3A_294 = arith.constant 0 : i32
        %dma_wait3A_295 = arith.constant 0 : i32
        %dma_wait3A_296 = tpu.memref_slice %arg4[%dma_wait3A_294, %dma_wait3A_295] : memref<4096x1024xf32, #tpu.memory_space<hbm>> -> memref<8x1024xf32, #tpu.memory_space<hbm>>
        %dma_wait3A_297 = arith.constant 0 : i32
        %dma_wait3A_298 = arith.constant 0 : i32
        %dma_wait3A_299 = tpu.memref_slice %arg7[%dma_wait3A_289, %dma_wait3A_297, %dma_wait3A_298] : memref<3x8x1024xf32, #tpu.memory_space<vmem>> -> memref<1x8x1024xf32, #tpu.memory_space<vmem>>
        %dma_wait3A_300 = tpu.memref_squeeze %dma_wait3A_299 : memref<1x8x1024xf32, #tpu.memory_space<vmem>> -> memref<8x1024xf32, #tpu.memory_space<vmem>>
        %dma_wait3A_301 = arith.constant 0 : i32
        %dma_wait3A_302 = arith.constant 0 : i32
        %dma_wait3A_303 = tpu.memref_slice %arg4[%dma_wait3A_301, %dma_wait3A_302] : memref<4096x1024xf32, #tpu.memory_space<hbm>> -> memref<8x1024xf32, #tpu.memory_space<hbm>>
        tpu.wait_dma2 semaphore(%arg9 : memref<!tpu.dma_semaphore, #tpu.memory_space<semaphore_mem>>) src(%dma_wait3A_303 : memref<8x1024xf32, #tpu.memory_space<hbm>>) dst(%dma_wait3A_300 : memref<8x1024xf32, #tpu.memory_space<vmem>>)
        %dma_wait3A_304 = arith.constant 0 : i32
        %dma_wait3A_305 = arith.constant 0 : i32
        %dma_wait3A_306 = arith.constant 0 : i32
        %dma_wait3A_307 = tpu.memref_slice %arg8[%dma_wait3A_304, %dma_wait3A_305, %dma_wait3A_306] : memref<3x32x1024xf32, #tpu.memory_space<vmem>> -> memref<1x32x1024xf32, #tpu.memory_space<vmem>>
        %dma_wait3A_308 = tpu.memref_squeeze %dma_wait3A_307 : memref<1x32x1024xf32, #tpu.memory_space<vmem>> -> memref<32x1024xf32, #tpu.memory_space<vmem>>
        %dma_wait3A_309 = arith.constant 0 : i32
        %dma_wait3A_310 = arith.constant 0 : i32
        %dma_wait3A_311 = tpu.memref_slice %arg3[%dma_wait3A_309, %dma_wait3A_310] : memref<100000x1024xf32, #tpu.memory_space<hbm>> -> memref<32x1024xf32, #tpu.memory_space<hbm>>
        %dma_wait3A_312 = arith.constant 0 : i32
        %dma_wait3A_313 = arith.constant 0 : i32
        %dma_wait3A_314 = tpu.memref_slice %arg8[%dma_wait3A_304, %dma_wait3A_312, %dma_wait3A_313] : memref<3x32x1024xf32, #tpu.memory_space<vmem>> -> memref<1x32x1024xf32, #tpu.memory_space<vmem>>
        %dma_wait3A_315 = tpu.memref_squeeze %dma_wait3A_314 : memref<1x32x1024xf32, #tpu.memory_space<vmem>> -> memref<32x1024xf32, #tpu.memory_space<vmem>>
        %dma_wait3A_316 = arith.constant 0 : i32
        %dma_wait3A_317 = arith.constant 0 : i32
        %dma_wait3A_318 = tpu.memref_slice %arg3[%dma_wait3A_316, %dma_wait3A_317] : memref<100000x1024xf32, #tpu.memory_space<hbm>> -> memref<32x1024xf32, #tpu.memory_space<hbm>>
        tpu.wait_dma2 semaphore(%arg9 : memref<!tpu.dma_semaphore, #tpu.memory_space<semaphore_mem>>) src(%dma_wait3A_318 : memref<32x1024xf32, #tpu.memory_space<hbm>>) dst(%dma_wait3A_315 : memref<32x1024xf32, #tpu.memory_space<vmem>>)
        %parallel_loop3A = arith.constant 0 : i32
        %parallel_loop3A_319 = arith.constant 512 : i32
        %parallel_loop3A_320 = arith.constant 1 : i32
        scf.for %parallel_loop3A_388 = %parallel_loop3A to %parallel_loop3A_319 step %parallel_loop3A_320  : i32 {
          %parallel_loop3A_389 = arith.constant 6 : i32
          %parallel_loop3A_390 = arith.shrsi %parallel_loop3A_388, %parallel_loop3A_389 : i32
          %parallel_loop3A_391 = arith.constant 63 : i32
          %parallel_loop3A_392 = arith.andi %parallel_loop3A_388, %parallel_loop3A_391 : i32
          %parallel_loop3A_393 = arith.constant 16 : i32
          %parallel_loop3A_394 = arith.muli %parallel_loop3A_392, %parallel_loop3A_393 : i32
          %parallel_loop3A_395 = arith.constant 0 : i32
          %parallel_loop3A_396 = arith.index_cast %parallel_loop3A_395 : i32 to index
          %parallel_loop3A_397 = arith.index_cast %parallel_loop3A_390 : i32 to index
          %parallel_loop3A_398 = arith.index_cast %parallel_loop3A_394 : i32 to index
          %parallel_loop3A_399 = tpu.vector_load %arg7[%parallel_loop3A_396, %parallel_loop3A_397, %parallel_loop3A_398] {strides = array<i32>} : memref<3x8x1024xf32, #tpu.memory_space<vmem>>, vector<1x1x16xf32>,
          %parallel_loop3A_400 = vector.shape_cast %parallel_loop3A_399 : vector<1x1x16xf32> to vector<16xf32>
          %parallel_loop3A_401 = arith.constant 0 : i32
          %parallel_loop3A_402 = arith.addi %parallel_loop3A_401, %parallel_loop3A_390 : i32
          %parallel_loop3A_403 = arith.constant 0 : i32
          %parallel_loop3A_404 = arith.index_cast %parallel_loop3A_403 : i32 to index
          %parallel_loop3A_405 = arith.index_cast %parallel_loop3A_402 : i32 to index
          %parallel_loop3A_406 = arith.index_cast %parallel_loop3A_394 : i32 to index
          %parallel_loop3A_407 = tpu.vector_load %arg8[%parallel_loop3A_404, %parallel_loop3A_405, %parallel_loop3A_406] {strides = array<i32>} : memref<3x32x1024xf32, #tpu.memory_space<vmem>>, vector<1x1x16xf32>,
          %parallel_loop3A_408 = vector.shape_cast %parallel_loop3A_407 : vector<1x1x16xf32> to vector<16xf32>
          %parallel_loop3A_409 = arith.addf %parallel_loop3A_408, %parallel_loop3A_400 : vector<16xf32>
          %parallel_loop3A_410 = arith.constant 0 : i32
          %parallel_loop3A_411 = arith.index_cast %parallel_loop3A_410 : i32 to index
          %parallel_loop3A_412 = arith.index_cast %parallel_loop3A_402 : i32 to index
          %parallel_loop3A_413 = arith.index_cast %parallel_loop3A_394 : i32 to index
          %parallel_loop3A_414 = tpu.vector_load %arg8[%parallel_loop3A_411, %parallel_loop3A_412, %parallel_loop3A_413] {strides = array<i32>} : memref<3x32x1024xf32, #tpu.memory_space<vmem>>, vector<1x1x16xf32>,
          %parallel_loop3A_415 = vector.shape_cast %parallel_loop3A_414 : vector<1x1x16xf32> to vector<16xf32>
          %parallel_loop3A_416 = vector.shape_cast %parallel_loop3A_409 : vector<16xf32> to vector<1x1x16xf32>
          tpu.vector_store %arg8[%parallel_loop3A_411, %parallel_loop3A_412, %parallel_loop3A_413], %parallel_loop3A_416 {strides = array<i32>} : memref<3x32x1024xf32, #tpu.memory_space<vmem>>, vector<1x1x16xf32>,
          %parallel_loop3A_417 = arith.constant 8 : i32
          %parallel_loop3A_418 = arith.addi %parallel_loop3A_417, %parallel_loop3A_390 : i32
          %parallel_loop3A_419 = arith.constant 0 : i32
          %parallel_loop3A_420 = arith.index_cast %parallel_loop3A_419 : i32 to index
          %parallel_loop3A_421 = arith.index_cast %parallel_loop3A_418 : i32 to index
          %parallel_loop3A_422 = arith.index_cast %parallel_loop3A_394 : i32 to index
          %parallel_loop3A_423 = tpu.vector_load %arg8[%parallel_loop3A_420, %parallel_loop3A_421, %parallel_loop3A_422] {strides = array<i32>} : memref<3x32x1024xf32, #tpu.memory_space<vmem>>, vector<1x1x16xf32>,
          %parallel_loop3A_424 = vector.shape_cast %parallel_loop3A_423 : vector<1x1x16xf32> to vector<16xf32>
          %parallel_loop3A_425 = arith.addf %parallel_loop3A_424, %parallel_loop3A_400 : vector<16xf32>
          %parallel_loop3A_426 = arith.constant 0 : i32
          %parallel_loop3A_427 = arith.index_cast %parallel_loop3A_426 : i32 to index
          %parallel_loop3A_428 = arith.index_cast %parallel_loop3A_418 : i32 to index
          %parallel_loop3A_429 = arith.index_cast %parallel_loop3A_394 : i32 to index
          %parallel_loop3A_430 = tpu.vector_load %arg8[%parallel_loop3A_427, %parallel_loop3A_428, %parallel_loop3A_429] {strides = array<i32>} : memref<3x32x1024xf32, #tpu.memory_space<vmem>>, vector<1x1x16xf32>,
          %parallel_loop3A_431 = vector.shape_cast %parallel_loop3A_430 : vector<1x1x16xf32> to vector<16xf32>
          %parallel_loop3A_432 = vector.shape_cast %parallel_loop3A_425 : vector<16xf32> to vector<1x1x16xf32>
          tpu.vector_store %arg8[%parallel_loop3A_427, %parallel_loop3A_428, %parallel_loop3A_429], %parallel_loop3A_432 {strides = array<i32>} : memref<3x32x1024xf32, #tpu.memory_space<vmem>>, vector<1x1x16xf32>,
          %parallel_loop3A_433 = arith.constant 16 : i32
          %parallel_loop3A_434 = arith.addi %parallel_loop3A_433, %parallel_loop3A_390 : i32
          %parallel_loop3A_435 = arith.constant 0 : i32
          %parallel_loop3A_436 = arith.index_cast %parallel_loop3A_435 : i32 to index
          %parallel_loop3A_437 = arith.index_cast %parallel_loop3A_434 : i32 to index
          %parallel_loop3A_438 = arith.index_cast %parallel_loop3A_394 : i32 to index
          %parallel_loop3A_439 = tpu.vector_load %arg8[%parallel_loop3A_436, %parallel_loop3A_437, %parallel_loop3A_438] {strides = array<i32>} : memref<3x32x1024xf32, #tpu.memory_space<vmem>>, vector<1x1x16xf32>,
          %parallel_loop3A_440 = vector.shape_cast %parallel_loop3A_439 : vector<1x1x16xf32> to vector<16xf32>
          %parallel_loop3A_441 = arith.addf %parallel_loop3A_440, %parallel_loop3A_400 : vector<16xf32>
          %parallel_loop3A_442 = arith.constant 0 : i32
          %parallel_loop3A_443 = arith.index_cast %parallel_loop3A_442 : i32 to index
          %parallel_loop3A_444 = arith.index_cast %parallel_loop3A_434 : i32 to index
          %parallel_loop3A_445 = arith.index_cast %parallel_loop3A_394 : i32 to index
          %parallel_loop3A_446 = tpu.vector_load %arg8[%parallel_loop3A_443, %parallel_loop3A_444, %parallel_loop3A_445] {strides = array<i32>} : memref<3x32x1024xf32, #tpu.memory_space<vmem>>, vector<1x1x16xf32>,
          %parallel_loop3A_447 = vector.shape_cast %parallel_loop3A_446 : vector<1x1x16xf32> to vector<16xf32>
          %parallel_loop3A_448 = vector.shape_cast %parallel_loop3A_441 : vector<16xf32> to vector<1x1x16xf32>
          tpu.vector_store %arg8[%parallel_loop3A_443, %parallel_loop3A_444, %parallel_loop3A_445], %parallel_loop3A_448 {strides = array<i32>} : memref<3x32x1024xf32, #tpu.memory_space<vmem>>, vector<1x1x16xf32>,
          %parallel_loop3A_449 = arith.constant 24 : i32
          %parallel_loop3A_450 = arith.addi %parallel_loop3A_449, %parallel_loop3A_390 : i32
          %parallel_loop3A_451 = arith.constant 0 : i32
          %parallel_loop3A_452 = arith.index_cast %parallel_loop3A_451 : i32 to index
          %parallel_loop3A_453 = arith.index_cast %parallel_loop3A_450 : i32 to index
          %parallel_loop3A_454 = arith.index_cast %parallel_loop3A_394 : i32 to index
          %parallel_loop3A_455 = tpu.vector_load %arg8[%parallel_loop3A_452, %parallel_loop3A_453, %parallel_loop3A_454] {strides = array<i32>} : memref<3x32x1024xf32, #tpu.memory_space<vmem>>, vector<1x1x16xf32>,
          %parallel_loop3A_456 = vector.shape_cast %parallel_loop3A_455 : vector<1x1x16xf32> to vector<16xf32>
          %parallel_loop3A_457 = arith.addf %parallel_loop3A_456, %parallel_loop3A_400 : vector<16xf32>
          %parallel_loop3A_458 = arith.constant 0 : i32
          %parallel_loop3A_459 = arith.index_cast %parallel_loop3A_458 : i32 to index
          %parallel_loop3A_460 = arith.index_cast %parallel_loop3A_450 : i32 to index
          %parallel_loop3A_461 = arith.index_cast %parallel_loop3A_394 : i32 to index
          %parallel_loop3A_462 = tpu.vector_load %arg8[%parallel_loop3A_459, %parallel_loop3A_460, %parallel_loop3A_461] {strides = array<i32>} : memref<3x32x1024xf32, #tpu.memory_space<vmem>>, vector<1x1x16xf32>,
          %parallel_loop3A_463 = vector.shape_cast %parallel_loop3A_462 : vector<1x1x16xf32> to vector<16xf32>
          %parallel_loop3A_464 = vector.shape_cast %parallel_loop3A_457 : vector<16xf32> to vector<1x1x16xf32>
          tpu.vector_store %arg8[%parallel_loop3A_459, %parallel_loop3A_460, %parallel_loop3A_461], %parallel_loop3A_464 {strides = array<i32>} : memref<3x32x1024xf32, #tpu.memory_space<vmem>>, vector<1x1x16xf32>,
        } {sc.loop_unroll_factor = 4 : i64, sc.parallel_access}
        %mul3A_321 = arith.constant 8 : i32
        %mul3A_322 = arith.muli %add3A_246, %mul3A_321 : i32
        %add3A_323 = arith.addi %mul3A_2, %mul3A_322 : i32
        %dma_start3A_324 = arith.constant 0 : i32
        %dma_start3A_325 = arith.constant 0 : i32
        %dma_start3A_326 = arith.constant 0 : i32
        %dma_start3A_327 = arith.constant 0 : i32
        %dma_start3A_328 = tpu.memref_slice %arg8[%dma_start3A_324, %dma_start3A_326, %dma_start3A_327] : memref<3x32x1024xf32, #tpu.memory_space<vmem>> -> memref<1x8x1024xf32, #tpu.memory_space<vmem>>
        %dma_start3A_329 = tpu.memref_squeeze %dma_start3A_328 : memref<1x8x1024xf32, #tpu.memory_space<vmem>> -> memref<8x1024xf32, #tpu.memory_space<vmem>>
        %dma_start3A_330 = arith.constant 0 : i32
        %dma_start3A_331 = tpu.memref_slice %arg5[%dma_start3A_325, %add3A_323, %dma_start3A_330] : memref<4x4096x1024xf32, #tpu.memory_space<hbm>> -> memref<1x8x1024xf32, #tpu.memory_space<hbm>>
        %dma_start3A_332 = tpu.memref_squeeze %dma_start3A_331 : memref<1x8x1024xf32, #tpu.memory_space<hbm>> -> memref<8x1024xf32, #tpu.memory_space<hbm>>
        %dma_start3A_333 = arith.constant 0 : i32
        %dma_start3A_334 = tpu.memref_slice %arg5[%dma_start3A_325, %add3A_323, %dma_start3A_333] : memref<4x4096x1024xf32, #tpu.memory_space<hbm>> -> memref<1x8x1024xf32, #tpu.memory_space<hbm>>
        %dma_start3A_335 = tpu.memref_squeeze %dma_start3A_334 : memref<1x8x1024xf32, #tpu.memory_space<hbm>> -> memref<8x1024xf32, #tpu.memory_space<hbm>>
        %dma_start3A_336 = arith.constant 0 : i32
        %dma_start3A_337 = arith.constant 0 : i32
        %dma_start3A_338 = tpu.memref_slice %arg8[%dma_start3A_324, %dma_start3A_336, %dma_start3A_337] : memref<3x32x1024xf32, #tpu.memory_space<vmem>> -> memref<1x8x1024xf32, #tpu.memory_space<vmem>>
        %dma_start3A_339 = tpu.memref_squeeze %dma_start3A_338 : memref<1x8x1024xf32, #tpu.memory_space<vmem>> -> memref<8x1024xf32, #tpu.memory_space<vmem>>
        tpu.enqueue_dma source(%dma_start3A_339 : memref<8x1024xf32, #tpu.memory_space<vmem>>) target(%dma_start3A_335 : memref<8x1024xf32, #tpu.memory_space<hbm>>) target_semaphore(%arg12 : memref<!tpu.dma_semaphore, #tpu.memory_space<semaphore_mem>>)
        %dma_start3A_340 = arith.constant 0 : i32
        %dma_start3A_341 = arith.constant 1 : i32
        %dma_start3A_342 = arith.constant 8 : i32
        %dma_start3A_343 = arith.constant 0 : i32
        %dma_start3A_344 = tpu.memref_slice %arg8[%dma_start3A_340, %dma_start3A_342, %dma_start3A_343] : memref<3x32x1024xf32, #tpu.memory_space<vmem>> -> memref<1x8x1024xf32, #tpu.memory_space<vmem>>
        %dma_start3A_345 = tpu.memref_squeeze %dma_start3A_344 : memref<1x8x1024xf32, #tpu.memory_space<vmem>> -> memref<8x1024xf32, #tpu.memory_space<vmem>>
        %dma_start3A_346 = arith.constant 0 : i32
        %dma_start3A_347 = tpu.memref_slice %arg5[%dma_start3A_341, %add3A_323, %dma_start3A_346] : memref<4x4096x1024xf32, #tpu.memory_space<hbm>> -> memref<1x8x1024xf32, #tpu.memory_space<hbm>>
        %dma_start3A_348 = tpu.memref_squeeze %dma_start3A_347 : memref<1x8x1024xf32, #tpu.memory_space<hbm>> -> memref<8x1024xf32, #tpu.memory_space<hbm>>
        %dma_start3A_349 = arith.constant 0 : i32
        %dma_start3A_350 = tpu.memref_slice %arg5[%dma_start3A_341, %add3A_323, %dma_start3A_349] : memref<4x4096x1024xf32, #tpu.memory_space<hbm>> -> memref<1x8x1024xf32, #tpu.memory_space<hbm>>
        %dma_start3A_351 = tpu.memref_squeeze %dma_start3A_350 : memref<1x8x1024xf32, #tpu.memory_space<hbm>> -> memref<8x1024xf32, #tpu.memory_space<hbm>>
        %dma_start3A_352 = arith.constant 8 : i32
        %dma_start3A_353 = arith.constant 0 : i32
        %dma_start3A_354 = tpu.memref_slice %arg8[%dma_start3A_340, %dma_start3A_352, %dma_start3A_353] : memref<3x32x1024xf32, #tpu.memory_space<vmem>> -> memref<1x8x1024xf32, #tpu.memory_space<vmem>>
        %dma_start3A_355 = tpu.memref_squeeze %dma_start3A_354 : memref<1x8x1024xf32, #tpu.memory_space<vmem>> -> memref<8x1024xf32, #tpu.memory_space<vmem>>
        tpu.enqueue_dma source(%dma_start3A_355 : memref<8x1024xf32, #tpu.memory_space<vmem>>) target(%dma_start3A_351 : memref<8x1024xf32, #tpu.memory_space<hbm>>) target_semaphore(%arg12 : memref<!tpu.dma_semaphore, #tpu.memory_space<semaphore_mem>>)
        %dma_start3A_356 = arith.constant 0 : i32
        %dma_start3A_357 = arith.constant 2 : i32
        %dma_start3A_358 = arith.constant 16 : i32
        %dma_start3A_359 = arith.constant 0 : i32
        %dma_start3A_360 = tpu.memref_slice %arg8[%dma_start3A_356, %dma_start3A_358, %dma_start3A_359] : memref<3x32x1024xf32, #tpu.memory_space<vmem>> -> memref<1x8x1024xf32, #tpu.memory_space<vmem>>
        %dma_start3A_361 = tpu.memref_squeeze %dma_start3A_360 : memref<1x8x1024xf32, #tpu.memory_space<vmem>> -> memref<8x1024xf32, #tpu.memory_space<vmem>>
        %dma_start3A_362 = arith.constant 0 : i32
        %dma_start3A_363 = tpu.memref_slice %arg5[%dma_start3A_357, %add3A_323, %dma_start3A_362] : memref<4x4096x1024xf32, #tpu.memory_space<hbm>> -> memref<1x8x1024xf32, #tpu.memory_space<hbm>>
        %dma_start3A_364 = tpu.memref_squeeze %dma_start3A_363 : memref<1x8x1024xf32, #tpu.memory_space<hbm>> -> memref<8x1024xf32, #tpu.memory_space<hbm>>
        %dma_start3A_365 = arith.constant 0 : i32
        %dma_start3A_366 = tpu.memref_slice %arg5[%dma_start3A_357, %add3A_323, %dma_start3A_365] : memref<4x4096x1024xf32, #tpu.memory_space<hbm>> -> memref<1x8x1024xf32, #tpu.memory_space<hbm>>
        %dma_start3A_367 = tpu.memref_squeeze %dma_start3A_366 : memref<1x8x1024xf32, #tpu.memory_space<hbm>> -> memref<8x1024xf32, #tpu.memory_space<hbm>>
        %dma_start3A_368 = arith.constant 16 : i32
        %dma_start3A_369 = arith.constant 0 : i32
        %dma_start3A_370 = tpu.memref_slice %arg8[%dma_start3A_356, %dma_start3A_368, %dma_start3A_369] : memref<3x32x1024xf32, #tpu.memory_space<vmem>> -> memref<1x8x1024xf32, #tpu.memory_space<vmem>>
        %dma_start3A_371 = tpu.memref_squeeze %dma_start3A_370 : memref<1x8x1024xf32, #tpu.memory_space<vmem>> -> memref<8x1024xf32, #tpu.memory_space<vmem>>
        tpu.enqueue_dma source(%dma_start3A_371 : memref<8x1024xf32, #tpu.memory_space<vmem>>) target(%dma_start3A_367 : memref<8x1024xf32, #tpu.memory_space<hbm>>) target_semaphore(%arg12 : memref<!tpu.dma_semaphore, #tpu.memory_space<semaphore_mem>>)
        %dma_start3A_372 = arith.constant 0 : i32
        %dma_start3A_373 = arith.constant 3 : i32
        %dma_start3A_374 = arith.constant 24 : i32
        %dma_start3A_375 = arith.constant 0 : i32
        %dma_start3A_376 = tpu.memref_slice %arg8[%dma_start3A_372, %dma_start3A_374, %dma_start3A_375] : memref<3x32x1024xf32, #tpu.memory_space<vmem>> -> memref<1x8x1024xf32, #tpu.memory_space<vmem>>
        %dma_start3A_377 = tpu.memref_squeeze %dma_start3A_376 : memref<1x8x1024xf32, #tpu.memory_space<vmem>> -> memref<8x1024xf32, #tpu.memory_space<vmem>>
        %dma_start3A_378 = arith.constant 0 : i32
        %dma_start3A_379 = tpu.memref_slice %arg5[%dma_start3A_373, %add3A_323, %dma_start3A_378] : memref<4x4096x1024xf32, #tpu.memory_space<hbm>> -> memref<1x8x1024xf32, #tpu.memory_space<hbm>>
        %dma_start3A_380 = tpu.memref_squeeze %dma_start3A_379 : memref<1x8x1024xf32, #tpu.memory_space<hbm>> -> memref<8x1024xf32, #tpu.memory_space<hbm>>
        %dma_start3A_381 = arith.constant 0 : i32
        %dma_start3A_382 = tpu.memref_slice %arg5[%dma_start3A_373, %add3A_323, %dma_start3A_381] : memref<4x4096x1024xf32, #tpu.memory_space<hbm>> -> memref<1x8x1024xf32, #tpu.memory_space<hbm>>
        %dma_start3A_383 = tpu.memref_squeeze %dma_start3A_382 : memref<1x8x1024xf32, #tpu.memory_space<hbm>> -> memref<8x1024xf32, #tpu.memory_space<hbm>>
        %dma_start3A_384 = arith.constant 24 : i32
        %dma_start3A_385 = arith.constant 0 : i32
        %dma_start3A_386 = tpu.memref_slice %arg8[%dma_start3A_372, %dma_start3A_384, %dma_start3A_385] : memref<3x32x1024xf32, #tpu.memory_space<vmem>> -> memref<1x8x1024xf32, #tpu.memory_space<vmem>>
        %dma_start3A_387 = tpu.memref_squeeze %dma_start3A_386 : memref<1x8x1024xf32, #tpu.memory_space<vmem>> -> memref<8x1024xf32, #tpu.memory_space<vmem>>
        tpu.enqueue_dma source(%dma_start3A_387 : memref<8x1024xf32, #tpu.memory_space<vmem>>) target(%dma_start3A_383 : memref<8x1024xf32, #tpu.memory_space<hbm>>) target_semaphore(%arg12 : memref<!tpu.dma_semaphore, #tpu.memory_space<semaphore_mem>>)
      } else {
      }
      %mul3A_254 = arith.constant 3 : i32
      %mul3A_255 = arith.muli %scan3A_242, %mul3A_254 : i32
      %add3A_256 = arith.constant 1 : i32
      %add3A_257 = arith.addi %mul3A_255, %add3A_256 : i32
      %add3A_258 = arith.constant 3 : i32
      %add3A_259 = arith.addi %add3A_257, %add3A_258 : i32
      %sub3A = arith.constant 1 : i32
      %sub3A_260 = arith.subi %add3A_259, %sub3A : i32
      %lt3A_261 = arith.constant 16 : i32
      %lt3A_262 = arith.cmpi slt, %sub3A_260, %lt3A_261 : i32
      %convert_element_type3A_263 = arith.extui %lt3A_262 : i1 to i32
      %cond3A_264 = arith.constant 0 : i32
      %cond3A_265 = arith.cmpi ne, %convert_element_type3A_263, %cond3A_264 : i32
      scf.if %cond3A_265 {
        %dma_wait3A_289 = arith.constant 0 : i32
        %dma_wait3A_290 = arith.constant 0 : i32
        %dma_wait3A_291 = arith.constant 0 : i32
        %dma_wait3A_292 = tpu.memref_slice %arg7[%dma_wait3A_289, %dma_wait3A_290, %dma_wait3A_291] : memref<3x8x1024xf32, #tpu.memory_space<vmem>> -> memref<1x8x1024xf32, #tpu.memory_space<vmem>>
        %dma_wait3A_293 = tpu.memref_squeeze %dma_wait3A_292 : memref<1x8x1024xf32, #tpu.memory_space<vmem>> -> memref<8x1024xf32, #tpu.memory_space<vmem>>
        %dma_wait3A_294 = arith.constant 0 : i32
        %dma_wait3A_295 = arith.constant 0 : i32
        %dma_wait3A_296 = tpu.memref_slice %arg4[%dma_wait3A_294, %dma_wait3A_295] : memref<4096x1024xf32, #tpu.memory_space<hbm>> -> memref<8x1024xf32, #tpu.memory_space<hbm>>
        %dma_wait3A_297 = arith.constant 0 : i32
        %dma_wait3A_298 = arith.constant 0 : i32
        %dma_wait3A_299 = tpu.memref_slice %arg7[%dma_wait3A_289, %dma_wait3A_297, %dma_wait3A_298] : memref<3x8x1024xf32, #tpu.memory_space<vmem>> -> memref<1x8x1024xf32, #tpu.memory_space<vmem>>
        %dma_wait3A_300 = tpu.memref_squeeze %dma_wait3A_299 : memref<1x8x1024xf32, #tpu.memory_space<vmem>> -> memref<8x1024xf32, #tpu.memory_space<vmem>>
        %dma_wait3A_301 = arith.constant 0 : i32
        %dma_wait3A_302 = arith.constant 0 : i32
        %dma_wait3A_303 = tpu.memref_slice %arg4[%dma_wait3A_301, %dma_wait3A_302] : memref<4096x1024xf32, #tpu.memory_space<hbm>> -> memref<8x1024xf32, #tpu.memory_space<hbm>>
        tpu.wait_dma2 semaphore(%arg12 : memref<!tpu.dma_semaphore, #tpu.memory_space<semaphore_mem>>) src(%dma_wait3A_303 : memref<8x1024xf32, #tpu.memory_space<hbm>>) dst(%dma_wait3A_300 : memref<8x1024xf32, #tpu.memory_space<vmem>>)
        %dma_wait3A_304 = arith.constant 0 : i32
        %dma_wait3A_305 = arith.constant 0 : i32
        %dma_wait3A_306 = arith.constant 0 : i32
        %dma_wait3A_307 = tpu.memref_slice %arg7[%dma_wait3A_304, %dma_wait3A_305, %dma_wait3A_306] : memref<3x8x1024xf32, #tpu.memory_space<vmem>> -> memref<1x8x1024xf32, #tpu.memory_space<vmem>>
        %dma_wait3A_308 = tpu.memref_squeeze %dma_wait3A_307 : memref<1x8x1024xf32, #tpu.memory_space<vmem>> -> memref<8x1024xf32, #tpu.memory_space<vmem>>
        %dma_wait3A_309 = arith.constant 0 : i32
        %dma_wait3A_310 = arith.constant 0 : i32
        %dma_wait3A_311 = tpu.memref_slice %arg4[%dma_wait3A_309, %dma_wait3A_310] : memref<4096x1024xf32, #tpu.memory_space<hbm>> -> memref<8x1024xf32, #tpu.memory_space<hbm>>
        %dma_wait3A_312 = arith.constant 0 : i32
        %dma_wait3A_313 = arith.constant 0 : i32
        %dma_wait3A_314 = tpu.memref_slice %arg7[%dma_wait3A_304, %dma_wait3A_312, %dma_wait3A_313] : memref<3x8x1024xf32, #tpu.memory_space<vmem>> -> memref<1x8x1024xf32, #tpu.memory_space<vmem>>
        %dma_wait3A_315 = tpu.memref_squeeze %dma_wait3A_314 : memref<1x8x1024xf32, #tpu.memory_space<vmem>> -> memref<8x1024xf32, #tpu.memory_space<vmem>>
        %dma_wait3A_316 = arith.constant 0 : i32
        %dma_wait3A_317 = arith.constant 0 : i32
        %dma_wait3A_318 = tpu.memref_slice %arg4[%dma_wait3A_316, %dma_wait3A_317] : memref<4096x1024xf32, #tpu.memory_space<hbm>> -> memref<8x1024xf32, #tpu.memory_space<hbm>>
        tpu.wait_dma2 semaphore(%arg12 : memref<!tpu.dma_semaphore, #tpu.memory_space<semaphore_mem>>) src(%dma_wait3A_318 : memref<8x1024xf32, #tpu.memory_space<hbm>>) dst(%dma_wait3A_315 : memref<8x1024xf32, #tpu.memory_space<vmem>>)
        %dma_wait3A_319 = arith.constant 0 : i32
        %dma_wait3A_320 = arith.constant 0 : i32
        %dma_wait3A_321 = arith.constant 0 : i32
        %dma_wait3A_322 = tpu.memref_slice %arg7[%dma_wait3A_319, %dma_wait3A_320, %dma_wait3A_321] : memref<3x8x1024xf32, #tpu.memory_space<vmem>> -> memref<1x8x1024xf32, #tpu.memory_space<vmem>>
        %dma_wait3A_323 = tpu.memref_squeeze %dma_wait3A_322 : memref<1x8x1024xf32, #tpu.memory_space<vmem>> -> memref<8x1024xf32, #tpu.memory_space<vmem>>
        %dma_wait3A_324 = arith.constant 0 : i32
        %dma_wait3A_325 = arith.constant 0 : i32
        %dma_wait3A_326 = tpu.memref_slice %arg4[%dma_wait3A_324, %dma_wait3A_325] : memref<4096x1024xf32, #tpu.memory_space<hbm>> -> memref<8x1024xf32, #tpu.memory_space<hbm>>
        %dma_wait3A_327 = arith.constant 0 : i32
        %dma_wait3A_328 = arith.constant 0 : i32
        %dma_wait3A_329 = tpu.memref_slice %arg7[%dma_wait3A_319, %dma_wait3A_327, %dma_wait3A_328] : memref<3x8x1024xf32, #tpu.memory_space<vmem>> -> memref<1x8x1024xf32, #tpu.memory_space<vmem>>
        %dma_wait3A_330 = tpu.memref_squeeze %dma_wait3A_329 : memref<1x8x1024xf32, #tpu.memory_space<vmem>> -> memref<8x1024xf32, #tpu.memory_space<vmem>>
        %dma_wait3A_331 = arith.constant 0 : i32
        %dma_wait3A_332 = arith.constant 0 : i32
        %dma_wait3A_333 = tpu.memref_slice %arg4[%dma_wait3A_331, %dma_wait3A_332] : memref<4096x1024xf32, #tpu.memory_space<hbm>> -> memref<8x1024xf32, #tpu.memory_space<hbm>>
        tpu.wait_dma2 semaphore(%arg12 : memref<!tpu.dma_semaphore, #tpu.memory_space<semaphore_mem>>) src(%dma_wait3A_333 : memref<8x1024xf32, #tpu.memory_space<hbm>>) dst(%dma_wait3A_330 : memref<8x1024xf32, #tpu.memory_space<vmem>>)
        %dma_wait3A_334 = arith.constant 0 : i32
        %dma_wait3A_335 = arith.constant 0 : i32
        %dma_wait3A_336 = arith.constant 0 : i32
        %dma_wait3A_337 = tpu.memref_slice %arg7[%dma_wait3A_334, %dma_wait3A_335, %dma_wait3A_336] : memref<3x8x1024xf32, #tpu.memory_space<vmem>> -> memref<1x8x1024xf32, #tpu.memory_space<vmem>>
        %dma_wait3A_338 = tpu.memref_squeeze %dma_wait3A_337 : memref<1x8x1024xf32, #tpu.memory_space<vmem>> -> memref<8x1024xf32, #tpu.memory_space<vmem>>
        %dma_wait3A_339 = arith.constant 0 : i32
        %dma_wait3A_340 = arith.constant 0 : i32
        %dma_wait3A_341 = tpu.memref_slice %arg4[%dma_wait3A_339, %dma_wait3A_340] : memref<4096x1024xf32, #tpu.memory_space<hbm>> -> memref<8x1024xf32, #tpu.memory_space<hbm>>
        %dma_wait3A_342 = arith.constant 0 : i32
        %dma_wait3A_343 = arith.constant 0 : i32
        %dma_wait3A_344 = tpu.memref_slice %arg7[%dma_wait3A_334, %dma_wait3A_342, %dma_wait3A_343] : memref<3x8x1024xf32, #tpu.memory_space<vmem>> -> memref<1x8x1024xf32, #tpu.memory_space<vmem>>
        %dma_wait3A_345 = tpu.memref_squeeze %dma_wait3A_344 : memref<1x8x1024xf32, #tpu.memory_space<vmem>> -> memref<8x1024xf32, #tpu.memory_space<vmem>>
        %dma_wait3A_346 = arith.constant 0 : i32
        %dma_wait3A_347 = arith.constant 0 : i32
        %dma_wait3A_348 = tpu.memref_slice %arg4[%dma_wait3A_346, %dma_wait3A_347] : memref<4096x1024xf32, #tpu.memory_space<hbm>> -> memref<8x1024xf32, #tpu.memory_space<hbm>>
        tpu.wait_dma2 semaphore(%arg12 : memref<!tpu.dma_semaphore, #tpu.memory_space<semaphore_mem>>) src(%dma_wait3A_348 : memref<8x1024xf32, #tpu.memory_space<hbm>>) dst(%dma_wait3A_345 : memref<8x1024xf32, #tpu.memory_space<vmem>>)
        %add3A_349 = arith.constant 3 : i32
        %add3A_350 = arith.addi %add3A_257, %add3A_349 : i32
        %sub3A_351 = arith.constant 1 : i32
        %sub3A_352 = arith.subi %add3A_350, %sub3A_351 : i32
        %mul3A_353 = arith.constant 8 : i32
        %mul3A_354 = arith.muli %sub3A_352, %mul3A_353 : i32
        %add3A_355 = arith.addi %mul3A_2, %mul3A_354 : i32
        %dma_start3A_356 = arith.constant 0 : i32
        %dma_start3A_357 = arith.constant 0 : i32
        %dma_start3A_358 = arith.constant 0 : i32
        %dma_start3A_359 = tpu.memref_slice %arg7[%dma_start3A_356, %dma_start3A_357, %dma_start3A_358] : memref<3x8x1024xf32, #tpu.memory_space<vmem>> -> memref<1x8x1024xf32, #tpu.memory_space<vmem>>
        %dma_start3A_360 = tpu.memref_squeeze %dma_start3A_359 : memref<1x8x1024xf32, #tpu.memory_space<vmem>> -> memref<8x1024xf32, #tpu.memory_space<vmem>>
        %dma_start3A_361 = arith.constant 0 : i32
        %dma_start3A_362 = tpu.memref_slice %arg4[%add3A_355, %dma_start3A_361] : memref<4096x1024xf32, #tpu.memory_space<hbm>> -> memref<8x1024xf32, #tpu.memory_space<hbm>>
        %dma_start3A_363 = arith.constant 0 : i32
        %dma_start3A_364 = arith.constant 0 : i32
        %dma_start3A_365 = tpu.memref_slice %arg7[%dma_start3A_356, %dma_start3A_363, %dma_start3A_364] : memref<3x8x1024xf32, #tpu.memory_space<vmem>> -> memref<1x8x1024xf32, #tpu.memory_space<vmem>>
        %dma_start3A_366 = tpu.memref_squeeze %dma_start3A_365 : memref<1x8x1024xf32, #tpu.memory_space<vmem>> -> memref<8x1024xf32, #tpu.memory_space<vmem>>
        %dma_start3A_367 = arith.constant 0 : i32
        %dma_start3A_368 = tpu.memref_slice %arg4[%add3A_355, %dma_start3A_367] : memref<4096x1024xf32, #tpu.memory_space<hbm>> -> memref<8x1024xf32, #tpu.memory_space<hbm>>
        tpu.enqueue_dma source(%dma_start3A_368 : memref<8x1024xf32, #tpu.memory_space<hbm>>) target(%dma_start3A_366 : memref<8x1024xf32, #tpu.memory_space<vmem>>) target_semaphore(%arg9 : memref<!tpu.dma_semaphore, #tpu.memory_space<semaphore_mem>>)
        %dma_start3A_369 = arith.constant 0 : i32
        %dma_start3A_370 = arith.constant 0 : i32
        %dma_start3A_371 = arith.constant 0 : i32
        %dma_start3A_372 = tpu.memref_slice %arg8[%dma_start3A_369, %dma_start3A_370, %dma_start3A_371] : memref<3x32x1024xf32, #tpu.memory_space<vmem>> -> memref<1x32x1024xf32, #tpu.memory_space<vmem>>
        %dma_start3A_373 = tpu.memref_squeeze %dma_start3A_372 : memref<1x32x1024xf32, #tpu.memory_space<vmem>> -> memref<32x1024xf32, #tpu.memory_space<vmem>>
        %dma_start3A_374 = arith.constant 0 : i32
        %dma_start3A_375 = tpu.memref_slice %arg6[%sub3A_352, %dma_start3A_374] : memref<16x32xi32, #tpu.memory_space<vmem>> -> memref<1x32xi32, #tpu.memory_space<vmem>>
        %dma_start3A_376 = tpu.memref_squeeze %dma_start3A_375 : memref<1x32xi32, #tpu.memory_space<vmem>> -> memref<32xi32, #tpu.memory_space<vmem>>
        %dma_start3A_377 = arith.constant 0 : i32
        %dma_start3A_378 = arith.constant 0 : i32
        %dma_start3A_379 = tpu.memref_slice %arg3[%dma_start3A_377, %dma_start3A_378] : memref<100000x1024xf32, #tpu.memory_space<hbm>> -> memref<100000x1024xf32, #tpu.memory_space<hbm>>
        tpu.enqueue_indirect_dma source(%dma_start3A_379 : memref<100000x1024xf32, #tpu.memory_space<hbm>>) target(%dma_start3A_373 : memref<32x1024xf32, #tpu.memory_space<vmem>>) offsets(%dma_start3A_376 : memref<32xi32, #tpu.memory_space<vmem>>) semaphore(%arg9 : memref<!tpu.dma_semaphore, #tpu.memory_space<semaphore_mem>>)
      } else {
      }
      %lt3A_266 = arith.constant 16 : i32
      %lt3A_267 = arith.cmpi slt, %add3A_257, %lt3A_266 : i32
      %convert_element_type3A_268 = arith.extui %lt3A_267 : i1 to i32
      %cond3A_269 = arith.constant 0 : i32
      %cond3A_270 = arith.cmpi ne, %convert_element_type3A_268, %cond3A_269 : i32
      scf.if %cond3A_270 {
        %dma_wait3A_289 = arith.constant 1 : i32
        %dma_wait3A_290 = arith.constant 0 : i32
        %dma_wait3A_291 = arith.constant 0 : i32
        %dma_wait3A_292 = tpu.memref_slice %arg7[%dma_wait3A_289, %dma_wait3A_290, %dma_wait3A_291] : memref<3x8x1024xf32, #tpu.memory_space<vmem>> -> memref<1x8x1024xf32, #tpu.memory_space<vmem>>
        %dma_wait3A_293 = tpu.memref_squeeze %dma_wait3A_292 : memref<1x8x1024xf32, #tpu.memory_space<vmem>> -> memref<8x1024xf32, #tpu.memory_space<vmem>>
        %dma_wait3A_294 = arith.constant 0 : i32
        %dma_wait3A_295 = arith.constant 0 : i32
        %dma_wait3A_296 = tpu.memref_slice %arg4[%dma_wait3A_294, %dma_wait3A_295] : memref<4096x1024xf32, #tpu.memory_space<hbm>> -> memref<8x1024xf32, #tpu.memory_space<hbm>>
        %dma_wait3A_297 = arith.constant 0 : i32
        %dma_wait3A_298 = arith.constant 0 : i32
        %dma_wait3A_299 = tpu.memref_slice %arg7[%dma_wait3A_289, %dma_wait3A_297, %dma_wait3A_298] : memref<3x8x1024xf32, #tpu.memory_space<vmem>> -> memref<1x8x1024xf32, #tpu.memory_space<vmem>>
        %dma_wait3A_300 = tpu.memref_squeeze %dma_wait3A_299 : memref<1x8x1024xf32, #tpu.memory_space<vmem>> -> memref<8x1024xf32, #tpu.memory_space<vmem>>
        %dma_wait3A_301 = arith.constant 0 : i32
        %dma_wait3A_302 = arith.constant 0 : i32
        %dma_wait3A_303 = tpu.memref_slice %arg4[%dma_wait3A_301, %dma_wait3A_302] : memref<4096x1024xf32, #tpu.memory_space<hbm>> -> memref<8x1024xf32, #tpu.memory_space<hbm>>
        tpu.wait_dma2 semaphore(%arg10 : memref<!tpu.dma_semaphore, #tpu.memory_space<semaphore_mem>>) src(%dma_wait3A_303 : memref<8x1024xf32, #tpu.memory_space<hbm>>) dst(%dma_wait3A_300 : memref<8x1024xf32, #tpu.memory_space<vmem>>)
        %dma_wait3A_304 = arith.constant 1 : i32
        %dma_wait3A_305 = arith.constant 0 : i32
        %dma_wait3A_306 = arith.constant 0 : i32
        %dma_wait3A_307 = tpu.memref_slice %arg8[%dma_wait3A_304, %dma_wait3A_305, %dma_wait3A_306] : memref<3x32x1024xf32, #tpu.memory_space<vmem>> -> memref<1x32x1024xf32, #tpu.memory_space<vmem>>
        %dma_wait3A_308 = tpu.memref_squeeze %dma_wait3A_307 : memref<1x32x1024xf32, #tpu.memory_space<vmem>> -> memref<32x1024xf32, #tpu.memory_space<vmem>>
        %dma_wait3A_309 = arith.constant 0 : i32
        %dma_wait3A_310 = arith.constant 0 : i32
        %dma_wait3A_311 = tpu.memref_slice %arg3[%dma_wait3A_309, %dma_wait3A_310] : memref<100000x1024xf32, #tpu.memory_space<hbm>> -> memref<32x1024xf32, #tpu.memory_space<hbm>>
        %dma_wait3A_312 = arith.constant 0 : i32
        %dma_wait3A_313 = arith.constant 0 : i32
        %dma_wait3A_314 = tpu.memref_slice %arg8[%dma_wait3A_304, %dma_wait3A_312, %dma_wait3A_313] : memref<3x32x1024xf32, #tpu.memory_space<vmem>> -> memref<1x32x1024xf32, #tpu.memory_space<vmem>>
        %dma_wait3A_315 = tpu.memref_squeeze %dma_wait3A_314 : memref<1x32x1024xf32, #tpu.memory_space<vmem>> -> memref<32x1024xf32, #tpu.memory_space<vmem>>
        %dma_wait3A_316 = arith.constant 0 : i32
        %dma_wait3A_317 = arith.constant 0 : i32
        %dma_wait3A_318 = tpu.memref_slice %arg3[%dma_wait3A_316, %dma_wait3A_317] : memref<100000x1024xf32, #tpu.memory_space<hbm>> -> memref<32x1024xf32, #tpu.memory_space<hbm>>
        tpu.wait_dma2 semaphore(%arg10 : memref<!tpu.dma_semaphore, #tpu.memory_space<semaphore_mem>>) src(%dma_wait3A_318 : memref<32x1024xf32, #tpu.memory_space<hbm>>) dst(%dma_wait3A_315 : memref<32x1024xf32, #tpu.memory_space<vmem>>)
        %parallel_loop3A = arith.constant 0 : i32
        %parallel_loop3A_319 = arith.constant 512 : i32
        %parallel_loop3A_320 = arith.constant 1 : i32
        scf.for %parallel_loop3A_388 = %parallel_loop3A to %parallel_loop3A_319 step %parallel_loop3A_320  : i32 {
          %parallel_loop3A_389 = arith.constant 6 : i32
          %parallel_loop3A_390 = arith.shrsi %parallel_loop3A_388, %parallel_loop3A_389 : i32
          %parallel_loop3A_391 = arith.constant 63 : i32
          %parallel_loop3A_392 = arith.andi %parallel_loop3A_388, %parallel_loop3A_391 : i32
          %parallel_loop3A_393 = arith.constant 16 : i32
          %parallel_loop3A_394 = arith.muli %parallel_loop3A_392, %parallel_loop3A_393 : i32
          %parallel_loop3A_395 = arith.constant 1 : i32
          %parallel_loop3A_396 = arith.index_cast %parallel_loop3A_395 : i32 to index
          %parallel_loop3A_397 = arith.index_cast %parallel_loop3A_390 : i32 to index
          %parallel_loop3A_398 = arith.index_cast %parallel_loop3A_394 : i32 to index
          %parallel_loop3A_399 = tpu.vector_load %arg7[%parallel_loop3A_396, %parallel_loop3A_397, %parallel_loop3A_398] {strides = array<i32>} : memref<3x8x1024xf32, #tpu.memory_space<vmem>>, vector<1x1x16xf32>,
          %parallel_loop3A_400 = vector.shape_cast %parallel_loop3A_399 : vector<1x1x16xf32> to vector<16xf32>
          %parallel_loop3A_401 = arith.constant 0 : i32
          %parallel_loop3A_402 = arith.addi %parallel_loop3A_401, %parallel_loop3A_390 : i32
          %parallel_loop3A_403 = arith.constant 1 : i32
          %parallel_loop3A_404 = arith.index_cast %parallel_loop3A_403 : i32 to index
          %parallel_loop3A_405 = arith.index_cast %parallel_loop3A_402 : i32 to index
          %parallel_loop3A_406 = arith.index_cast %parallel_loop3A_394 : i32 to index
          %parallel_loop3A_407 = tpu.vector_load %arg8[%parallel_loop3A_404, %parallel_loop3A_405, %parallel_loop3A_406] {strides = array<i32>} : memref<3x32x1024xf32, #tpu.memory_space<vmem>>, vector<1x1x16xf32>,
          %parallel_loop3A_408 = vector.shape_cast %parallel_loop3A_407 : vector<1x1x16xf32> to vector<16xf32>
          %parallel_loop3A_409 = arith.addf %parallel_loop3A_408, %parallel_loop3A_400 : vector<16xf32>
          %parallel_loop3A_410 = arith.constant 1 : i32
          %parallel_loop3A_411 = arith.index_cast %parallel_loop3A_410 : i32 to index
          %parallel_loop3A_412 = arith.index_cast %parallel_loop3A_402 : i32 to index
          %parallel_loop3A_413 = arith.index_cast %parallel_loop3A_394 : i32 to index
          %parallel_loop3A_414 = tpu.vector_load %arg8[%parallel_loop3A_411, %parallel_loop3A_412, %parallel_loop3A_413] {strides = array<i32>} : memref<3x32x1024xf32, #tpu.memory_space<vmem>>, vector<1x1x16xf32>,
          %parallel_loop3A_415 = vector.shape_cast %parallel_loop3A_414 : vector<1x1x16xf32> to vector<16xf32>
          %parallel_loop3A_416 = vector.shape_cast %parallel_loop3A_409 : vector<16xf32> to vector<1x1x16xf32>
          tpu.vector_store %arg8[%parallel_loop3A_411, %parallel_loop3A_412, %parallel_loop3A_413], %parallel_loop3A_416 {strides = array<i32>} : memref<3x32x1024xf32, #tpu.memory_space<vmem>>, vector<1x1x16xf32>,
          %parallel_loop3A_417 = arith.constant 8 : i32
          %parallel_loop3A_418 = arith.addi %parallel_loop3A_417, %parallel_loop3A_390 : i32
          %parallel_loop3A_419 = arith.constant 1 : i32
          %parallel_loop3A_420 = arith.index_cast %parallel_loop3A_419 : i32 to index
          %parallel_loop3A_421 = arith.index_cast %parallel_loop3A_418 : i32 to index
          %parallel_loop3A_422 = arith.index_cast %parallel_loop3A_394 : i32 to index
          %parallel_loop3A_423 = tpu.vector_load %arg8[%parallel_loop3A_420, %parallel_loop3A_421, %parallel_loop3A_422] {strides = array<i32>} : memref<3x32x1024xf32, #tpu.memory_space<vmem>>, vector<1x1x16xf32>,
          %parallel_loop3A_424 = vector.shape_cast %parallel_loop3A_423 : vector<1x1x16xf32> to vector<16xf32>
          %parallel_loop3A_425 = arith.addf %parallel_loop3A_424, %parallel_loop3A_400 : vector<16xf32>
          %parallel_loop3A_426 = arith.constant 1 : i32
          %parallel_loop3A_427 = arith.index_cast %parallel_loop3A_426 : i32 to index
          %parallel_loop3A_428 = arith.index_cast %parallel_loop3A_418 : i32 to index
          %parallel_loop3A_429 = arith.index_cast %parallel_loop3A_394 : i32 to index
          %parallel_loop3A_430 = tpu.vector_load %arg8[%parallel_loop3A_427, %parallel_loop3A_428, %parallel_loop3A_429] {strides = array<i32>} : memref<3x32x1024xf32, #tpu.memory_space<vmem>>, vector<1x1x16xf32>,
          %parallel_loop3A_431 = vector.shape_cast %parallel_loop3A_430 : vector<1x1x16xf32> to vector<16xf32>
          %parallel_loop3A_432 = vector.shape_cast %parallel_loop3A_425 : vector<16xf32> to vector<1x1x16xf32>
          tpu.vector_store %arg8[%parallel_loop3A_427, %parallel_loop3A_428, %parallel_loop3A_429], %parallel_loop3A_432 {strides = array<i32>} : memref<3x32x1024xf32, #tpu.memory_space<vmem>>, vector<1x1x16xf32>,
          %parallel_loop3A_433 = arith.constant 16 : i32
          %parallel_loop3A_434 = arith.addi %parallel_loop3A_433, %parallel_loop3A_390 : i32
          %parallel_loop3A_435 = arith.constant 1 : i32
          %parallel_loop3A_436 = arith.index_cast %parallel_loop3A_435 : i32 to index
          %parallel_loop3A_437 = arith.index_cast %parallel_loop3A_434 : i32 to index
          %parallel_loop3A_438 = arith.index_cast %parallel_loop3A_394 : i32 to index
          %parallel_loop3A_439 = tpu.vector_load %arg8[%parallel_loop3A_436, %parallel_loop3A_437, %parallel_loop3A_438] {strides = array<i32>} : memref<3x32x1024xf32, #tpu.memory_space<vmem>>, vector<1x1x16xf32>,
          %parallel_loop3A_440 = vector.shape_cast %parallel_loop3A_439 : vector<1x1x16xf32> to vector<16xf32>
          %parallel_loop3A_441 = arith.addf %parallel_loop3A_440, %parallel_loop3A_400 : vector<16xf32>
          %parallel_loop3A_442 = arith.constant 1 : i32
          %parallel_loop3A_443 = arith.index_cast %parallel_loop3A_442 : i32 to index
          %parallel_loop3A_444 = arith.index_cast %parallel_loop3A_434 : i32 to index
          %parallel_loop3A_445 = arith.index_cast %parallel_loop3A_394 : i32 to index
          %parallel_loop3A_446 = tpu.vector_load %arg8[%parallel_loop3A_443, %parallel_loop3A_444, %parallel_loop3A_445] {strides = array<i32>} : memref<3x32x1024xf32, #tpu.memory_space<vmem>>, vector<1x1x16xf32>,
          %parallel_loop3A_447 = vector.shape_cast %parallel_loop3A_446 : vector<1x1x16xf32> to vector<16xf32>
          %parallel_loop3A_448 = vector.shape_cast %parallel_loop3A_441 : vector<16xf32> to vector<1x1x16xf32>
          tpu.vector_store %arg8[%parallel_loop3A_443, %parallel_loop3A_444, %parallel_loop3A_445], %parallel_loop3A_448 {strides = array<i32>} : memref<3x32x1024xf32, #tpu.memory_space<vmem>>, vector<1x1x16xf32>,
          %parallel_loop3A_449 = arith.constant 24 : i32
          %parallel_loop3A_450 = arith.addi %parallel_loop3A_449, %parallel_loop3A_390 : i32
          %parallel_loop3A_451 = arith.constant 1 : i32
          %parallel_loop3A_452 = arith.index_cast %parallel_loop3A_451 : i32 to index
          %parallel_loop3A_453 = arith.index_cast %parallel_loop3A_450 : i32 to index
          %parallel_loop3A_454 = arith.index_cast %parallel_loop3A_394 : i32 to index
          %parallel_loop3A_455 = tpu.vector_load %arg8[%parallel_loop3A_452, %parallel_loop3A_453, %parallel_loop3A_454] {strides = array<i32>} : memref<3x32x1024xf32, #tpu.memory_space<vmem>>, vector<1x1x16xf32>,
          %parallel_loop3A_456 = vector.shape_cast %parallel_loop3A_455 : vector<1x1x16xf32> to vector<16xf32>
          %parallel_loop3A_457 = arith.addf %parallel_loop3A_456, %parallel_loop3A_400 : vector<16xf32>
          %parallel_loop3A_458 = arith.constant 1 : i32
          %parallel_loop3A_459 = arith.index_cast %parallel_loop3A_458 : i32 to index
          %parallel_loop3A_460 = arith.index_cast %parallel_loop3A_450 : i32 to index
          %parallel_loop3A_461 = arith.index_cast %parallel_loop3A_394 : i32 to index
          %parallel_loop3A_462 = tpu.vector_load %arg8[%parallel_loop3A_459, %parallel_loop3A_460, %parallel_loop3A_461] {strides = array<i32>} : memref<3x32x1024xf32, #tpu.memory_space<vmem>>, vector<1x1x16xf32>,
          %parallel_loop3A_463 = vector.shape_cast %parallel_loop3A_462 : vector<1x1x16xf32> to vector<16xf32>
          %parallel_loop3A_464 = vector.shape_cast %parallel_loop3A_457 : vector<16xf32> to vector<1x1x16xf32>
          tpu.vector_store %arg8[%parallel_loop3A_459, %parallel_loop3A_460, %parallel_loop3A_461], %parallel_loop3A_464 {strides = array<i32>} : memref<3x32x1024xf32, #tpu.memory_space<vmem>>, vector<1x1x16xf32>,
        } {sc.loop_unroll_factor = 4 : i64, sc.parallel_access}
        %mul3A_321 = arith.constant 8 : i32
        %mul3A_322 = arith.muli %add3A_257, %mul3A_321 : i32
        %add3A_323 = arith.addi %mul3A_2, %mul3A_322 : i32
        %dma_start3A_324 = arith.constant 1 : i32
        %dma_start3A_325 = arith.constant 0 : i32
        %dma_start3A_326 = arith.constant 0 : i32
        %dma_start3A_327 = arith.constant 0 : i32
        %dma_start3A_328 = tpu.memref_slice %arg8[%dma_start3A_324, %dma_start3A_326, %dma_start3A_327] : memref<3x32x1024xf32, #tpu.memory_space<vmem>> -> memref<1x8x1024xf32, #tpu.memory_space<vmem>>
        %dma_start3A_329 = tpu.memref_squeeze %dma_start3A_328 : memref<1x8x1024xf32, #tpu.memory_space<vmem>> -> memref<8x1024xf32, #tpu.memory_space<vmem>>
        %dma_start3A_330 = arith.constant 0 : i32
        %dma_start3A_331 = tpu.memref_slice %arg5[%dma_start3A_325, %add3A_323, %dma_start3A_330] : memref<4x4096x1024xf32, #tpu.memory_space<hbm>> -> memref<1x8x1024xf32, #tpu.memory_space<hbm>>
        %dma_start3A_332 = tpu.memref_squeeze %dma_start3A_331 : memref<1x8x1024xf32, #tpu.memory_space<hbm>> -> memref<8x1024xf32, #tpu.memory_space<hbm>>
        %dma_start3A_333 = arith.constant 0 : i32
        %dma_start3A_334 = tpu.memref_slice %arg5[%dma_start3A_325, %add3A_323, %dma_start3A_333] : memref<4x4096x1024xf32, #tpu.memory_space<hbm>> -> memref<1x8x1024xf32, #tpu.memory_space<hbm>>
        %dma_start3A_335 = tpu.memref_squeeze %dma_start3A_334 : memref<1x8x1024xf32, #tpu.memory_space<hbm>> -> memref<8x1024xf32, #tpu.memory_space<hbm>>
        %dma_start3A_336 = arith.constant 0 : i32
        %dma_start3A_337 = arith.constant 0 : i32
        %dma_start3A_338 = tpu.memref_slice %arg8[%dma_start3A_324, %dma_start3A_336, %dma_start3A_337] : memref<3x32x1024xf32, #tpu.memory_space<vmem>> -> memref<1x8x1024xf32, #tpu.memory_space<vmem>>
        %dma_start3A_339 = tpu.memref_squeeze %dma_start3A_338 : memref<1x8x1024xf32, #tpu.memory_space<vmem>> -> memref<8x1024xf32, #tpu.memory_space<vmem>>
        tpu.enqueue_dma source(%dma_start3A_339 : memref<8x1024xf32, #tpu.memory_space<vmem>>) target(%dma_start3A_335 : memref<8x1024xf32, #tpu.memory_space<hbm>>) target_semaphore(%arg13 : memref<!tpu.dma_semaphore, #tpu.memory_space<semaphore_mem>>)
        %dma_start3A_340 = arith.constant 1 : i32
        %dma_start3A_341 = arith.constant 1 : i32
        %dma_start3A_342 = arith.constant 8 : i32
        %dma_start3A_343 = arith.constant 0 : i32
        %dma_start3A_344 = tpu.memref_slice %arg8[%dma_start3A_340, %dma_start3A_342, %dma_start3A_343] : memref<3x32x1024xf32, #tpu.memory_space<vmem>> -> memref<1x8x1024xf32, #tpu.memory_space<vmem>>
        %dma_start3A_345 = tpu.memref_squeeze %dma_start3A_344 : memref<1x8x1024xf32, #tpu.memory_space<vmem>> -> memref<8x1024xf32, #tpu.memory_space<vmem>>
        %dma_start3A_346 = arith.constant 0 : i32
        %dma_start3A_347 = tpu.memref_slice %arg5[%dma_start3A_341, %add3A_323, %dma_start3A_346] : memref<4x4096x1024xf32, #tpu.memory_space<hbm>> -> memref<1x8x1024xf32, #tpu.memory_space<hbm>>
        %dma_start3A_348 = tpu.memref_squeeze %dma_start3A_347 : memref<1x8x1024xf32, #tpu.memory_space<hbm>> -> memref<8x1024xf32, #tpu.memory_space<hbm>>
        %dma_start3A_349 = arith.constant 0 : i32
        %dma_start3A_350 = tpu.memref_slice %arg5[%dma_start3A_341, %add3A_323, %dma_start3A_349] : memref<4x4096x1024xf32, #tpu.memory_space<hbm>> -> memref<1x8x1024xf32, #tpu.memory_space<hbm>>
        %dma_start3A_351 = tpu.memref_squeeze %dma_start3A_350 : memref<1x8x1024xf32, #tpu.memory_space<hbm>> -> memref<8x1024xf32, #tpu.memory_space<hbm>>
        %dma_start3A_352 = arith.constant 8 : i32
        %dma_start3A_353 = arith.constant 0 : i32
        %dma_start3A_354 = tpu.memref_slice %arg8[%dma_start3A_340, %dma_start3A_352, %dma_start3A_353] : memref<3x32x1024xf32, #tpu.memory_space<vmem>> -> memref<1x8x1024xf32, #tpu.memory_space<vmem>>
        %dma_start3A_355 = tpu.memref_squeeze %dma_start3A_354 : memref<1x8x1024xf32, #tpu.memory_space<vmem>> -> memref<8x1024xf32, #tpu.memory_space<vmem>>
        tpu.enqueue_dma source(%dma_start3A_355 : memref<8x1024xf32, #tpu.memory_space<vmem>>) target(%dma_start3A_351 : memref<8x1024xf32, #tpu.memory_space<hbm>>) target_semaphore(%arg13 : memref<!tpu.dma_semaphore, #tpu.memory_space<semaphore_mem>>)
        %dma_start3A_356 = arith.constant 1 : i32
        %dma_start3A_357 = arith.constant 2 : i32
        %dma_start3A_358 = arith.constant 16 : i32
        %dma_start3A_359 = arith.constant 0 : i32
        %dma_start3A_360 = tpu.memref_slice %arg8[%dma_start3A_356, %dma_start3A_358, %dma_start3A_359] : memref<3x32x1024xf32, #tpu.memory_space<vmem>> -> memref<1x8x1024xf32, #tpu.memory_space<vmem>>
        %dma_start3A_361 = tpu.memref_squeeze %dma_start3A_360 : memref<1x8x1024xf32, #tpu.memory_space<vmem>> -> memref<8x1024xf32, #tpu.memory_space<vmem>>
        %dma_start3A_362 = arith.constant 0 : i32
        %dma_start3A_363 = tpu.memref_slice %arg5[%dma_start3A_357, %add3A_323, %dma_start3A_362] : memref<4x4096x1024xf32, #tpu.memory_space<hbm>> -> memref<1x8x1024xf32, #tpu.memory_space<hbm>>
        %dma_start3A_364 = tpu.memref_squeeze %dma_start3A_363 : memref<1x8x1024xf32, #tpu.memory_space<hbm>> -> memref<8x1024xf32, #tpu.memory_space<hbm>>
        %dma_start3A_365 = arith.constant 0 : i32
        %dma_start3A_366 = tpu.memref_slice %arg5[%dma_start3A_357, %add3A_323, %dma_start3A_365] : memref<4x4096x1024xf32, #tpu.memory_space<hbm>> -> memref<1x8x1024xf32, #tpu.memory_space<hbm>>
        %dma_start3A_367 = tpu.memref_squeeze %dma_start3A_366 : memref<1x8x1024xf32, #tpu.memory_space<hbm>> -> memref<8x1024xf32, #tpu.memory_space<hbm>>
        %dma_start3A_368 = arith.constant 16 : i32
        %dma_start3A_369 = arith.constant 0 : i32
        %dma_start3A_370 = tpu.memref_slice %arg8[%dma_start3A_356, %dma_start3A_368, %dma_start3A_369] : memref<3x32x1024xf32, #tpu.memory_space<vmem>> -> memref<1x8x1024xf32, #tpu.memory_space<vmem>>
        %dma_start3A_371 = tpu.memref_squeeze %dma_start3A_370 : memref<1x8x1024xf32, #tpu.memory_space<vmem>> -> memref<8x1024xf32, #tpu.memory_space<vmem>>
        tpu.enqueue_dma source(%dma_start3A_371 : memref<8x1024xf32, #tpu.memory_space<vmem>>) target(%dma_start3A_367 : memref<8x1024xf32, #tpu.memory_space<hbm>>) target_semaphore(%arg13 : memref<!tpu.dma_semaphore, #tpu.memory_space<semaphore_mem>>)
        %dma_start3A_372 = arith.constant 1 : i32
        %dma_start3A_373 = arith.constant 3 : i32
        %dma_start3A_374 = arith.constant 24 : i32
        %dma_start3A_375 = arith.constant 0 : i32
        %dma_start3A_376 = tpu.memref_slice %arg8[%dma_start3A_372, %dma_start3A_374, %dma_start3A_375] : memref<3x32x1024xf32, #tpu.memory_space<vmem>> -> memref<1x8x1024xf32, #tpu.memory_space<vmem>>
        %dma_start3A_377 = tpu.memref_squeeze %dma_start3A_376 : memref<1x8x1024xf32, #tpu.memory_space<vmem>> -> memref<8x1024xf32, #tpu.memory_space<vmem>>
        %dma_start3A_378 = arith.constant 0 : i32
        %dma_start3A_379 = tpu.memref_slice %arg5[%dma_start3A_373, %add3A_323, %dma_start3A_378] : memref<4x4096x1024xf32, #tpu.memory_space<hbm>> -> memref<1x8x1024xf32, #tpu.memory_space<hbm>>
        %dma_start3A_380 = tpu.memref_squeeze %dma_start3A_379 : memref<1x8x1024xf32, #tpu.memory_space<hbm>> -> memref<8x1024xf32, #tpu.memory_space<hbm>>
        %dma_start3A_381 = arith.constant 0 : i32
        %dma_start3A_382 = tpu.memref_slice %arg5[%dma_start3A_373, %add3A_323, %dma_start3A_381] : memref<4x4096x1024xf32, #tpu.memory_space<hbm>> -> memref<1x8x1024xf32, #tpu.memory_space<hbm>>
        %dma_start3A_383 = tpu.memref_squeeze %dma_start3A_382 : memref<1x8x1024xf32, #tpu.memory_space<hbm>> -> memref<8x1024xf32, #tpu.memory_space<hbm>>
        %dma_start3A_384 = arith.constant 24 : i32
        %dma_start3A_385 = arith.constant 0 : i32
        %dma_start3A_386 = tpu.memref_slice %arg8[%dma_start3A_372, %dma_start3A_384, %dma_start3A_385] : memref<3x32x1024xf32, #tpu.memory_space<vmem>> -> memref<1x8x1024xf32, #tpu.memory_space<vmem>>
        %dma_start3A_387 = tpu.memref_squeeze %dma_start3A_386 : memref<1x8x1024xf32, #tpu.memory_space<vmem>> -> memref<8x1024xf32, #tpu.memory_space<vmem>>
        tpu.enqueue_dma source(%dma_start3A_387 : memref<8x1024xf32, #tpu.memory_space<vmem>>) target(%dma_start3A_383 : memref<8x1024xf32, #tpu.memory_space<hbm>>) target_semaphore(%arg13 : memref<!tpu.dma_semaphore, #tpu.memory_space<semaphore_mem>>)
      } else {
      }
      %mul3A_271 = arith.constant 3 : i32
      %mul3A_272 = arith.muli %scan3A_242, %mul3A_271 : i32
      %add3A_273 = arith.constant 2 : i32
      %add3A_274 = arith.addi %mul3A_272, %add3A_273 : i32
      %add3A_275 = arith.constant 3 : i32
      %add3A_276 = arith.addi %add3A_274, %add3A_275 : i32
      %sub3A_277 = arith.constant 1 : i32
      %sub3A_278 = arith.subi %add3A_276, %sub3A_277 : i32
      %lt3A_279 = arith.constant 16 : i32
      %lt3A_280 = arith.cmpi slt, %sub3A_278, %lt3A_279 : i32
      %convert_element_type3A_281 = arith.extui %lt3A_280 : i1 to i32
      %cond3A_282 = arith.constant 0 : i32
      %cond3A_283 = arith.cmpi ne, %convert_element_type3A_281, %cond3A_282 : i32
      scf.if %cond3A_283 {
        %dma_wait3A_289 = arith.constant 1 : i32
        %dma_wait3A_290 = arith.constant 0 : i32
        %dma_wait3A_291 = arith.constant 0 : i32
        %dma_wait3A_292 = tpu.memref_slice %arg7[%dma_wait3A_289, %dma_wait3A_290, %dma_wait3A_291] : memref<3x8x1024xf32, #tpu.memory_space<vmem>> -> memref<1x8x1024xf32, #tpu.memory_space<vmem>>
        %dma_wait3A_293 = tpu.memref_squeeze %dma_wait3A_292 : memref<1x8x1024xf32, #tpu.memory_space<vmem>> -> memref<8x1024xf32, #tpu.memory_space<vmem>>
        %dma_wait3A_294 = arith.constant 0 : i32
        %dma_wait3A_295 = arith.constant 0 : i32
        %dma_wait3A_296 = tpu.memref_slice %arg4[%dma_wait3A_294, %dma_wait3A_295] : memref<4096x1024xf32, #tpu.memory_space<hbm>> -> memref<8x1024xf32, #tpu.memory_space<hbm>>
        %dma_wait3A_297 = arith.constant 0 : i32
        %dma_wait3A_298 = arith.constant 0 : i32
        %dma_wait3A_299 = tpu.memref_slice %arg7[%dma_wait3A_289, %dma_wait3A_297, %dma_wait3A_298] : memref<3x8x1024xf32, #tpu.memory_space<vmem>> -> memref<1x8x1024xf32, #tpu.memory_space<vmem>>
        %dma_wait3A_300 = tpu.memref_squeeze %dma_wait3A_299 : memref<1x8x1024xf32, #tpu.memory_space<vmem>> -> memref<8x1024xf32, #tpu.memory_space<vmem>>
        %dma_wait3A_301 = arith.constant 0 : i32
        %dma_wait3A_302 = arith.constant 0 : i32
        %dma_wait3A_303 = tpu.memref_slice %arg4[%dma_wait3A_301, %dma_wait3A_302] : memref<4096x1024xf32, #tpu.memory_space<hbm>> -> memref<8x1024xf32, #tpu.memory_space<hbm>>
        tpu.wait_dma2 semaphore(%arg13 : memref<!tpu.dma_semaphore, #tpu.memory_space<semaphore_mem>>) src(%dma_wait3A_303 : memref<8x1024xf32, #tpu.memory_space<hbm>>) dst(%dma_wait3A_300 : memref<8x1024xf32, #tpu.memory_space<vmem>>)
        %dma_wait3A_304 = arith.constant 1 : i32
        %dma_wait3A_305 = arith.constant 0 : i32
        %dma_wait3A_306 = arith.constant 0 : i32
        %dma_wait3A_307 = tpu.memref_slice %arg7[%dma_wait3A_304, %dma_wait3A_305, %dma_wait3A_306] : memref<3x8x1024xf32, #tpu.memory_space<vmem>> -> memref<1x8x1024xf32, #tpu.memory_space<vmem>>
        %dma_wait3A_308 = tpu.memref_squeeze %dma_wait3A_307 : memref<1x8x1024xf32, #tpu.memory_space<vmem>> -> memref<8x1024xf32, #tpu.memory_space<vmem>>
        %dma_wait3A_309 = arith.constant 0 : i32
        %dma_wait3A_310 = arith.constant 0 : i32
        %dma_wait3A_311 = tpu.memref_slice %arg4[%dma_wait3A_309, %dma_wait3A_310] : memref<4096x1024xf32, #tpu.memory_space<hbm>> -> memref<8x1024xf32, #tpu.memory_space<hbm>>
        %dma_wait3A_312 = arith.constant 0 : i32
        %dma_wait3A_313 = arith.constant 0 : i32
        %dma_wait3A_314 = tpu.memref_slice %arg7[%dma_wait3A_304, %dma_wait3A_312, %dma_wait3A_313] : memref<3x8x1024xf32, #tpu.memory_space<vmem>> -> memref<1x8x1024xf32, #tpu.memory_space<vmem>>
        %dma_wait3A_315 = tpu.memref_squeeze %dma_wait3A_314 : memref<1x8x1024xf32, #tpu.memory_space<vmem>> -> memref<8x1024xf32, #tpu.memory_space<vmem>>
        %dma_wait3A_316 = arith.constant 0 : i32
        %dma_wait3A_317 = arith.constant 0 : i32
        %dma_wait3A_318 = tpu.memref_slice %arg4[%dma_wait3A_316, %dma_wait3A_317] : memref<4096x1024xf32, #tpu.memory_space<hbm>> -> memref<8x1024xf32, #tpu.memory_space<hbm>>
        tpu.wait_dma2 semaphore(%arg13 : memref<!tpu.dma_semaphore, #tpu.memory_space<semaphore_mem>>) src(%dma_wait3A_318 : memref<8x1024xf32, #tpu.memory_space<hbm>>) dst(%dma_wait3A_315 : memref<8x1024xf32, #tpu.memory_space<vmem>>)
        %dma_wait3A_319 = arith.constant 1 : i32
        %dma_wait3A_320 = arith.constant 0 : i32
        %dma_wait3A_321 = arith.constant 0 : i32
        %dma_wait3A_322 = tpu.memref_slice %arg7[%dma_wait3A_319, %dma_wait3A_320, %dma_wait3A_321] : memref<3x8x1024xf32, #tpu.memory_space<vmem>> -> memref<1x8x1024xf32, #tpu.memory_space<vmem>>
        %dma_wait3A_323 = tpu.memref_squeeze %dma_wait3A_322 : memref<1x8x1024xf32, #tpu.memory_space<vmem>> -> memref<8x1024xf32, #tpu.memory_space<vmem>>
        %dma_wait3A_324 = arith.constant 0 : i32
        %dma_wait3A_325 = arith.constant 0 : i32
        %dma_wait3A_326 = tpu.memref_slice %arg4[%dma_wait3A_324, %dma_wait3A_325] : memref<4096x1024xf32, #tpu.memory_space<hbm>> -> memref<8x1024xf32, #tpu.memory_space<hbm>>
        %dma_wait3A_327 = arith.constant 0 : i32
        %dma_wait3A_328 = arith.constant 0 : i32
        %dma_wait3A_329 = tpu.memref_slice %arg7[%dma_wait3A_319, %dma_wait3A_327, %dma_wait3A_328] : memref<3x8x1024xf32, #tpu.memory_space<vmem>> -> memref<1x8x1024xf32, #tpu.memory_space<vmem>>
        %dma_wait3A_330 = tpu.memref_squeeze %dma_wait3A_329 : memref<1x8x1024xf32, #tpu.memory_space<vmem>> -> memref<8x1024xf32, #tpu.memory_space<vmem>>
        %dma_wait3A_331 = arith.constant 0 : i32
        %dma_wait3A_332 = arith.constant 0 : i32
        %dma_wait3A_333 = tpu.memref_slice %arg4[%dma_wait3A_331, %dma_wait3A_332] : memref<4096x1024xf32, #tpu.memory_space<hbm>> -> memref<8x1024xf32, #tpu.memory_space<hbm>>
        tpu.wait_dma2 semaphore(%arg13 : memref<!tpu.dma_semaphore, #tpu.memory_space<semaphore_mem>>) src(%dma_wait3A_333 : memref<8x1024xf32, #tpu.memory_space<hbm>>) dst(%dma_wait3A_330 : memref<8x1024xf32, #tpu.memory_space<vmem>>)
        %dma_wait3A_334 = arith.constant 1 : i32
        %dma_wait3A_335 = arith.constant 0 : i32
        %dma_wait3A_336 = arith.constant 0 : i32
        %dma_wait3A_337 = tpu.memref_slice %arg7[%dma_wait3A_334, %dma_wait3A_335, %dma_wait3A_336] : memref<3x8x1024xf32, #tpu.memory_space<vmem>> -> memref<1x8x1024xf32, #tpu.memory_space<vmem>>
        %dma_wait3A_338 = tpu.memref_squeeze %dma_wait3A_337 : memref<1x8x1024xf32, #tpu.memory_space<vmem>> -> memref<8x1024xf32, #tpu.memory_space<vmem>>
        %dma_wait3A_339 = arith.constant 0 : i32
        %dma_wait3A_340 = arith.constant 0 : i32
        %dma_wait3A_341 = tpu.memref_slice %arg4[%dma_wait3A_339, %dma_wait3A_340] : memref<4096x1024xf32, #tpu.memory_space<hbm>> -> memref<8x1024xf32, #tpu.memory_space<hbm>>
        %dma_wait3A_342 = arith.constant 0 : i32
        %dma_wait3A_343 = arith.constant 0 : i32
        %dma_wait3A_344 = tpu.memref_slice %arg7[%dma_wait3A_334, %dma_wait3A_342, %dma_wait3A_343] : memref<3x8x1024xf32, #tpu.memory_space<vmem>> -> memref<1x8x1024xf32, #tpu.memory_space<vmem>>
        %dma_wait3A_345 = tpu.memref_squeeze %dma_wait3A_344 : memref<1x8x1024xf32, #tpu.memory_space<vmem>> -> memref<8x1024xf32, #tpu.memory_space<vmem>>
        %dma_wait3A_346 = arith.constant 0 : i32
        %dma_wait3A_347 = arith.constant 0 : i32
        %dma_wait3A_348 = tpu.memref_slice %arg4[%dma_wait3A_346, %dma_wait3A_347] : memref<4096x1024xf32, #tpu.memory_space<hbm>> -> memref<8x1024xf32, #tpu.memory_space<hbm>>
        tpu.wait_dma2 semaphore(%arg13 : memref<!tpu.dma_semaphore, #tpu.memory_space<semaphore_mem>>) src(%dma_wait3A_348 : memref<8x1024xf32, #tpu.memory_space<hbm>>) dst(%dma_wait3A_345 : memref<8x1024xf32, #tpu.memory_space<vmem>>)
        %add3A_349 = arith.constant 3 : i32
        %add3A_350 = arith.addi %add3A_274, %add3A_349 : i32
        %sub3A_351 = arith.constant 1 : i32
        %sub3A_352 = arith.subi %add3A_350, %sub3A_351 : i32
        %mul3A_353 = arith.constant 8 : i32
        %mul3A_354 = arith.muli %sub3A_352, %mul3A_353 : i32
        %add3A_355 = arith.addi %mul3A_2, %mul3A_354 : i32
        %dma_start3A_356 = arith.constant 1 : i32
        %dma_start3A_357 = arith.constant 0 : i32
        %dma_start3A_358 = arith.constant 0 : i32
        %dma_start3A_359 = tpu.memref_slice %arg7[%dma_start3A_356, %dma_start3A_357, %dma_start3A_358] : memref<3x8x1024xf32, #tpu.memory_space<vmem>> -> memref<1x8x1024xf32, #tpu.memory_space<vmem>>
        %dma_start3A_360 = tpu.memref_squeeze %dma_start3A_359 : memref<1x8x1024xf32, #tpu.memory_space<vmem>> -> memref<8x1024xf32, #tpu.memory_space<vmem>>
        %dma_start3A_361 = arith.constant 0 : i32
        %dma_start3A_362 = tpu.memref_slice %arg4[%add3A_355, %dma_start3A_361] : memref<4096x1024xf32, #tpu.memory_space<hbm>> -> memref<8x1024xf32, #tpu.memory_space<hbm>>
        %dma_start3A_363 = arith.constant 0 : i32
        %dma_start3A_364 = arith.constant 0 : i32
        %dma_start3A_365 = tpu.memref_slice %arg7[%dma_start3A_356, %dma_start3A_363, %dma_start3A_364] : memref<3x8x1024xf32, #tpu.memory_space<vmem>> -> memref<1x8x1024xf32, #tpu.memory_space<vmem>>
        %dma_start3A_366 = tpu.memref_squeeze %dma_start3A_365 : memref<1x8x1024xf32, #tpu.memory_space<vmem>> -> memref<8x1024xf32, #tpu.memory_space<vmem>>
        %dma_start3A_367 = arith.constant 0 : i32
        %dma_start3A_368 = tpu.memref_slice %arg4[%add3A_355, %dma_start3A_367] : memref<4096x1024xf32, #tpu.memory_space<hbm>> -> memref<8x1024xf32, #tpu.memory_space<hbm>>
        tpu.enqueue_dma source(%dma_start3A_368 : memref<8x1024xf32, #tpu.memory_space<hbm>>) target(%dma_start3A_366 : memref<8x1024xf32, #tpu.memory_space<vmem>>) target_semaphore(%arg10 : memref<!tpu.dma_semaphore, #tpu.memory_space<semaphore_mem>>)
        %dma_start3A_369 = arith.constant 1 : i32
        %dma_start3A_370 = arith.constant 0 : i32
        %dma_start3A_371 = arith.constant 0 : i32
        %dma_start3A_372 = tpu.memref_slice %arg8[%dma_start3A_369, %dma_start3A_370, %dma_start3A_371] : memref<3x32x1024xf32, #tpu.memory_space<vmem>> -> memref<1x32x1024xf32, #tpu.memory_space<vmem>>
        %dma_start3A_373 = tpu.memref_squeeze %dma_start3A_372 : memref<1x32x1024xf32, #tpu.memory_space<vmem>> -> memref<32x1024xf32, #tpu.memory_space<vmem>>
        %dma_start3A_374 = arith.constant 0 : i32
        %dma_start3A_375 = tpu.memref_slice %arg6[%sub3A_352, %dma_start3A_374] : memref<16x32xi32, #tpu.memory_space<vmem>> -> memref<1x32xi32, #tpu.memory_space<vmem>>
        %dma_start3A_376 = tpu.memref_squeeze %dma_start3A_375 : memref<1x32xi32, #tpu.memory_space<vmem>> -> memref<32xi32, #tpu.memory_space<vmem>>
        %dma_start3A_377 = arith.constant 0 : i32
        %dma_start3A_378 = arith.constant 0 : i32
        %dma_start3A_379 = tpu.memref_slice %arg3[%dma_start3A_377, %dma_start3A_378] : memref<100000x1024xf32, #tpu.memory_space<hbm>> -> memref<100000x1024xf32, #tpu.memory_space<hbm>>
        tpu.enqueue_indirect_dma source(%dma_start3A_379 : memref<100000x1024xf32, #tpu.memory_space<hbm>>) target(%dma_start3A_373 : memref<32x1024xf32, #tpu.memory_space<vmem>>) offsets(%dma_start3A_376 : memref<32xi32, #tpu.memory_space<vmem>>) semaphore(%arg10 : memref<!tpu.dma_semaphore, #tpu.memory_space<semaphore_mem>>)
      } else {
      }
      %lt3A_284 = arith.constant 16 : i32
      %lt3A_285 = arith.cmpi slt, %add3A_274, %lt3A_284 : i32
      %convert_element_type3A_286 = arith.extui %lt3A_285 : i1 to i32
      %cond3A_287 = arith.constant 0 : i32
      %cond3A_288 = arith.cmpi ne, %convert_element_type3A_286, %cond3A_287 : i32
      scf.if %cond3A_288 {
        %dma_wait3A_289 = arith.constant 2 : i32
        %dma_wait3A_290 = arith.constant 0 : i32
        %dma_wait3A_291 = arith.constant 0 : i32
        %dma_wait3A_292 = tpu.memref_slice %arg7[%dma_wait3A_289, %dma_wait3A_290, %dma_wait3A_291] : memref<3x8x1024xf32, #tpu.memory_space<vmem>> -> memref<1x8x1024xf32, #tpu.memory_space<vmem>>
        %dma_wait3A_293 = tpu.memref_squeeze %dma_wait3A_292 : memref<1x8x1024xf32, #tpu.memory_space<vmem>> -> memref<8x1024xf32, #tpu.memory_space<vmem>>
        %dma_wait3A_294 = arith.constant 0 : i32
        %dma_wait3A_295 = arith.constant 0 : i32
        %dma_wait3A_296 = tpu.memref_slice %arg4[%dma_wait3A_294, %dma_wait3A_295] : memref<4096x1024xf32, #tpu.memory_space<hbm>> -> memref<8x1024xf32, #tpu.memory_space<hbm>>
        %dma_wait3A_297 = arith.constant 0 : i32
        %dma_wait3A_298 = arith.constant 0 : i32
        %dma_wait3A_299 = tpu.memref_slice %arg7[%dma_wait3A_289, %dma_wait3A_297, %dma_wait3A_298] : memref<3x8x1024xf32, #tpu.memory_space<vmem>> -> memref<1x8x1024xf32, #tpu.memory_space<vmem>>
        %dma_wait3A_300 = tpu.memref_squeeze %dma_wait3A_299 : memref<1x8x1024xf32, #tpu.memory_space<vmem>> -> memref<8x1024xf32, #tpu.memory_space<vmem>>
        %dma_wait3A_301 = arith.constant 0 : i32
        %dma_wait3A_302 = arith.constant 0 : i32
        %dma_wait3A_303 = tpu.memref_slice %arg4[%dma_wait3A_301, %dma_wait3A_302] : memref<4096x1024xf32, #tpu.memory_space<hbm>> -> memref<8x1024xf32, #tpu.memory_space<hbm>>
        tpu.wait_dma2 semaphore(%arg11 : memref<!tpu.dma_semaphore, #tpu.memory_space<semaphore_mem>>) src(%dma_wait3A_303 : memref<8x1024xf32, #tpu.memory_space<hbm>>) dst(%dma_wait3A_300 : memref<8x1024xf32, #tpu.memory_space<vmem>>)
        %dma_wait3A_304 = arith.constant 2 : i32
        %dma_wait3A_305 = arith.constant 0 : i32
        %dma_wait3A_306 = arith.constant 0 : i32
        %dma_wait3A_307 = tpu.memref_slice %arg8[%dma_wait3A_304, %dma_wait3A_305, %dma_wait3A_306] : memref<3x32x1024xf32, #tpu.memory_space<vmem>> -> memref<1x32x1024xf32, #tpu.memory_space<vmem>>
        %dma_wait3A_308 = tpu.memref_squeeze %dma_wait3A_307 : memref<1x32x1024xf32, #tpu.memory_space<vmem>> -> memref<32x1024xf32, #tpu.memory_space<vmem>>
        %dma_wait3A_309 = arith.constant 0 : i32
        %dma_wait3A_310 = arith.constant 0 : i32
        %dma_wait3A_311 = tpu.memref_slice %arg3[%dma_wait3A_309, %dma_wait3A_310] : memref<100000x1024xf32, #tpu.memory_space<hbm>> -> memref<32x1024xf32, #tpu.memory_space<hbm>>
        %dma_wait3A_312 = arith.constant 0 : i32
        %dma_wait3A_313 = arith.constant 0 : i32
        %dma_wait3A_314 = tpu.memref_slice %arg8[%dma_wait3A_304, %dma_wait3A_312, %dma_wait3A_313] : memref<3x32x1024xf32, #tpu.memory_space<vmem>> -> memref<1x32x1024xf32, #tpu.memory_space<vmem>>
        %dma_wait3A_315 = tpu.memref_squeeze %dma_wait3A_314 : memref<1x32x1024xf32, #tpu.memory_space<vmem>> -> memref<32x1024xf32, #tpu.memory_space<vmem>>
        %dma_wait3A_316 = arith.constant 0 : i32
        %dma_wait3A_317 = arith.constant 0 : i32
        %dma_wait3A_318 = tpu.memref_slice %arg3[%dma_wait3A_316, %dma_wait3A_317] : memref<100000x1024xf32, #tpu.memory_space<hbm>> -> memref<32x1024xf32, #tpu.memory_space<hbm>>
        tpu.wait_dma2 semaphore(%arg11 : memref<!tpu.dma_semaphore, #tpu.memory_space<semaphore_mem>>) src(%dma_wait3A_318 : memref<32x1024xf32, #tpu.memory_space<hbm>>) dst(%dma_wait3A_315 : memref<32x1024xf32, #tpu.memory_space<vmem>>)
        %parallel_loop3A = arith.constant 0 : i32
        %parallel_loop3A_319 = arith.constant 512 : i32
        %parallel_loop3A_320 = arith.constant 1 : i32
        scf.for %parallel_loop3A_388 = %parallel_loop3A to %parallel_loop3A_319 step %parallel_loop3A_320  : i32 {
          %parallel_loop3A_389 = arith.constant 6 : i32
          %parallel_loop3A_390 = arith.shrsi %parallel_loop3A_388, %parallel_loop3A_389 : i32
          %parallel_loop3A_391 = arith.constant 63 : i32
          %parallel_loop3A_392 = arith.andi %parallel_loop3A_388, %parallel_loop3A_391 : i32
          %parallel_loop3A_393 = arith.constant 16 : i32
          %parallel_loop3A_394 = arith.muli %parallel_loop3A_392, %parallel_loop3A_393 : i32
          %parallel_loop3A_395 = arith.constant 2 : i32
          %parallel_loop3A_396 = arith.index_cast %parallel_loop3A_395 : i32 to index
          %parallel_loop3A_397 = arith.index_cast %parallel_loop3A_390 : i32 to index
          %parallel_loop3A_398 = arith.index_cast %parallel_loop3A_394 : i32 to index
          %parallel_loop3A_399 = tpu.vector_load %arg7[%parallel_loop3A_396, %parallel_loop3A_397, %parallel_loop3A_398] {strides = array<i32>} : memref<3x8x1024xf32, #tpu.memory_space<vmem>>, vector<1x1x16xf32>,
          %parallel_loop3A_400 = vector.shape_cast %parallel_loop3A_399 : vector<1x1x16xf32> to vector<16xf32>
          %parallel_loop3A_401 = arith.constant 0 : i32
          %parallel_loop3A_402 = arith.addi %parallel_loop3A_401, %parallel_loop3A_390 : i32
          %parallel_loop3A_403 = arith.constant 2 : i32
          %parallel_loop3A_404 = arith.index_cast %parallel_loop3A_403 : i32 to index
          %parallel_loop3A_405 = arith.index_cast %parallel_loop3A_402 : i32 to index
          %parallel_loop3A_406 = arith.index_cast %parallel_loop3A_394 : i32 to index
          %parallel_loop3A_407 = tpu.vector_load %arg8[%parallel_loop3A_404, %parallel_loop3A_405, %parallel_loop3A_406] {strides = array<i32>} : memref<3x32x1024xf32, #tpu.memory_space<vmem>>, vector<1x1x16xf32>,
          %parallel_loop3A_408 = vector.shape_cast %parallel_loop3A_407 : vector<1x1x16xf32> to vector<16xf32>
          %parallel_loop3A_409 = arith.addf %parallel_loop3A_408, %parallel_loop3A_400 : vector<16xf32>
          %parallel_loop3A_410 = arith.constant 2 : i32
          %parallel_loop3A_411 = arith.index_cast %parallel_loop3A_410 : i32 to index
          %parallel_loop3A_412 = arith.index_cast %parallel_loop3A_402 : i32 to index
          %parallel_loop3A_413 = arith.index_cast %parallel_loop3A_394 : i32 to index
          %parallel_loop3A_414 = tpu.vector_load %arg8[%parallel_loop3A_411, %parallel_loop3A_412, %parallel_loop3A_413] {strides = array<i32>} : memref<3x32x1024xf32, #tpu.memory_space<vmem>>, vector<1x1x16xf32>,
          %parallel_loop3A_415 = vector.shape_cast %parallel_loop3A_414 : vector<1x1x16xf32> to vector<16xf32>
          %parallel_loop3A_416 = vector.shape_cast %parallel_loop3A_409 : vector<16xf32> to vector<1x1x16xf32>
          tpu.vector_store %arg8[%parallel_loop3A_411, %parallel_loop3A_412, %parallel_loop3A_413], %parallel_loop3A_416 {strides = array<i32>} : memref<3x32x1024xf32, #tpu.memory_space<vmem>>, vector<1x1x16xf32>,
          %parallel_loop3A_417 = arith.constant 8 : i32
          %parallel_loop3A_418 = arith.addi %parallel_loop3A_417, %parallel_loop3A_390 : i32
          %parallel_loop3A_419 = arith.constant 2 : i32
          %parallel_loop3A_420 = arith.index_cast %parallel_loop3A_419 : i32 to index
          %parallel_loop3A_421 = arith.index_cast %parallel_loop3A_418 : i32 to index
          %parallel_loop3A_422 = arith.index_cast %parallel_loop3A_394 : i32 to index
          %parallel_loop3A_423 = tpu.vector_load %arg8[%parallel_loop3A_420, %parallel_loop3A_421, %parallel_loop3A_422] {strides = array<i32>} : memref<3x32x1024xf32, #tpu.memory_space<vmem>>, vector<1x1x16xf32>,
          %parallel_loop3A_424 = vector.shape_cast %parallel_loop3A_423 : vector<1x1x16xf32> to vector<16xf32>
          %parallel_loop3A_425 = arith.addf %parallel_loop3A_424, %parallel_loop3A_400 : vector<16xf32>
          %parallel_loop3A_426 = arith.constant 2 : i32
          %parallel_loop3A_427 = arith.index_cast %parallel_loop3A_426 : i32 to index
          %parallel_loop3A_428 = arith.index_cast %parallel_loop3A_418 : i32 to index
          %parallel_loop3A_429 = arith.index_cast %parallel_loop3A_394 : i32 to index
          %parallel_loop3A_430 = tpu.vector_load %arg8[%parallel_loop3A_427, %parallel_loop3A_428, %parallel_loop3A_429] {strides = array<i32>} : memref<3x32x1024xf32, #tpu.memory_space<vmem>>, vector<1x1x16xf32>,
          %parallel_loop3A_431 = vector.shape_cast %parallel_loop3A_430 : vector<1x1x16xf32> to vector<16xf32>
          %parallel_loop3A_432 = vector.shape_cast %parallel_loop3A_425 : vector<16xf32> to vector<1x1x16xf32>
          tpu.vector_store %arg8[%parallel_loop3A_427, %parallel_loop3A_428, %parallel_loop3A_429], %parallel_loop3A_432 {strides = array<i32>} : memref<3x32x1024xf32, #tpu.memory_space<vmem>>, vector<1x1x16xf32>,
          %parallel_loop3A_433 = arith.constant 16 : i32
          %parallel_loop3A_434 = arith.addi %parallel_loop3A_433, %parallel_loop3A_390 : i32
          %parallel_loop3A_435 = arith.constant 2 : i32
          %parallel_loop3A_436 = arith.index_cast %parallel_loop3A_435 : i32 to index
          %parallel_loop3A_437 = arith.index_cast %parallel_loop3A_434 : i32 to index
          %parallel_loop3A_438 = arith.index_cast %parallel_loop3A_394 : i32 to index
          %parallel_loop3A_439 = tpu.vector_load %arg8[%parallel_loop3A_436, %parallel_loop3A_437, %parallel_loop3A_438] {strides = array<i32>} : memref<3x32x1024xf32, #tpu.memory_space<vmem>>, vector<1x1x16xf32>,
          %parallel_loop3A_440 = vector.shape_cast %parallel_loop3A_439 : vector<1x1x16xf32> to vector<16xf32>
          %parallel_loop3A_441 = arith.addf %parallel_loop3A_440, %parallel_loop3A_400 : vector<16xf32>
          %parallel_loop3A_442 = arith.constant 2 : i32
          %parallel_loop3A_443 = arith.index_cast %parallel_loop3A_442 : i32 to index
          %parallel_loop3A_444 = arith.index_cast %parallel_loop3A_434 : i32 to index
          %parallel_loop3A_445 = arith.index_cast %parallel_loop3A_394 : i32 to index
          %parallel_loop3A_446 = tpu.vector_load %arg8[%parallel_loop3A_443, %parallel_loop3A_444, %parallel_loop3A_445] {strides = array<i32>} : memref<3x32x1024xf32, #tpu.memory_space<vmem>>, vector<1x1x16xf32>,
          %parallel_loop3A_447 = vector.shape_cast %parallel_loop3A_446 : vector<1x1x16xf32> to vector<16xf32>
          %parallel_loop3A_448 = vector.shape_cast %parallel_loop3A_441 : vector<16xf32> to vector<1x1x16xf32>
          tpu.vector_store %arg8[%parallel_loop3A_443, %parallel_loop3A_444, %parallel_loop3A_445], %parallel_loop3A_448 {strides = array<i32>} : memref<3x32x1024xf32, #tpu.memory_space<vmem>>, vector<1x1x16xf32>,
          %parallel_loop3A_449 = arith.constant 24 : i32
          %parallel_loop3A_450 = arith.addi %parallel_loop3A_449, %parallel_loop3A_390 : i32
          %parallel_loop3A_451 = arith.constant 2 : i32
          %parallel_loop3A_452 = arith.index_cast %parallel_loop3A_451 : i32 to index
          %parallel_loop3A_453 = arith.index_cast %parallel_loop3A_450 : i32 to index
          %parallel_loop3A_454 = arith.index_cast %parallel_loop3A_394 : i32 to index
          %parallel_loop3A_455 = tpu.vector_load %arg8[%parallel_loop3A_452, %parallel_loop3A_453, %parallel_loop3A_454] {strides = array<i32>} : memref<3x32x1024xf32, #tpu.memory_space<vmem>>, vector<1x1x16xf32>,
          %parallel_loop3A_456 = vector.shape_cast %parallel_loop3A_455 : vector<1x1x16xf32> to vector<16xf32>
          %parallel_loop3A_457 = arith.addf %parallel_loop3A_456, %parallel_loop3A_400 : vector<16xf32>
          %parallel_loop3A_458 = arith.constant 2 : i32
          %parallel_loop3A_459 = arith.index_cast %parallel_loop3A_458 : i32 to index
          %parallel_loop3A_460 = arith.index_cast %parallel_loop3A_450 : i32 to index
          %parallel_loop3A_461 = arith.index_cast %parallel_loop3A_394 : i32 to index
          %parallel_loop3A_462 = tpu.vector_load %arg8[%parallel_loop3A_459, %parallel_loop3A_460, %parallel_loop3A_461] {strides = array<i32>} : memref<3x32x1024xf32, #tpu.memory_space<vmem>>, vector<1x1x16xf32>,
          %parallel_loop3A_463 = vector.shape_cast %parallel_loop3A_462 : vector<1x1x16xf32> to vector<16xf32>
          %parallel_loop3A_464 = vector.shape_cast %parallel_loop3A_457 : vector<16xf32> to vector<1x1x16xf32>
          tpu.vector_store %arg8[%parallel_loop3A_459, %parallel_loop3A_460, %parallel_loop3A_461], %parallel_loop3A_464 {strides = array<i32>} : memref<3x32x1024xf32, #tpu.memory_space<vmem>>, vector<1x1x16xf32>,
        } {sc.loop_unroll_factor = 4 : i64, sc.parallel_access}
        %mul3A_321 = arith.constant 8 : i32
        %mul3A_322 = arith.muli %add3A_274, %mul3A_321 : i32
        %add3A_323 = arith.addi %mul3A_2, %mul3A_322 : i32
        %dma_start3A_324 = arith.constant 2 : i32
        %dma_start3A_325 = arith.constant 0 : i32
        %dma_start3A_326 = arith.constant 0 : i32
        %dma_start3A_327 = arith.constant 0 : i32
        %dma_start3A_328 = tpu.memref_slice %arg8[%dma_start3A_324, %dma_start3A_326, %dma_start3A_327] : memref<3x32x1024xf32, #tpu.memory_space<vmem>> -> memref<1x8x1024xf32, #tpu.memory_space<vmem>>
        %dma_start3A_329 = tpu.memref_squeeze %dma_start3A_328 : memref<1x8x1024xf32, #tpu.memory_space<vmem>> -> memref<8x1024xf32, #tpu.memory_space<vmem>>
        %dma_start3A_330 = arith.constant 0 : i32
        %dma_start3A_331 = tpu.memref_slice %arg5[%dma_start3A_325, %add3A_323, %dma_start3A_330] : memref<4x4096x1024xf32, #tpu.memory_space<hbm>> -> memref<1x8x1024xf32, #tpu.memory_space<hbm>>
        %dma_start3A_332 = tpu.memref_squeeze %dma_start3A_331 : memref<1x8x1024xf32, #tpu.memory_space<hbm>> -> memref<8x1024xf32, #tpu.memory_space<hbm>>
        %dma_start3A_333 = arith.constant 0 : i32
        %dma_start3A_334 = tpu.memref_slice %arg5[%dma_start3A_325, %add3A_323, %dma_start3A_333] : memref<4x4096x1024xf32, #tpu.memory_space<hbm>> -> memref<1x8x1024xf32, #tpu.memory_space<hbm>>
        %dma_start3A_335 = tpu.memref_squeeze %dma_start3A_334 : memref<1x8x1024xf32, #tpu.memory_space<hbm>> -> memref<8x1024xf32, #tpu.memory_space<hbm>>
        %dma_start3A_336 = arith.constant 0 : i32
        %dma_start3A_337 = arith.constant 0 : i32
        %dma_start3A_338 = tpu.memref_slice %arg8[%dma_start3A_324, %dma_start3A_336, %dma_start3A_337] : memref<3x32x1024xf32, #tpu.memory_space<vmem>> -> memref<1x8x1024xf32, #tpu.memory_space<vmem>>
        %dma_start3A_339 = tpu.memref_squeeze %dma_start3A_338 : memref<1x8x1024xf32, #tpu.memory_space<vmem>> -> memref<8x1024xf32, #tpu.memory_space<vmem>>
        tpu.enqueue_dma source(%dma_start3A_339 : memref<8x1024xf32, #tpu.memory_space<vmem>>) target(%dma_start3A_335 : memref<8x1024xf32, #tpu.memory_space<hbm>>) target_semaphore(%arg14 : memref<!tpu.dma_semaphore, #tpu.memory_space<semaphore_mem>>)
        %dma_start3A_340 = arith.constant 2 : i32
        %dma_start3A_341 = arith.constant 1 : i32
        %dma_start3A_342 = arith.constant 8 : i32
        %dma_start3A_343 = arith.constant 0 : i32
        %dma_start3A_344 = tpu.memref_slice %arg8[%dma_start3A_340, %dma_start3A_342, %dma_start3A_343] : memref<3x32x1024xf32, #tpu.memory_space<vmem>> -> memref<1x8x1024xf32, #tpu.memory_space<vmem>>
        %dma_start3A_345 = tpu.memref_squeeze %dma_start3A_344 : memref<1x8x1024xf32, #tpu.memory_space<vmem>> -> memref<8x1024xf32, #tpu.memory_space<vmem>>
        %dma_start3A_346 = arith.constant 0 : i32
        %dma_start3A_347 = tpu.memref_slice %arg5[%dma_start3A_341, %add3A_323, %dma_start3A_346] : memref<4x4096x1024xf32, #tpu.memory_space<hbm>> -> memref<1x8x1024xf32, #tpu.memory_space<hbm>>
        %dma_start3A_348 = tpu.memref_squeeze %dma_start3A_347 : memref<1x8x1024xf32, #tpu.memory_space<hbm>> -> memref<8x1024xf32, #tpu.memory_space<hbm>>
        %dma_start3A_349 = arith.constant 0 : i32
        %dma_start3A_350 = tpu.memref_slice %arg5[%dma_start3A_341, %add3A_323, %dma_start3A_349] : memref<4x4096x1024xf32, #tpu.memory_space<hbm>> -> memref<1x8x1024xf32, #tpu.memory_space<hbm>>
        %dma_start3A_351 = tpu.memref_squeeze %dma_start3A_350 : memref<1x8x1024xf32, #tpu.memory_space<hbm>> -> memref<8x1024xf32, #tpu.memory_space<hbm>>
        %dma_start3A_352 = arith.constant 8 : i32
        %dma_start3A_353 = arith.constant 0 : i32
        %dma_start3A_354 = tpu.memref_slice %arg8[%dma_start3A_340, %dma_start3A_352, %dma_start3A_353] : memref<3x32x1024xf32, #tpu.memory_space<vmem>> -> memref<1x8x1024xf32, #tpu.memory_space<vmem>>
        %dma_start3A_355 = tpu.memref_squeeze %dma_start3A_354 : memref<1x8x1024xf32, #tpu.memory_space<vmem>> -> memref<8x1024xf32, #tpu.memory_space<vmem>>
        tpu.enqueue_dma source(%dma_start3A_355 : memref<8x1024xf32, #tpu.memory_space<vmem>>) target(%dma_start3A_351 : memref<8x1024xf32, #tpu.memory_space<hbm>>) target_semaphore(%arg14 : memref<!tpu.dma_semaphore, #tpu.memory_space<semaphore_mem>>)
        %dma_start3A_356 = arith.constant 2 : i32
        %dma_start3A_357 = arith.constant 2 : i32
        %dma_start3A_358 = arith.constant 16 : i32
        %dma_start3A_359 = arith.constant 0 : i32
        %dma_start3A_360 = tpu.memref_slice %arg8[%dma_start3A_356, %dma_start3A_358, %dma_start3A_359] : memref<3x32x1024xf32, #tpu.memory_space<vmem>> -> memref<1x8x1024xf32, #tpu.memory_space<vmem>>
        %dma_start3A_361 = tpu.memref_squeeze %dma_start3A_360 : memref<1x8x1024xf32, #tpu.memory_space<vmem>> -> memref<8x1024xf32, #tpu.memory_space<vmem>>
        %dma_start3A_362 = arith.constant 0 : i32
        %dma_start3A_363 = tpu.memref_slice %arg5[%dma_start3A_357, %add3A_323, %dma_start3A_362] : memref<4x4096x1024xf32, #tpu.memory_space<hbm>> -> memref<1x8x1024xf32, #tpu.memory_space<hbm>>
        %dma_start3A_364 = tpu.memref_squeeze %dma_start3A_363 : memref<1x8x1024xf32, #tpu.memory_space<hbm>> -> memref<8x1024xf32, #tpu.memory_space<hbm>>
        %dma_start3A_365 = arith.constant 0 : i32
        %dma_start3A_366 = tpu.memref_slice %arg5[%dma_start3A_357, %add3A_323, %dma_start3A_365] : memref<4x4096x1024xf32, #tpu.memory_space<hbm>> -> memref<1x8x1024xf32, #tpu.memory_space<hbm>>
        %dma_start3A_367 = tpu.memref_squeeze %dma_start3A_366 : memref<1x8x1024xf32, #tpu.memory_space<hbm>> -> memref<8x1024xf32, #tpu.memory_space<hbm>>
        %dma_start3A_368 = arith.constant 16 : i32
        %dma_start3A_369 = arith.constant 0 : i32
        %dma_start3A_370 = tpu.memref_slice %arg8[%dma_start3A_356, %dma_start3A_368, %dma_start3A_369] : memref<3x32x1024xf32, #tpu.memory_space<vmem>> -> memref<1x8x1024xf32, #tpu.memory_space<vmem>>
        %dma_start3A_371 = tpu.memref_squeeze %dma_start3A_370 : memref<1x8x1024xf32, #tpu.memory_space<vmem>> -> memref<8x1024xf32, #tpu.memory_space<vmem>>
        tpu.enqueue_dma source(%dma_start3A_371 : memref<8x1024xf32, #tpu.memory_space<vmem>>) target(%dma_start3A_367 : memref<8x1024xf32, #tpu.memory_space<hbm>>) target_semaphore(%arg14 : memref<!tpu.dma_semaphore, #tpu.memory_space<semaphore_mem>>)
        %dma_start3A_372 = arith.constant 2 : i32
        %dma_start3A_373 = arith.constant 3 : i32
        %dma_start3A_374 = arith.constant 24 : i32
        %dma_start3A_375 = arith.constant 0 : i32
        %dma_start3A_376 = tpu.memref_slice %arg8[%dma_start3A_372, %dma_start3A_374, %dma_start3A_375] : memref<3x32x1024xf32, #tpu.memory_space<vmem>> -> memref<1x8x1024xf32, #tpu.memory_space<vmem>>
        %dma_start3A_377 = tpu.memref_squeeze %dma_start3A_376 : memref<1x8x1024xf32, #tpu.memory_space<vmem>> -> memref<8x1024xf32, #tpu.memory_space<vmem>>
        %dma_start3A_378 = arith.constant 0 : i32
        %dma_start3A_379 = tpu.memref_slice %arg5[%dma_start3A_373, %add3A_323, %dma_start3A_378] : memref<4x4096x1024xf32, #tpu.memory_space<hbm>> -> memref<1x8x1024xf32, #tpu.memory_space<hbm>>
        %dma_start3A_380 = tpu.memref_squeeze %dma_start3A_379 : memref<1x8x1024xf32, #tpu.memory_space<hbm>> -> memref<8x1024xf32, #tpu.memory_space<hbm>>
        %dma_start3A_381 = arith.constant 0 : i32
        %dma_start3A_382 = tpu.memref_slice %arg5[%dma_start3A_373, %add3A_323, %dma_start3A_381] : memref<4x4096x1024xf32, #tpu.memory_space<hbm>> -> memref<1x8x1024xf32, #tpu.memory_space<hbm>>
        %dma_start3A_383 = tpu.memref_squeeze %dma_start3A_382 : memref<1x8x1024xf32, #tpu.memory_space<hbm>> -> memref<8x1024xf32, #tpu.memory_space<hbm>>
        %dma_start3A_384 = arith.constant 24 : i32
        %dma_start3A_385 = arith.constant 0 : i32
        %dma_start3A_386 = tpu.memref_slice %arg8[%dma_start3A_372, %dma_start3A_384, %dma_start3A_385] : memref<3x32x1024xf32, #tpu.memory_space<vmem>> -> memref<1x8x1024xf32, #tpu.memory_space<vmem>>
        %dma_start3A_387 = tpu.memref_squeeze %dma_start3A_386 : memref<1x8x1024xf32, #tpu.memory_space<vmem>> -> memref<8x1024xf32, #tpu.memory_space<vmem>>
        tpu.enqueue_dma source(%dma_start3A_387 : memref<8x1024xf32, #tpu.memory_space<vmem>>) target(%dma_start3A_383 : memref<8x1024xf32, #tpu.memory_space<hbm>>) target_semaphore(%arg14 : memref<!tpu.dma_semaphore, #tpu.memory_space<semaphore_mem>>)
      } else {
      }
    }
    %scan3A_62 = arith.constant 6 : i32
    %dma_wait3A = arith.constant 0 : i32
    %dma_wait3A_63 = arith.constant 0 : i32
    %dma_wait3A_64 = arith.constant 0 : i32
    %dma_wait3A_65 = tpu.memref_slice %arg7[%dma_wait3A, %dma_wait3A_63, %dma_wait3A_64] : memref<3x8x1024xf32, #tpu.memory_space<vmem>> -> memref<1x8x1024xf32, #tpu.memory_space<vmem>>
    %dma_wait3A_66 = tpu.memref_squeeze %dma_wait3A_65 : memref<1x8x1024xf32, #tpu.memory_space<vmem>> -> memref<8x1024xf32, #tpu.memory_space<vmem>>
    %dma_wait3A_67 = arith.constant 0 : i32
    %dma_wait3A_68 = arith.constant 0 : i32
    %dma_wait3A_69 = tpu.memref_slice %arg4[%dma_wait3A_67, %dma_wait3A_68] : memref<4096x1024xf32, #tpu.memory_space<hbm>> -> memref<8x1024xf32, #tpu.memory_space<hbm>>
    %dma_wait3A_70 = arith.constant 0 : i32
    %dma_wait3A_71 = arith.constant 0 : i32
    %dma_wait3A_72 = tpu.memref_slice %arg7[%dma_wait3A, %dma_wait3A_70, %dma_wait3A_71] : memref<3x8x1024xf32, #tpu.memory_space<vmem>> -> memref<1x8x1024xf32, #tpu.memory_space<vmem>>
    %dma_wait3A_73 = tpu.memref_squeeze %dma_wait3A_72 : memref<1x8x1024xf32, #tpu.memory_space<vmem>> -> memref<8x1024xf32, #tpu.memory_space<vmem>>
    %dma_wait3A_74 = arith.constant 0 : i32
    %dma_wait3A_75 = arith.constant 0 : i32
    %dma_wait3A_76 = tpu.memref_slice %arg4[%dma_wait3A_74, %dma_wait3A_75] : memref<4096x1024xf32, #tpu.memory_space<hbm>> -> memref<8x1024xf32, #tpu.memory_space<hbm>>
    tpu.wait_dma2 semaphore(%arg12 : memref<!tpu.dma_semaphore, #tpu.memory_space<semaphore_mem>>) src(%dma_wait3A_76 : memref<8x1024xf32, #tpu.memory_space<hbm>>) dst(%dma_wait3A_73 : memref<8x1024xf32, #tpu.memory_space<vmem>>)
    %dma_wait3A_77 = arith.constant 0 : i32
    %dma_wait3A_78 = arith.constant 0 : i32
    %dma_wait3A_79 = arith.constant 0 : i32
    %dma_wait3A_80 = tpu.memref_slice %arg7[%dma_wait3A_77, %dma_wait3A_78, %dma_wait3A_79] : memref<3x8x1024xf32, #tpu.memory_space<vmem>> -> memref<1x8x1024xf32, #tpu.memory_space<vmem>>
    %dma_wait3A_81 = tpu.memref_squeeze %dma_wait3A_80 : memref<1x8x1024xf32, #tpu.memory_space<vmem>> -> memref<8x1024xf32, #tpu.memory_space<vmem>>
    %dma_wait3A_82 = arith.constant 0 : i32
    %dma_wait3A_83 = arith.constant 0 : i32
    %dma_wait3A_84 = tpu.memref_slice %arg4[%dma_wait3A_82, %dma_wait3A_83] : memref<4096x1024xf32, #tpu.memory_space<hbm>> -> memref<8x1024xf32, #tpu.memory_space<hbm>>
    %dma_wait3A_85 = arith.constant 0 : i32
    %dma_wait3A_86 = arith.constant 0 : i32
    %dma_wait3A_87 = tpu.memref_slice %arg7[%dma_wait3A_77, %dma_wait3A_85, %dma_wait3A_86] : memref<3x8x1024xf32, #tpu.memory_space<vmem>> -> memref<1x8x1024xf32, #tpu.memory_space<vmem>>
    %dma_wait3A_88 = tpu.memref_squeeze %dma_wait3A_87 : memref<1x8x1024xf32, #tpu.memory_space<vmem>> -> memref<8x1024xf32, #tpu.memory_space<vmem>>
    %dma_wait3A_89 = arith.constant 0 : i32
    %dma_wait3A_90 = arith.constant 0 : i32
    %dma_wait3A_91 = tpu.memref_slice %arg4[%dma_wait3A_89, %dma_wait3A_90] : memref<4096x1024xf32, #tpu.memory_space<hbm>> -> memref<8x1024xf32, #tpu.memory_space<hbm>>
    tpu.wait_dma2 semaphore(%arg12 : memref<!tpu.dma_semaphore, #tpu.memory_space<semaphore_mem>>) src(%dma_wait3A_91 : memref<8x1024xf32, #tpu.memory_space<hbm>>) dst(%dma_wait3A_88 : memref<8x1024xf32, #tpu.memory_space<vmem>>)
    %dma_wait3A_92 = arith.constant 0 : i32
    %dma_wait3A_93 = arith.constant 0 : i32
    %dma_wait3A_94 = arith.constant 0 : i32
    %dma_wait3A_95 = tpu.memref_slice %arg7[%dma_wait3A_92, %dma_wait3A_93, %dma_wait3A_94] : memref<3x8x1024xf32, #tpu.memory_space<vmem>> -> memref<1x8x1024xf32, #tpu.memory_space<vmem>>
    %dma_wait3A_96 = tpu.memref_squeeze %dma_wait3A_95 : memref<1x8x1024xf32, #tpu.memory_space<vmem>> -> memref<8x1024xf32, #tpu.memory_space<vmem>>
    %dma_wait3A_97 = arith.constant 0 : i32
    %dma_wait3A_98 = arith.constant 0 : i32
    %dma_wait3A_99 = tpu.memref_slice %arg4[%dma_wait3A_97, %dma_wait3A_98] : memref<4096x1024xf32, #tpu.memory_space<hbm>> -> memref<8x1024xf32, #tpu.memory_space<hbm>>
    %dma_wait3A_100 = arith.constant 0 : i32
    %dma_wait3A_101 = arith.constant 0 : i32
    %dma_wait3A_102 = tpu.memref_slice %arg7[%dma_wait3A_92, %dma_wait3A_100, %dma_wait3A_101] : memref<3x8x1024xf32, #tpu.memory_space<vmem>> -> memref<1x8x1024xf32, #tpu.memory_space<vmem>>
    %dma_wait3A_103 = tpu.memref_squeeze %dma_wait3A_102 : memref<1x8x1024xf32, #tpu.memory_space<vmem>> -> memref<8x1024xf32, #tpu.memory_space<vmem>>
    %dma_wait3A_104 = arith.constant 0 : i32
    %dma_wait3A_105 = arith.constant 0 : i32
    %dma_wait3A_106 = tpu.memref_slice %arg4[%dma_wait3A_104, %dma_wait3A_105] : memref<4096x1024xf32, #tpu.memory_space<hbm>> -> memref<8x1024xf32, #tpu.memory_space<hbm>>
    tpu.wait_dma2 semaphore(%arg12 : memref<!tpu.dma_semaphore, #tpu.memory_space<semaphore_mem>>) src(%dma_wait3A_106 : memref<8x1024xf32, #tpu.memory_space<hbm>>) dst(%dma_wait3A_103 : memref<8x1024xf32, #tpu.memory_space<vmem>>)
    %dma_wait3A_107 = arith.constant 0 : i32
    %dma_wait3A_108 = arith.constant 0 : i32
    %dma_wait3A_109 = arith.constant 0 : i32
    %dma_wait3A_110 = tpu.memref_slice %arg7[%dma_wait3A_107, %dma_wait3A_108, %dma_wait3A_109] : memref<3x8x1024xf32, #tpu.memory_space<vmem>> -> memref<1x8x1024xf32, #tpu.memory_space<vmem>>
    %dma_wait3A_111 = tpu.memref_squeeze %dma_wait3A_110 : memref<1x8x1024xf32, #tpu.memory_space<vmem>> -> memref<8x1024xf32, #tpu.memory_space<vmem>>
    %dma_wait3A_112 = arith.constant 0 : i32
    %dma_wait3A_113 = arith.constant 0 : i32
    %dma_wait3A_114 = tpu.memref_slice %arg4[%dma_wait3A_112, %dma_wait3A_113] : memref<4096x1024xf32, #tpu.memory_space<hbm>> -> memref<8x1024xf32, #tpu.memory_space<hbm>>
    %dma_wait3A_115 = arith.constant 0 : i32
    %dma_wait3A_116 = arith.constant 0 : i32
    %dma_wait3A_117 = tpu.memref_slice %arg7[%dma_wait3A_107, %dma_wait3A_115, %dma_wait3A_116] : memref<3x8x1024xf32, #tpu.memory_space<vmem>> -> memref<1x8x1024xf32, #tpu.memory_space<vmem>>
    %dma_wait3A_118 = tpu.memref_squeeze %dma_wait3A_117 : memref<1x8x1024xf32, #tpu.memory_space<vmem>> -> memref<8x1024xf32, #tpu.memory_space<vmem>>
    %dma_wait3A_119 = arith.constant 0 : i32
    %dma_wait3A_120 = arith.constant 0 : i32
    %dma_wait3A_121 = tpu.memref_slice %arg4[%dma_wait3A_119, %dma_wait3A_120] : memref<4096x1024xf32, #tpu.memory_space<hbm>> -> memref<8x1024xf32, #tpu.memory_space<hbm>>
    tpu.wait_dma2 semaphore(%arg12 : memref<!tpu.dma_semaphore, #tpu.memory_space<semaphore_mem>>) src(%dma_wait3A_121 : memref<8x1024xf32, #tpu.memory_space<hbm>>) dst(%dma_wait3A_118 : memref<8x1024xf32, #tpu.memory_space<vmem>>)
    %dma_wait3A_122 = arith.constant 1 : i32
    %dma_wait3A_123 = arith.constant 0 : i32
    %dma_wait3A_124 = arith.constant 0 : i32
    %dma_wait3A_125 = tpu.memref_slice %arg7[%dma_wait3A_122, %dma_wait3A_123, %dma_wait3A_124] : memref<3x8x1024xf32, #tpu.memory_space<vmem>> -> memref<1x8x1024xf32, #tpu.memory_space<vmem>>
    %dma_wait3A_126 = tpu.memref_squeeze %dma_wait3A_125 : memref<1x8x1024xf32, #tpu.memory_space<vmem>> -> memref<8x1024xf32, #tpu.memory_space<vmem>>
    %dma_wait3A_127 = arith.constant 0 : i32
    %dma_wait3A_128 = arith.constant 0 : i32
    %dma_wait3A_129 = tpu.memref_slice %arg4[%dma_wait3A_127, %dma_wait3A_128] : memref<4096x1024xf32, #tpu.memory_space<hbm>> -> memref<8x1024xf32, #tpu.memory_space<hbm>>
    %dma_wait3A_130 = arith.constant 0 : i32
    %dma_wait3A_131 = arith.constant 0 : i32
    %dma_wait3A_132 = tpu.memref_slice %arg7[%dma_wait3A_122, %dma_wait3A_130, %dma_wait3A_131] : memref<3x8x1024xf32, #tpu.memory_space<vmem>> -> memref<1x8x1024xf32, #tpu.memory_space<vmem>>
    %dma_wait3A_133 = tpu.memref_squeeze %dma_wait3A_132 : memref<1x8x1024xf32, #tpu.memory_space<vmem>> -> memref<8x1024xf32, #tpu.memory_space<vmem>>
    %dma_wait3A_134 = arith.constant 0 : i32
    %dma_wait3A_135 = arith.constant 0 : i32
    %dma_wait3A_136 = tpu.memref_slice %arg4[%dma_wait3A_134, %dma_wait3A_135] : memref<4096x1024xf32, #tpu.memory_space<hbm>> -> memref<8x1024xf32, #tpu.memory_space<hbm>>
    tpu.wait_dma2 semaphore(%arg13 : memref<!tpu.dma_semaphore, #tpu.memory_space<semaphore_mem>>) src(%dma_wait3A_136 : memref<8x1024xf32, #tpu.memory_space<hbm>>) dst(%dma_wait3A_133 : memref<8x1024xf32, #tpu.memory_space<vmem>>)
    %dma_wait3A_137 = arith.constant 1 : i32
    %dma_wait3A_138 = arith.constant 0 : i32
    %dma_wait3A_139 = arith.constant 0 : i32
    %dma_wait3A_140 = tpu.memref_slice %arg7[%dma_wait3A_137, %dma_wait3A_138, %dma_wait3A_139] : memref<3x8x1024xf32, #tpu.memory_space<vmem>> -> memref<1x8x1024xf32, #tpu.memory_space<vmem>>
    %dma_wait3A_141 = tpu.memref_squeeze %dma_wait3A_140 : memref<1x8x1024xf32, #tpu.memory_space<vmem>> -> memref<8x1024xf32, #tpu.memory_space<vmem>>
    %dma_wait3A_142 = arith.constant 0 : i32
    %dma_wait3A_143 = arith.constant 0 : i32
    %dma_wait3A_144 = tpu.memref_slice %arg4[%dma_wait3A_142, %dma_wait3A_143] : memref<4096x1024xf32, #tpu.memory_space<hbm>> -> memref<8x1024xf32, #tpu.memory_space<hbm>>
    %dma_wait3A_145 = arith.constant 0 : i32
    %dma_wait3A_146 = arith.constant 0 : i32
    %dma_wait3A_147 = tpu.memref_slice %arg7[%dma_wait3A_137, %dma_wait3A_145, %dma_wait3A_146] : memref<3x8x1024xf32, #tpu.memory_space<vmem>> -> memref<1x8x1024xf32, #tpu.memory_space<vmem>>
    %dma_wait3A_148 = tpu.memref_squeeze %dma_wait3A_147 : memref<1x8x1024xf32, #tpu.memory_space<vmem>> -> memref<8x1024xf32, #tpu.memory_space<vmem>>
    %dma_wait3A_149 = arith.constant 0 : i32
    %dma_wait3A_150 = arith.constant 0 : i32
    %dma_wait3A_151 = tpu.memref_slice %arg4[%dma_wait3A_149, %dma_wait3A_150] : memref<4096x1024xf32, #tpu.memory_space<hbm>> -> memref<8x1024xf32, #tpu.memory_space<hbm>>
    tpu.wait_dma2 semaphore(%arg13 : memref<!tpu.dma_semaphore, #tpu.memory_space<semaphore_mem>>) src(%dma_wait3A_151 : memref<8x1024xf32, #tpu.memory_space<hbm>>) dst(%dma_wait3A_148 : memref<8x1024xf32, #tpu.memory_space<vmem>>)
    %dma_wait3A_152 = arith.constant 1 : i32
    %dma_wait3A_153 = arith.constant 0 : i32
    %dma_wait3A_154 = arith.constant 0 : i32
    %dma_wait3A_155 = tpu.memref_slice %arg7[%dma_wait3A_152, %dma_wait3A_153, %dma_wait3A_154] : memref<3x8x1024xf32, #tpu.memory_space<vmem>> -> memref<1x8x1024xf32, #tpu.memory_space<vmem>>
    %dma_wait3A_156 = tpu.memref_squeeze %dma_wait3A_155 : memref<1x8x1024xf32, #tpu.memory_space<vmem>> -> memref<8x1024xf32, #tpu.memory_space<vmem>>
    %dma_wait3A_157 = arith.constant 0 : i32
    %dma_wait3A_158 = arith.constant 0 : i32
    %dma_wait3A_159 = tpu.memref_slice %arg4[%dma_wait3A_157, %dma_wait3A_158] : memref<4096x1024xf32, #tpu.memory_space<hbm>> -> memref<8x1024xf32, #tpu.memory_space<hbm>>
    %dma_wait3A_160 = arith.constant 0 : i32
    %dma_wait3A_161 = arith.constant 0 : i32
    %dma_wait3A_162 = tpu.memref_slice %arg7[%dma_wait3A_152, %dma_wait3A_160, %dma_wait3A_161] : memref<3x8x1024xf32, #tpu.memory_space<vmem>> -> memref<1x8x1024xf32, #tpu.memory_space<vmem>>
    %dma_wait3A_163 = tpu.memref_squeeze %dma_wait3A_162 : memref<1x8x1024xf32, #tpu.memory_space<vmem>> -> memref<8x1024xf32, #tpu.memory_space<vmem>>
    %dma_wait3A_164 = arith.constant 0 : i32
    %dma_wait3A_165 = arith.constant 0 : i32
    %dma_wait3A_166 = tpu.memref_slice %arg4[%dma_wait3A_164, %dma_wait3A_165] : memref<4096x1024xf32, #tpu.memory_space<hbm>> -> memref<8x1024xf32, #tpu.memory_space<hbm>>
    tpu.wait_dma2 semaphore(%arg13 : memref<!tpu.dma_semaphore, #tpu.memory_space<semaphore_mem>>) src(%dma_wait3A_166 : memref<8x1024xf32, #tpu.memory_space<hbm>>) dst(%dma_wait3A_163 : memref<8x1024xf32, #tpu.memory_space<vmem>>)
    %dma_wait3A_167 = arith.constant 1 : i32
    %dma_wait3A_168 = arith.constant 0 : i32
    %dma_wait3A_169 = arith.constant 0 : i32
    %dma_wait3A_170 = tpu.memref_slice %arg7[%dma_wait3A_167, %dma_wait3A_168, %dma_wait3A_169] : memref<3x8x1024xf32, #tpu.memory_space<vmem>> -> memref<1x8x1024xf32, #tpu.memory_space<vmem>>
    %dma_wait3A_171 = tpu.memref_squeeze %dma_wait3A_170 : memref<1x8x1024xf32, #tpu.memory_space<vmem>> -> memref<8x1024xf32, #tpu.memory_space<vmem>>
    %dma_wait3A_172 = arith.constant 0 : i32
    %dma_wait3A_173 = arith.constant 0 : i32
    %dma_wait3A_174 = tpu.memref_slice %arg4[%dma_wait3A_172, %dma_wait3A_173] : memref<4096x1024xf32, #tpu.memory_space<hbm>> -> memref<8x1024xf32, #tpu.memory_space<hbm>>
    %dma_wait3A_175 = arith.constant 0 : i32
    %dma_wait3A_176 = arith.constant 0 : i32
    %dma_wait3A_177 = tpu.memref_slice %arg7[%dma_wait3A_167, %dma_wait3A_175, %dma_wait3A_176] : memref<3x8x1024xf32, #tpu.memory_space<vmem>> -> memref<1x8x1024xf32, #tpu.memory_space<vmem>>
    %dma_wait3A_178 = tpu.memref_squeeze %dma_wait3A_177 : memref<1x8x1024xf32, #tpu.memory_space<vmem>> -> memref<8x1024xf32, #tpu.memory_space<vmem>>
    %dma_wait3A_179 = arith.constant 0 : i32
    %dma_wait3A_180 = arith.constant 0 : i32
    %dma_wait3A_181 = tpu.memref_slice %arg4[%dma_wait3A_179, %dma_wait3A_180] : memref<4096x1024xf32, #tpu.memory_space<hbm>> -> memref<8x1024xf32, #tpu.memory_space<hbm>>
    tpu.wait_dma2 semaphore(%arg13 : memref<!tpu.dma_semaphore, #tpu.memory_space<semaphore_mem>>) src(%dma_wait3A_181 : memref<8x1024xf32, #tpu.memory_space<hbm>>) dst(%dma_wait3A_178 : memref<8x1024xf32, #tpu.memory_space<vmem>>)
    %dma_wait3A_182 = arith.constant 2 : i32
    %dma_wait3A_183 = arith.constant 0 : i32
    %dma_wait3A_184 = arith.constant 0 : i32
    %dma_wait3A_185 = tpu.memref_slice %arg7[%dma_wait3A_182, %dma_wait3A_183, %dma_wait3A_184] : memref<3x8x1024xf32, #tpu.memory_space<vmem>> -> memref<1x8x1024xf32, #tpu.memory_space<vmem>>
    %dma_wait3A_186 = tpu.memref_squeeze %dma_wait3A_185 : memref<1x8x1024xf32, #tpu.memory_space<vmem>> -> memref<8x1024xf32, #tpu.memory_space<vmem>>
    %dma_wait3A_187 = arith.constant 0 : i32
    %dma_wait3A_188 = arith.constant 0 : i32
    %dma_wait3A_189 = tpu.memref_slice %arg4[%dma_wait3A_187, %dma_wait3A_188] : memref<4096x1024xf32, #tpu.memory_space<hbm>> -> memref<8x1024xf32, #tpu.memory_space<hbm>>
    %dma_wait3A_190 = arith.constant 0 : i32
    %dma_wait3A_191 = arith.constant 0 : i32
    %dma_wait3A_192 = tpu.memref_slice %arg7[%dma_wait3A_182, %dma_wait3A_190, %dma_wait3A_191] : memref<3x8x1024xf32, #tpu.memory_space<vmem>> -> memref<1x8x1024xf32, #tpu.memory_space<vmem>>
    %dma_wait3A_193 = tpu.memref_squeeze %dma_wait3A_192 : memref<1x8x1024xf32, #tpu.memory_space<vmem>> -> memref<8x1024xf32, #tpu.memory_space<vmem>>
    %dma_wait3A_194 = arith.constant 0 : i32
    %dma_wait3A_195 = arith.constant 0 : i32
    %dma_wait3A_196 = tpu.memref_slice %arg4[%dma_wait3A_194, %dma_wait3A_195] : memref<4096x1024xf32, #tpu.memory_space<hbm>> -> memref<8x1024xf32, #tpu.memory_space<hbm>>
    tpu.wait_dma2 semaphore(%arg14 : memref<!tpu.dma_semaphore, #tpu.memory_space<semaphore_mem>>) src(%dma_wait3A_196 : memref<8x1024xf32, #tpu.memory_space<hbm>>) dst(%dma_wait3A_193 : memref<8x1024xf32, #tpu.memory_space<vmem>>)
    %dma_wait3A_197 = arith.constant 2 : i32
    %dma_wait3A_198 = arith.constant 0 : i32
    %dma_wait3A_199 = arith.constant 0 : i32
    %dma_wait3A_200 = tpu.memref_slice %arg7[%dma_wait3A_197, %dma_wait3A_198, %dma_wait3A_199] : memref<3x8x1024xf32, #tpu.memory_space<vmem>> -> memref<1x8x1024xf32, #tpu.memory_space<vmem>>
    %dma_wait3A_201 = tpu.memref_squeeze %dma_wait3A_200 : memref<1x8x1024xf32, #tpu.memory_space<vmem>> -> memref<8x1024xf32, #tpu.memory_space<vmem>>
    %dma_wait3A_202 = arith.constant 0 : i32
    %dma_wait3A_203 = arith.constant 0 : i32
    %dma_wait3A_204 = tpu.memref_slice %arg4[%dma_wait3A_202, %dma_wait3A_203] : memref<4096x1024xf32, #tpu.memory_space<hbm>> -> memref<8x1024xf32, #tpu.memory_space<hbm>>
    %dma_wait3A_205 = arith.constant 0 : i32
    %dma_wait3A_206 = arith.constant 0 : i32
    %dma_wait3A_207 = tpu.memref_slice %arg7[%dma_wait3A_197, %dma_wait3A_205, %dma_wait3A_206] : memref<3x8x1024xf32, #tpu.memory_space<vmem>> -> memref<1x8x1024xf32, #tpu.memory_space<vmem>>
    %dma_wait3A_208 = tpu.memref_squeeze %dma_wait3A_207 : memref<1x8x1024xf32, #tpu.memory_space<vmem>> -> memref<8x1024xf32, #tpu.memory_space<vmem>>
    %dma_wait3A_209 = arith.constant 0 : i32
    %dma_wait3A_210 = arith.constant 0 : i32
    %dma_wait3A_211 = tpu.memref_slice %arg4[%dma_wait3A_209, %dma_wait3A_210] : memref<4096x1024xf32, #tpu.memory_space<hbm>> -> memref<8x1024xf32, #tpu.memory_space<hbm>>
    tpu.wait_dma2 semaphore(%arg14 : memref<!tpu.dma_semaphore, #tpu.memory_space<semaphore_mem>>) src(%dma_wait3A_211 : memref<8x1024xf32, #tpu.memory_space<hbm>>) dst(%dma_wait3A_208 : memref<8x1024xf32, #tpu.memory_space<vmem>>)
    %dma_wait3A_212 = arith.constant 2 : i32
    %dma_wait3A_213 = arith.constant 0 : i32
    %dma_wait3A_214 = arith.constant 0 : i32
    %dma_wait3A_215 = tpu.memref_slice %arg7[%dma_wait3A_212, %dma_wait3A_213, %dma_wait3A_214] : memref<3x8x1024xf32, #tpu.memory_space<vmem>> -> memref<1x8x1024xf32, #tpu.memory_space<vmem>>
    %dma_wait3A_216 = tpu.memref_squeeze %dma_wait3A_215 : memref<1x8x1024xf32, #tpu.memory_space<vmem>> -> memref<8x1024xf32, #tpu.memory_space<vmem>>
    %dma_wait3A_217 = arith.constant 0 : i32
    %dma_wait3A_218 = arith.constant 0 : i32
    %dma_wait3A_219 = tpu.memref_slice %arg4[%dma_wait3A_217, %dma_wait3A_218] : memref<4096x1024xf32, #tpu.memory_space<hbm>> -> memref<8x1024xf32, #tpu.memory_space<hbm>>
    %dma_wait3A_220 = arith.constant 0 : i32
    %dma_wait3A_221 = arith.constant 0 : i32
    %dma_wait3A_222 = tpu.memref_slice %arg7[%dma_wait3A_212, %dma_wait3A_220, %dma_wait3A_221] : memref<3x8x1024xf32, #tpu.memory_space<vmem>> -> memref<1x8x1024xf32, #tpu.memory_space<vmem>>
    %dma_wait3A_223 = tpu.memref_squeeze %dma_wait3A_222 : memref<1x8x1024xf32, #tpu.memory_space<vmem>> -> memref<8x1024xf32, #tpu.memory_space<vmem>>
    %dma_wait3A_224 = arith.constant 0 : i32
    %dma_wait3A_225 = arith.constant 0 : i32
    %dma_wait3A_226 = tpu.memref_slice %arg4[%dma_wait3A_224, %dma_wait3A_225] : memref<4096x1024xf32, #tpu.memory_space<hbm>> -> memref<8x1024xf32, #tpu.memory_space<hbm>>
    tpu.wait_dma2 semaphore(%arg14 : memref<!tpu.dma_semaphore, #tpu.memory_space<semaphore_mem>>) src(%dma_wait3A_226 : memref<8x1024xf32, #tpu.memory_space<hbm>>) dst(%dma_wait3A_223 : memref<8x1024xf32, #tpu.memory_space<vmem>>)
    %dma_wait3A_227 = arith.constant 2 : i32
    %dma_wait3A_228 = arith.constant 0 : i32
    %dma_wait3A_229 = arith.constant 0 : i32
    %dma_wait3A_230 = tpu.memref_slice %arg7[%dma_wait3A_227, %dma_wait3A_228, %dma_wait3A_229] : memref<3x8x1024xf32, #tpu.memory_space<vmem>> -> memref<1x8x1024xf32, #tpu.memory_space<vmem>>
    %dma_wait3A_231 = tpu.memref_squeeze %dma_wait3A_230 : memref<1x8x1024xf32, #tpu.memory_space<vmem>> -> memref<8x1024xf32, #tpu.memory_space<vmem>>
    %dma_wait3A_232 = arith.constant 0 : i32
    %dma_wait3A_233 = arith.constant 0 : i32
    %dma_wait3A_234 = tpu.memref_slice %arg4[%dma_wait3A_232, %dma_wait3A_233] : memref<4096x1024xf32, #tpu.memory_space<hbm>> -> memref<8x1024xf32, #tpu.memory_space<hbm>>
    %dma_wait3A_235 = arith.constant 0 : i32
    %dma_wait3A_236 = arith.constant 0 : i32
    %dma_wait3A_237 = tpu.memref_slice %arg7[%dma_wait3A_227, %dma_wait3A_235, %dma_wait3A_236] : memref<3x8x1024xf32, #tpu.memory_space<vmem>> -> memref<1x8x1024xf32, #tpu.memory_space<vmem>>
    %dma_wait3A_238 = tpu.memref_squeeze %dma_wait3A_237 : memref<1x8x1024xf32, #tpu.memory_space<vmem>> -> memref<8x1024xf32, #tpu.memory_space<vmem>>
    %dma_wait3A_239 = arith.constant 0 : i32
    %dma_wait3A_240 = arith.constant 0 : i32
    %dma_wait3A_241 = tpu.memref_slice %arg4[%dma_wait3A_239, %dma_wait3A_240] : memref<4096x1024xf32, #tpu.memory_space<hbm>> -> memref<8x1024xf32, #tpu.memory_space<hbm>>
    tpu.wait_dma2 semaphore(%arg14 : memref<!tpu.dma_semaphore, #tpu.memory_space<semaphore_mem>>) src(%dma_wait3A_241 : memref<8x1024xf32, #tpu.memory_space<hbm>>) dst(%dma_wait3A_238 : memref<8x1024xf32, #tpu.memory_space<vmem>>)
    return
  }
}

</mosaic_0001>

<sc_bundles>
// kernel: _emb.3.cloned.1.call-start
scs
__scs_entry_jumppad:
0x0: {  	(pc) =	sbr.rel $0x88, $3  }
0x1: {  	(tag) =	ssettag $0x0;
	lr =	simm.s32 $0x1  }
0x2: {  	[smem:$0x3F9E] =	sst lr;
	_ =	strace $0xD0000000  }
0x3: {  	_ = 	snop  }
0x4: {  	_ = 	snop  }
0x5: {  	_ = 	snop  }
0x6: {  	_ = 	snop  }
0x7: {  	_ = 	snop  }
__scs_overlays_trampoline_lowered:
0x8: {  	[smem:$0x3FAD] =	sst s0  }
0x9: {  	[smem:$0x3FAE] =	sst s1  }
0xa: {  	[smem:$0x3FAF] =	sst s2  }
0xb: {  	[smem:$0x3FB0] =	sst s3  }
0xc: {  	[smem:$0x3FB1] =	sst s4  }
0xd: {  	[smem:$0x3FB2] =	sst s5  }
0xe: {  	[smem:$0x3FB3] =	sst s6  }
0xf: {  	[smem:$0x3FB4] =	sst s7  }
0x10: {  	[smem:$0x3FB5] =	sst s8  }
0x11: {  	[smem:$0x3FB6] =	sst s9;
	s0 =	simm.s32 @!p0 $0x0  }
0x12: {  	s1 =	sld [smem:$0x3F9C];
	s0 =	simm.s32 @p0 $0x1  }
0x13: {  	[smem:$0x3FB7] =	sst s0;
	s0 =	simm.s32 @!p1 $0x0  }
0x14: {  	s2 =	sld [smem:$0x3F9B];
	s0 =	simm.s32 @p1 $0x1  }
0x15: {  	[smem:$0x3FB8] =	sst s0;
	s0 =	simm.s32 @!p2 $0x0  }
0x16: {  	s3 =	sld [smem:$0x3FDB];
	s0 =	simm.s32 @p2 $0x1  }
0x17: {  	s4 =	simm.s32 $0x1BF5;
	[smem:$0x3FBA] =	sst s0  }
0x18: {  	s0 =	sld [smem:$0x3F9D];
	_ =	swait.ge [sflag:s4], $0x0  }
0x19: {  	s7 =	sld [smem:$0x3F9E]  }
0x1a: {  	s8 =	sadd.s32 $0xFFFFE003, lr  }
0x1b: {  	s9 =	sadd.s32 $0xFFFFFEF7, lr;
	s5 =	simm.s32 $0xFFFFFFFF;
	p2 =	slt.u32 s8, $0xFFFFF086  }
0x1c: {  	p1 =	slt.u32 s9, $0xF7A;
	s5 =	simm.s32 @!p2 $0x0  }
0x1d: {  	s5 =	simm.s32 @p1 $0x1;
	p0 =	seq.s32 s7, s2  }
0x1e: {  	s7 =	smul.u32 @!p0 $0xF7A, s2;
	p2 =	seq.s32 @!p0 s5, $0x0  }
0x1f: {  	s9 =	smul.u32 $0xF7A, s1;
	s8 =	simm.s32 @!p0 $0x1BF5;
	p2 =	por !p2, p0  }
0x20: {  	[sflag:s8] =	ssyncset.s32 @!p0 $0xFFFFF086;
	s6 =	sadd.s32 @!p0 s3, s7;
	s7 =	simm.s32 @!p0 $0x108  }
0x21: {  	s3 =	sadd.s32 s3, s9;
	s6 =	sadd.s32 @!p0 $0x88, s6;
	s7 =	simm.s32 @p2 $0x1082  }
0x22: {  	[simem:s7], [sflag:s8] =	dma.local @!p0 [hbm:s6], $0xF7A  }
0x23: {  	s9 =	sor.u32 $0xD0000000, s2;
	s6 =	simm.s32 $0x108;
	_ =	swait.ge @!p0 [sflag:s8], $0x0  }
0x24: {  	s3 =	sadd.s32 $0x88, s3;
	s6 =	simm.s32 @!p1 $0x1082;
	[sflag:s4] =	ssyncset.s32 $0xFFFFF086  }
0x25: {  	[simem:s6], [sflag:s4] =	dma.local [hbm:s3], $0xF7A  }
0x26: {  	[smem:$0x3F9E] =	sst s1;
	(tag) =	ssettag s2;
	_ =	strace s9  }
0x27: {  	s1 =	sld [smem:$0x3FAE]  }
0x28: {  	s2 =	sld [smem:$0x3FAF]  }
0x29: {  	s4 =	sld [smem:$0x3FB1]  }
0x2a: {  	p0 =	seq.s32 s5, $0x0;
	s5 =	sld [smem:$0x3FB2]  }
0x2b: {  	s6 =	sld [smem:$0x3FB3]  }
0x2c: {  	s7 =	sld [smem:$0x3FB4]  }
0x2d: {  	s3 =	simm.s32 $0x108;
	s8 =	sld [smem:$0x3FB5]  }
0x2e: {  	s3 =	simm.s32 @!p0 $0x1082;
	s9 =	sld [smem:$0x3FB6]  }
0x2f: {  	lr =	sadd.s32 s0, s3;
	s0 =	sld [smem:$0x3FAD]  }
0x30: {  	s3 =	sld [smem:$0x3FB0]  }
0x31: {  	[smem:$0x3FB9] =	sst s10  }
0x32: {  	s10 =	sld [smem:$0x3FB7];
	_ =	sdelay $0x3  }
0x33: {  	p0 =	seq.s32 s10, $0x1;
	s10 =	sld [smem:$0x3FB9];
	_ =	sdelay $0x3  }
0x34: {  	[smem:$0x3FB9] =	sst s10  }
0x35: {  	s10 =	sld [smem:$0x3FB8];
	_ =	sdelay $0x3  }
0x36: {  	p1 =	seq.s32 s10, $0x1;
	s10 =	sld [smem:$0x3FB9];
	_ =	sdelay $0x3  }
0x37: {  	[smem:$0x3FB9] =	sst s10  }
0x38: {  	s10 =	sld [smem:$0x3FBA]  }
0x39: {  	_ = 	snop;
	(pc) =	sbr.ind lr, $3  }
0x3a: {  	_ = 	snop  }
0x3b: {  	_ = 	snop  }
0x3c: {  	p2 =	seq.s32 s10, $0x1;
	s10 =	sld [smem:$0x3FB9]  }
0x3d: {  	_ =	shalt  }
0x3e: {  	_ =	shalt  }
0x3f: {  	_ =	shalt  }
0x40: {  	_ =	shalt  }
0x41: {  	_ =	shalt  }
0x42: {  	_ =	shalt  }
0x43: {  	_ =	shalt  }
0x44: {  	_ =	shalt  }
0x45: {  	_ =	shalt  }
0x46: {  	_ =	shalt  }
0x47: {  	_ =	shalt  }
0x48: {  	_ =	shalt  }
0x49: {  	_ =	shalt  }
0x4a: {  	_ =	shalt  }
0x4b: {  	_ =	shalt  }
0x4c: {  	_ =	shalt  }
0x4d: {  	_ =	shalt  }
0x4e: {  	_ =	shalt  }
0x4f: {  	_ =	shalt  }
0x50: {  	_ =	shalt  }
0x51: {  	_ =	shalt  }
0x52: {  	_ =	shalt  }
0x53: {  	_ =	shalt  }
0x54: {  	_ =	shalt  }
0x55: {  	_ =	shalt  }
0x56: {  	_ =	shalt  }
0x57: {  	_ =	shalt  }
0x58: {  	_ =	shalt  }
0x59: {  	_ =	shalt  }
0x5a: {  	_ =	shalt  }
0x5b: {  	_ =	shalt  }
0x5c: {  	_ =	shalt  }
0x5d: {  	_ =	shalt  }
0x5e: {  	_ =	shalt  }
0x5f: {  	_ =	shalt  }
0x60: {  	_ =	shalt  }
0x61: {  	_ =	shalt  }
0x62: {  	_ =	shalt  }
0x63: {  	_ =	shalt  }
0x64: {  	_ =	shalt  }
0x65: {  	_ =	shalt  }
0x66: {  	_ =	shalt  }
0x67: {  	_ =	shalt  }
0x68: {  	_ =	shalt  }
0x69: {  	_ =	shalt  }
0x6a: {  	_ =	shalt  }
0x6b: {  	_ =	shalt  }
0x6c: {  	_ =	shalt  }
0x6d: {  	_ =	shalt  }
0x6e: {  	_ =	shalt  }
0x6f: {  	_ =	shalt  }
0x70: {  	_ =	shalt  }
0x71: {  	_ =	shalt  }
0x72: {  	_ =	shalt  }
0x73: {  	_ =	shalt  }
0x74: {  	_ =	shalt  }
0x75: {  	_ =	shalt  }
0x76: {  	_ =	shalt  }
0x77: {  	_ =	shalt  }
0x78: {  	_ =	shalt  }
0x79: {  	_ =	shalt  }
0x7a: {  	_ =	shalt  }
0x7b: {  	_ =	shalt  }
0x7c: {  	_ =	shalt  }
0x7d: {  	_ =	shalt  }
0x7e: {  	_ =	shalt  }
0x7f: {  	_ =	shalt  }
0x80: {  	_ =	shalt  }
0x81: {  	_ =	shalt  }
0x82: {  	_ =	shalt  }
0x83: {  	_ =	shalt  }
0x84: {  	_ =	shalt  }
0x85: {  	_ =	shalt  }
0x86: {  	_ =	shalt  }
0x87: {  	_ =	shalt  }
.Lfunc_end0:
.L_simem_size_0:
called_computation_lowered:
.L_overlay_start_0:
0x88: {  	s2 =	sld [smem:$0x3FD9]  }
0x89: {  	s3 =	sld [smem:$0x3FFE];
	_ =	sdelay $0x1  }
0x8a: {  	s1 =	srdreg.scid  }
0x8b: {  	s0 =	sand.u32 $0x1, s1  }
0x8c: {  	s17 =	sshll.u32 s0, $0xA;
	s2 =	sadd.s32 s3, s2  }
0x8d: {  	s2 =	sadd.s32 s2, s17  }
0x8e: {  	[smem:$0x3FC5] =	sst s2  }
0x8f: {  	_ = 	snop  }
0x90: {  	s2 =	sld [smem:$0x3FC8]  }
0x91: {  	s18 =	sld [smem:$0x3FC7]  }
0x92: {  	s4 =	sld [smem:$0x3FD0];
	(tm) =	ssettm $0x1  }
0x93: {  	s5 =	sld [smem:$0x3FFB];
	_ =	sdelay $0x3  }
0x94: {  	_ =	strace s5  }
0x95: {  	s5 =	sld [smem:$0x3FFC];
	_ =	sdelay $0x3  }
0x96: {  	_ =	strace s5  }
0x97: {  	s5 =	sld [smem:$0x3FFD];
	_ =	sdelay $0x3  }
0x98: {  	_ =	strace s5  }
0x99: {  	_ =	strace $0x8FFFFFFF  }
0x9a: {  	s19 =	sld [smem:$0x3FDB];
	_ =	sdelay $0x1  }
0x9b: {  	s6 =	simm.s32 $_scs_section_size  }
0x9c: {  	s7 =	simm.s32 $_size__tile_overlayer_lowered;
	s8 =	simm.s32 $_tile_overlayer_lowered  }
0x9d: {  	s22 =	simm.s32 $0x1BFF;
	s21 =	sshll.u32 s8, $0x1;
	s5 =	sadd.s32 s6, s19  }
0x9e: {  	s9 =	simm.s32 $0x0;
	s20 =	sshll.u32 s7, $0x1;
	s7 =	sadd.s32 s21, s5  }
0x9f: {  	[timem:s9], [sflag:s22] =	dma.local [hbm:s7], s20  }
0xa0: {  	_ =	swait.ge [sflag:s22], s20  }
0xa1: {  	s6 =	ssub.s32 $0x0, s20;
	[sflag:s22] =	ssyncset.done $0x0  }
0xa2: {  	[sflag:s22] =	ssyncadd.s32 s6;
	_ =	sdelay $0x1  }
0xa3: {  	s23 =	simm.s32 $0x1B8B  }
0xa4: {  	_ =	swait.ge [sflag:s23], $0x1  }
0xa5: {  	[sflag:s23] =	ssyncset.done $0x0  }
0xa6: {  	s25 =	simm.s32 $0x1B8E;
	s24 =	sld [smem:$0x3FFE];
	[sflag:s23] =	ssyncadd.s32 $0xFFFFFFFF  }
0xa7: {  	s26 =	simm.s32 $execute0_lowered;
	[smem:$0x3FD2] =	sst s25  }
0xa8: {  	s7 =	sshll.u32 s26, $0x1;
	_ =	strace $0x80000046;
	[dreg:$0x1] =	wrdreg $0xFFFFFFFF  }
0xa9: {  	s28 =	simm.s32 $_size_execute0_lowered;
	s5 =	sadd.s32 s5, s7;
	[dreg:$0x0] =	wrdreg $0x0  }
0xaa: {  	s7 =	sshll.u32 s28, $0x1;
	[dreg:$0x2] =	wrdreg s5  }
0xab: {  	[dreg:$0x3] =	wrdreg s7  }
0xac: {  	[dreg:$0x4] =	wrdreg $0xC0  }
0xad: {  	_ =	task [dreg:s9], $0x5FFFF  }
0xae: {  	[dreg:$0x1] =	wrdreg $0xFFFFFFFF  }
0xaf: {  	[dreg:$0x0] =	wrdreg $0x60  }
0xb0: {  	[dreg:$0x2] =	wrdreg s24  }
0xb1: {  	[dreg:$0x3] =	wrdreg s2  }
0xb2: {  	[dreg:$0x4] =	wrdreg s18  }
0xb3: {  	[dreg:$0x5] =	wrdreg s4  }
0xb4: {  	[dreg:$0x6] =	wrdreg $0x9  }
0xb5: {  	_ =	task.clear_ibuf [dreg:s9], $0x7FFFF;
	_ =	strace $0x90000046  }
0xb6: {  	s29 =	simm.s32 $0x9;
	_ =	strace $0x80000048  }
0xb7: {  	_ =	swait.ge [sflag:s29], $0x1  }
0xb8: {  	[sflag:s29] =	ssyncadd.s32 $0xFFFFFFFF  }
0xb9: {  	_ =	strace $0x90000048  }
0xba: {  	_ =	sfence  }
0xbb: {  	s30 =	sld [smem:$0x0];
	_ =	sdelay $0x2  }
0xbc: {  	s31 =	sshll.u32 s1, $0xD;
	s1 =	sshrl.u32 s1, $0x2  }
0xbd: {  	s3 =	sand.u32 $0x4000, s31;
	s1 =	sadd.s32 s1, s30  }
0xbe: {  	s0 =	sor.u32 s3, s0;
	s1 =	sshll.u32 s1, $0x11  }
0xbf: {  	s0 =	sor.u32 s1, s0  }
0xc0: {  	s0 =	sadd.s32 $0x8F2B, s0  }
0xc1: {  	[sflag:s0] =	ssyncadd.remote.s32 $0x1  }
0xc2: {  	_ =	sfence.sel $0xFFFF  }
0xc3: {  	[dreg:$0x0] =	wrdreg $0xFFFFFFFF;
	(pc) =	sbr.abs _section_cstart, $3  }
0xc4: {  	[dreg:$0x1] =	wrdreg $0xFFFFFFFF  }
0xc5: {  	_ =	task.clear_ibuf [dreg:s9], $0x2FFFF;
	_ =	strace $0x9FFFFFFF  }
0xc6: {  	(tm) =	ssettm $0x7FFFFFFF  }
0xc7: {  	_ =	shalt  }
tec
execute0_lowered:
.L_overlay_start_1:
0x0: {  	(tag) =	ssettag $0x1  }
0x1: {  	s0 =	rddreg [dreg:$0x0]  }
0x2: {  	s4 =	rddreg [dreg:$0x1]  }
0x3: {  	s1 =	rddreg [dreg:$0x2];
	s2 =	srdreg.scid  }
0x4: {  	s3 =	stileid.u32;
	s5 =	simm.s32 $0x0;
	s2 =	sand.u32 $0x1, s2  }
0x5: {  	s3 =	sshll.u32 s3, $0x1;
	[smem:$0x7FF] =	sst s5;
	s25 =	sadd.s32 $0x100, s4  }
0x6: {  	s26 =	sadd.s32 $0x200, s4;
	_ =	strace $0x80000047;
	[dreg:$0x8] =	wrdreg s25  }
0x7: {  	s28 =	sadd.s32 $0x300, s4;
	s3 =	sor.u32 s2, s3;
	[dreg:$0x9] =	wrdreg s26  }
0x8: {  	s2 =	ssub.s32 $0x2, s2;
	[dreg:$0xa] =	wrdreg s28;
	s21 =	sshll.u32 s3, $0x8  }
0x9: {  	s22 =	sshrl.u32 s2, $0x1;
	s23 =	sshll.u32 s3, $0x7;
	s24 =	sshll.u32 s3, $0xE  }
0xa: {  	s29 =	sshll.u32 s3, $0x11;
	[dreg:$0x5] =	wrdreg s23;
	s1 =	sadd.s32 s1, s24  }
0xb: {  	s0 =	sadd.s32 s21, s0;
	s30 =	sor.u32 $0x2000, s29;
	[dreg:$0x7] =	wrdreg s1  }
.Ltmp0:
0xc: {  	s0 =	sadd.s32 $0x400, s0;
	[dreg:$0xc] =	wrdreg s30;
	(pc) =	sbr.rel .LBB2_1-.Ltmp0, $4  }
0xd: {  	s2 =	ssub.s32 s2, s22;
	s1 =	sadd.s32 $0x400, s1;
	[dreg:$0x6] =	wrdreg s0  }
0xe: {  	v2 =	vlaneseq.u32;
	s31 =	smax.u32 s2, $0x1;
	[dreg:$0xb] =	wrdreg s1  }
0xf: {  	vm0 =	vmmov $0xffff;
	v1 =	vshrl.u32 v2, $0x3;
	s0 =	sor.u32 $0x4000, s29;
	[dreg:$0xe] =	wrdreg s31  }
0x10: {  	s4 =	simm.s32 $0x0;
	v0 =	vand.u32 $0x7, v2;
	v2 =	vor.u32 $0x8, v2;
	v1 =	vmul.u32 $0x8, v1;
	s2 =	simm.s32 $0x0;
	[dreg:$0xd] =	wrdreg s0  }
.LBB2_16:
0x11: {  	s0 =	simm.s32 $0x4  }
0x12: {  	_ =	swait.ge [sflag:s0], $0x2000  }
0x13: {  	[sflag:s0] =	ssyncset.done $0x0  }
0x14: {  	[sflag:s0] =	ssyncadd.s32 $0xFFFFE000  }
0x15: {  	_ =	swait.ge [sflag:s0], $0x2000  }
0x16: {  	[sflag:s0] =	ssyncset.done $0x0  }
0x17: {  	[sflag:s0] =	ssyncadd.s32 $0xFFFFE000  }
0x18: {  	_ =	swait.ge [sflag:s0], $0x2000  }
0x19: {  	[sflag:s0] =	ssyncset.done $0x0  }
0x1a: {  	[sflag:s0] =	ssyncadd.s32 $0xFFFFE000  }
0x1b: {  	_ =	swait.ge [sflag:s0], $0x2000  }
0x1c: {  	[sflag:s0] =	ssyncset.done $0x0  }
0x1d: {  	s30 =	simm.s32 $0x5;
	[sflag:s0] =	ssyncadd.s32 $0xFFFFE000  }
0x1e: {  	_ =	swait.ge [sflag:s30], $0x2000  }
0x1f: {  	[sflag:s30] =	ssyncset.done $0x0  }
0x20: {  	[sflag:s30] =	ssyncadd.s32 $0xFFFFE000  }
0x21: {  	_ =	swait.ge [sflag:s30], $0x2000  }
0x22: {  	[sflag:s30] =	ssyncset.done $0x0  }
0x23: {  	[sflag:s30] =	ssyncadd.s32 $0xFFFFE000  }
0x24: {  	_ =	swait.ge [sflag:s30], $0x2000  }
0x25: {  	[sflag:s30] =	ssyncset.done $0x0  }
0x26: {  	[sflag:s30] =	ssyncadd.s32 $0xFFFFE000  }
0x27: {  	_ =	swait.ge [sflag:s30], $0x2000  }
0x28: {  	[sflag:s30] =	ssyncset.done $0x0  }
0x29: {  	s1 =	simm.s32 $0x6;
	[sflag:s30] =	ssyncadd.s32 $0xFFFFE000  }
0x2a: {  	_ =	swait.ge [sflag:s1], $0x2000  }
0x2b: {  	[sflag:s1] =	ssyncset.done $0x0  }
0x2c: {  	[sflag:s1] =	ssyncadd.s32 $0xFFFFE000  }
0x2d: {  	_ =	swait.ge [sflag:s1], $0x2000  }
0x2e: {  	[sflag:s1] =	ssyncset.done $0x0  }
0x2f: {  	[sflag:s1] =	ssyncadd.s32 $0xFFFFE000  }
0x30: {  	_ =	swait.ge [sflag:s1], $0x2000  }
0x31: {  	[sflag:s1] =	ssyncset.done $0x0  }
0x32: {  	[sflag:s1] =	ssyncadd.s32 $0xFFFFE000  }
0x33: {  	_ =	swait.ge [sflag:s1], $0x2000  }
0x34: {  	s2 =	rddreg [dreg:$0xf]  }
0x35: {  	s31 =	rddreg [dreg:$0xe];
	s2 =	sadd.s32 $0x1, s2  }
0x36: {  	p0 =	sne.s32 s2, s31  }
.Ltmp1:
0x37: {  	_ = 	snop;
	(pc) =	sbr.rel @!p0 .LBB2_17-.Ltmp1, $3  }
0x38: {  	_ =	sdelay $0x1  }
0x39: {  	[sflag:s1] =	ssyncset.done $0x0  }
0x3a: {  	[sflag:s1] =	ssyncadd.s32 $0xFFFFE000  }
.LBB2_1:
0x3b: {  	[dreg:$0xf] =	wrdreg s2  }
0x3c: {  	s0 =	rddreg [dreg:$0x6];
	s23 =	simm.s32 $0x7  }
0x3d: {  	[tilespmem:s4], [sflag:$0x7] =	stream.linear.gather [hbm4b:s0+s4], $0x800, $0x38;
	[tilespmem:$0x1E800] =	vst v63  }
0x3e: {  	_ =	swait.ge [sflag:s23], $0x800  }
0x3f: {  	[sflag:s23] =	ssyncset.done $0x0  }
0x40: {  	s1 =	simm.s32 $0x800;
	s24 =	rddreg [dreg:$0x7];
	[sflag:s23] =	ssyncadd.s32 $0xFFFFF800  }
0x41: {  	[tilespmem:s1], [sflag:$0x1] =	stream.linear.gather [hbm4b:s24+s4], $0x2000, $0x38;
	[tilespmem:$0x1E800] =	vst v63  }
0x42: {  	v3 =	vld [tilespmem:$0x0];
	_ =	sdelay $0x4  }
0x43: {  	v4 =	vshll.u32 v3, $0x3  }
0x44: {  	v3 =	vand.u32 $0x7, v3;
	v4 =	vand.u32 $0xFFFFFFC0, v4  }
0x45: {  	v3 =	vor.u32 v3, v4  }
0x46: {  	v4 =	vperm.xlane v3, v0;
	_ =	sdelay $0x1  }
0x47: {  	v4 =	vadd.s32 v1, v4;
	_ =	sdelay $0x3  }
0x48: {  	s25 =	simm.s32 $0x6800;
	s0 =	rddreg [dreg:$0x1]  }
0x49: {  	[tilespmem:s25], [sflag:$0x1] =	stream.indirect_vreg.gather [hbm4b:s0+s4], $0x80, v4, vm0, $0xb8;
	[tilespmem:$0x1E800] =	vst v63  }
0x4a: {  	s26 =	simm.s32 $0x7000;
	s1 =	rddreg [dreg:$0x8];
	v3 =	vperm.xlane v3, v2  }
0x4b: {  	[tilespmem:s26], [sflag:$0x1] =	stream.indirect_vreg.gather [hbm4b:s1+s4], $0x80, v4, vm0, $0xb8;
	[tilespmem:$0x1E800] =	vst v63  }
0x4c: {  	s3 =	simm.s32 $0x7800;
	s2 =	rddreg [dreg:$0x9];
	v3 =	vadd.s32 v1, v3  }
0x4d: {  	[tilespmem:s3], [sflag:$0x1] =	stream.indirect_vreg.gather [hbm4b:s2+s4], $0x80, v4, vm0, $0xb8;
	[tilespmem:$0x1E800] =	vst v63  }
0x4e: {  	s5 =	simm.s32 $0x8000;
	s3 =	rddreg [dreg:$0xa]  }
0x4f: {  	[tilespmem:s5], [sflag:$0x1] =	stream.indirect_vreg.gather [hbm4b:s3+s4], $0x80, v4, vm0, $0xb8;
	[tilespmem:$0x1E800] =	vst v63  }
0x50: {  	s28 =	simm.s32 $0x8800  }
0x51: {  	[tilespmem:s28], [sflag:$0x1] =	stream.indirect_vreg.gather [hbm4b:s0+s4], $0x80, v3, vm0, $0xb8;
	[tilespmem:$0x1E800] =	vst v63  }
0x52: {  	s29 =	simm.s32 $0x9000  }
0x53: {  	[tilespmem:s29], [sflag:$0x1] =	stream.indirect_vreg.gather [hbm4b:s1+s4], $0x80, v3, vm0, $0xb8;
	[tilespmem:$0x1E800] =	vst v63  }
0x54: {  	s30 =	simm.s32 $0x9800  }
0x55: {  	[tilespmem:s30], [sflag:$0x1] =	stream.indirect_vreg.gather [hbm4b:s2+s4], $0x80, v3, vm0, $0xb8;
	[tilespmem:$0x1E800] =	vst v63  }
0x56: {  	s31 =	simm.s32 $0xA000  }
0x57: {  	[tilespmem:s31], [sflag:$0x1] =	stream.indirect_vreg.gather [hbm4b:s3+s4], $0x80, v3, vm0, $0xb8;
	[tilespmem:$0x1E800] =	vst v63  }
0x58: {  	v3 =	vld [tilespmem:$0x10];
	_ =	sdelay $0x4  }
0x59: {  	v61 =	vshll.u32 v3, $0x3  }
0x5a: {  	v3 =	vand.u32 $0x7, v3;
	v4 =	vand.u32 $0xFFFFFFC0, v61  }
0x5b: {  	v3 =	vor.u32 v3, v4  }
0x5c: {  	v4 =	vperm.xlane v3, v0;
	_ =	sdelay $0x1  }
0x5d: {  	v4 =	vadd.s32 v1, v4;
	_ =	sdelay $0x3  }
0x5e: {  	s6 =	simm.s32 $0xA800  }
0x5f: {  	[tilespmem:s6], [sflag:$0x1] =	stream.indirect_vreg.gather [hbm4b:s0+s4], $0x80, v4, vm0, $0xb8;
	[tilespmem:$0x1E800] =	vst v63  }
0x60: {  	s7 =	simm.s32 $0xB000;
	v3 =	vperm.xlane v3, v2  }
0x61: {  	[tilespmem:s7], [sflag:$0x1] =	stream.indirect_vreg.gather [hbm4b:s1+s4], $0x80, v4, vm0, $0xb8;
	[tilespmem:$0x1E800] =	vst v63  }
0x62: {  	s8 =	simm.s32 $0xB800;
	v3 =	vadd.s32 v1, v3  }
0x63: {  	[tilespmem:s8], [sflag:$0x1] =	stream.indirect_vreg.gather [hbm4b:s2+s4], $0x80, v4, vm0, $0xb8;
	[tilespmem:$0x1E800] =	vst v63  }
0x64: {  	s9 =	simm.s32 $0xC000  }
0x65: {  	[tilespmem:s9], [sflag:$0x1] =	stream.indirect_vreg.gather [hbm4b:s3+s4], $0x80, v4, vm0, $0xb8;
	[tilespmem:$0x1E800] =	vst v63  }
0x66: {  	s10 =	simm.s32 $0xC800  }
0x67: {  	[tilespmem:s10], [sflag:$0x1] =	stream.indirect_vreg.gather [hbm4b:s0+s4], $0x80, v3, vm0, $0xb8;
	[tilespmem:$0x1E800] =	vst v63  }
0x68: {  	s11 =	simm.s32 $0xD000  }
0x69: {  	[tilespmem:s11], [sflag:$0x1] =	stream.indirect_vreg.gather [hbm4b:s1+s4], $0x80, v3, vm0, $0xb8;
	[tilespmem:$0x1E800] =	vst v63  }
0x6a: {  	s12 =	simm.s32 $0xD800  }
0x6b: {  	[tilespmem:s12], [sflag:$0x1] =	stream.indirect_vreg.gather [hbm4b:s2+s4], $0x80, v3, vm0, $0xb8;
	[tilespmem:$0x1E800] =	vst v63  }
0x6c: {  	s13 =	simm.s32 $0xE000  }
0x6d: {  	[tilespmem:s13], [sflag:$0x1] =	stream.indirect_vreg.gather [hbm4b:s3+s4], $0x80, v3, vm0, $0xb8;
	[tilespmem:$0x1E800] =	vst v63  }
0x6e: {  	s14 =	rddreg [dreg:$0xb];
	s6 =	simm.s32 $0x2800  }
0x6f: {  	[tilespmem:s6], [sflag:$0x2] =	stream.linear.gather [hbm4b:s14+s4], $0x2000, $0x38;
	[tilespmem:$0x1E800] =	vst v63  }
0x70: {  	v3 =	vld [tilespmem:$0x80];
	_ =	sdelay $0x4  }
0x71: {  	v62 =	vshll.u32 v3, $0x3  }
0x72: {  	v3 =	vand.u32 $0x7, v3;
	v4 =	vand.u32 $0xFFFFFFC0, v62  }
0x73: {  	v3 =	vor.u32 v3, v4  }
0x74: {  	v4 =	vperm.xlane v3, v0;
	_ =	sdelay $0x1  }
0x75: {  	v4 =	vadd.s32 v1, v4;
	_ =	sdelay $0x3  }
0x76: {  	s15 =	simm.s32 $0xE800  }
0x77: {  	[tilespmem:s15], [sflag:$0x2] =	stream.indirect_vreg.gather [hbm4b:s0+s4], $0x80, v4, vm0, $0xb8;
	[tilespmem:$0x1E800] =	vst v63  }
0x78: {  	s16 =	simm.s32 $0xF000;
	v3 =	vperm.xlane v3, v2  }
0x79: {  	[tilespmem:s16], [sflag:$0x2] =	stream.indirect_vreg.gather [hbm4b:s1+s4], $0x80, v4, vm0, $0xb8;
	[tilespmem:$0x1E800] =	vst v63  }
0x7a: {  	s17 =	simm.s32 $0xF800;
	v3 =	vadd.s32 v1, v3  }
0x7b: {  	[tilespmem:s17], [sflag:$0x2] =	stream.indirect_vreg.gather [hbm4b:s2+s4], $0x80, v4, vm0, $0xb8;
	[tilespmem:$0x1E800] =	vst v63  }
0x7c: {  	s18 =	simm.s32 $0x10000  }
0x7d: {  	[tilespmem:s18], [sflag:$0x2] =	stream.indirect_vreg.gather [hbm4b:s3+s4], $0x80, v4, vm0, $0xb8;
	[tilespmem:$0x1E800] =	vst v63  }
0x7e: {  	s19 =	simm.s32 $0x10800  }
0x7f: {  	[tilespmem:s19], [sflag:$0x2] =	stream.indirect_vreg.gather [hbm4b:s0+s4], $0x80, v3, vm0, $0xb8;
	[tilespmem:$0x1E800] =	vst v63  }
0x80: {  	s20 =	simm.s32 $0x11000  }
0x81: {  	[tilespmem:s20], [sflag:$0x2] =	stream.indirect_vreg.gather [hbm4b:s1+s4], $0x80, v3, vm0, $0xb8;
	[tilespmem:$0x1E800] =	vst v63  }
0x82: {  	s21 =	simm.s32 $0x11800  }
0x83: {  	[tilespmem:s21], [sflag:$0x2] =	stream.indirect_vreg.gather [hbm4b:s2+s4], $0x80, v3, vm0, $0xb8;
	[tilespmem:$0x1E800] =	vst v63  }
0x84: {  	s22 =	simm.s32 $0x12000  }
0x85: {  	[tilespmem:s22], [sflag:$0x2] =	stream.indirect_vreg.gather [hbm4b:s3+s4], $0x80, v3, vm0, $0xb8;
	[tilespmem:$0x1E800] =	vst v63  }
0x86: {  	v3 =	vld [tilespmem:$0x90];
	_ =	sdelay $0x4  }
0x87: {  	v63 =	vshll.u32 v3, $0x3  }
0x88: {  	v3 =	vand.u32 $0x7, v3;
	v4 =	vand.u32 $0xFFFFFFC0, v63  }
0x89: {  	v3 =	vor.u32 v3, v4  }
0x8a: {  	v4 =	vperm.xlane v3, v0;
	_ =	sdelay $0x1  }
0x8b: {  	v4 =	vadd.s32 v1, v4;
	_ =	sdelay $0x3  }
0x8c: {  	s23 =	simm.s32 $0x12800  }
0x8d: {  	[tilespmem:s23], [sflag:$0x2] =	stream.indirect_vreg.gather [hbm4b:s0+s4], $0x80, v4, vm0, $0xb8;
	[tilespmem:$0x1E800] =	vst v63  }
0x8e: {  	s24 =	simm.s32 $0x13000;
	v3 =	vperm.xlane v3, v2  }
0x8f: {  	[tilespmem:s24], [sflag:$0x2] =	stream.indirect_vreg.gather [hbm4b:s1+s4], $0x80, v4, vm0, $0xb8;
	[tilespmem:$0x1E800] =	vst v63  }
0x90: {  	s25 =	simm.s32 $0x13800;
	v3 =	vadd.s32 v1, v3  }
0x91: {  	[tilespmem:s25], [sflag:$0x2] =	stream.indirect_vreg.gather [hbm4b:s2+s4], $0x80, v4, vm0, $0xb8;
	[tilespmem:$0x1E800] =	vst v63  }
0x92: {  	s26 =	simm.s32 $0x14000  }
0x93: {  	[tilespmem:s26], [sflag:$0x2] =	stream.indirect_vreg.gather [hbm4b:s3+s4], $0x80, v4, vm0, $0xb8;
	[tilespmem:$0x1E800] =	vst v63  }
0x94: {  	s28 =	simm.s32 $0x14800  }
0x95: {  	[tilespmem:s28], [sflag:$0x2] =	stream.indirect_vreg.gather [hbm4b:s0+s4], $0x80, v3, vm0, $0xb8;
	[tilespmem:$0x1E800] =	vst v63  }
0x96: {  	s29 =	simm.s32 $0x15000  }
0x97: {  	[tilespmem:s29], [sflag:$0x2] =	stream.indirect_vreg.gather [hbm4b:s1+s4], $0x80, v3, vm0, $0xb8;
	[tilespmem:$0x1E800] =	vst v63  }
0x98: {  	s30 =	simm.s32 $0x15800  }
0x99: {  	[tilespmem:s30], [sflag:$0x2] =	stream.indirect_vreg.gather [hbm4b:s2+s4], $0x80, v3, vm0, $0xb8;
	[tilespmem:$0x1E800] =	vst v63  }
0x9a: {  	s31 =	simm.s32 $0x16000;
	s7 =	simm.s32 $0x0  }
0x9b: {  	[tilespmem:s31], [sflag:$0x2] =	stream.indirect_vreg.gather [hbm4b:s3+s4], $0x80, v3, vm0, $0xb8;
	[tilespmem:$0x1E800] =	vst v63  }
.LBB2_2:
0x9c: {  	p0 =	seq.s32 s7, $0x0  }
.Ltmp2:
0x9d: {  	_ = 	snop;
	(pc) =	sbr.rel @p0 .LBB2_5-.Ltmp2, $3  }
0x9e: {  	_ = 	snop  }
0x9f: {  	s0 =	smul.u32 $0x3, s7;
	_ =	sdelay $0x1  }
0xa0: {  	[dreg:$0x11] =	wrdreg s0  }
0xa1: {  	p0 =	seq.s32 s7, $0x5  }
.Ltmp3:
0xa2: {  	_ = 	snop;
	(pc) =	sbr.rel @p0 .LBB2_6-.Ltmp3, $1  }
0xa3: {  	_ =	sdelay $0x3  }
0xa4: {  	s0 =	simm.s32 $0x6  }
0xa5: {  	_ =	swait.ge [sflag:s0], $0x2000  }
0xa6: {  	[sflag:s0] =	ssyncset.done $0x0  }
0xa7: {  	[sflag:s0] =	ssyncadd.s32 $0xFFFFE000  }
0xa8: {  	_ =	swait.ge [sflag:s0], $0x2000  }
0xa9: {  	[sflag:s0] =	ssyncset.done $0x0  }
0xaa: {  	[sflag:s0] =	ssyncadd.s32 $0xFFFFE000  }
0xab: {  	_ =	swait.ge [sflag:s0], $0x2000  }
0xac: {  	[sflag:s0] =	ssyncset.done $0x0  }
0xad: {  	[sflag:s0] =	ssyncadd.s32 $0xFFFFE000  }
0xae: {  	_ =	swait.ge [sflag:s0], $0x2000  }
0xaf: {  	[sflag:s0] =	ssyncset.done $0x0  }
0xb0: {  	[sflag:s0] =	ssyncadd.s32 $0xFFFFE000  }
.LBB2_5:
0xb1: {  	s0 =	rddreg [dreg:$0x11]  }
0xb2: {  	s0 =	sadd.s32 $0x2, s0  }
0xb3: {  	s2 =	rddreg [dreg:$0x7];
	s1 =	sshll.u32 s0, $0xA;
	s0 =	sshll.u32 s0, $0x7  }
0xb4: {  	s13 =	simm.s32 $0x4800;
	s1 =	sadd.s32 s1, s2;
	s0 =	sand.u32 $0x3FFFFF80, s0  }
0xb5: {  	[tilespmem:s13], [sflag:$0x3] =	stream.linear.gather [hbm4b:s1+s4], $0x2000, $0x38;
	[tilespmem:$0x1E800] =	vst v63  }
0xb6: {  	v3 =	vld [tilespmem:s0+$0x0];
	_ =	sdelay $0x4  }
0xb7: {  	v4 =	vshll.u32 v3, $0x3  }
0xb8: {  	v3 =	vand.u32 $0x7, v3;
	v4 =	vand.u32 $0xFFFFFFC0, v4  }
0xb9: {  	v3 =	vor.u32 v3, v4  }
0xba: {  	v4 =	vperm.xlane v3, v0;
	_ =	sdelay $0x1  }
0xbb: {  	v4 =	vadd.s32 v1, v4;
	_ =	sdelay $0x3  }
0xbc: {  	s14 =	rddreg [dreg:$0x1];
	s15 =	simm.s32 $0x16800  }
0xbd: {  	[tilespmem:s15], [sflag:$0x3] =	stream.indirect_vreg.gather [hbm4b:s14+s4], $0x80, v4, vm0, $0xb8;
	[tilespmem:$0x1E800] =	vst v63  }
0xbe: {  	s16 =	rddreg [dreg:$0x8];
	s3 =	simm.s32 $0x17000;
	v3 =	vperm.xlane v3, v2  }
0xbf: {  	[tilespmem:s3], [sflag:$0x3] =	stream.indirect_vreg.gather [hbm4b:s16+s4], $0x80, v4, vm0, $0xb8;
	[tilespmem:$0x1E800] =	vst v63  }
0xc0: {  	s17 =	rddreg [dreg:$0x9];
	s5 =	simm.s32 $0x17800;
	v3 =	vadd.s32 v1, v3  }
0xc1: {  	[tilespmem:s5], [sflag:$0x3] =	stream.indirect_vreg.gather [hbm4b:s17+s4], $0x80, v4, vm0, $0xb8;
	[tilespmem:$0x1E800] =	vst v63  }
0xc2: {  	s18 =	rddreg [dreg:$0xa];
	s6 =	simm.s32 $0x18000  }
0xc3: {  	[tilespmem:s6], [sflag:$0x3] =	stream.indirect_vreg.gather [hbm4b:s18+s4], $0x80, v4, vm0, $0xb8;
	[tilespmem:$0x1E800] =	vst v63  }
0xc4: {  	s19 =	simm.s32 $0x18800  }
0xc5: {  	[tilespmem:s19], [sflag:$0x3] =	stream.indirect_vreg.gather [hbm4b:s14+s4], $0x80, v3, vm0, $0xb8;
	[tilespmem:$0x1E800] =	vst v63  }
0xc6: {  	s20 =	simm.s32 $0x19000  }
0xc7: {  	[tilespmem:s20], [sflag:$0x3] =	stream.indirect_vreg.gather [hbm4b:s16+s4], $0x80, v3, vm0, $0xb8;
	[tilespmem:$0x1E800] =	vst v63  }
0xc8: {  	s21 =	simm.s32 $0x19800  }
0xc9: {  	[tilespmem:s21], [sflag:$0x3] =	stream.indirect_vreg.gather [hbm4b:s17+s4], $0x80, v3, vm0, $0xb8;
	[tilespmem:$0x1E800] =	vst v63  }
0xca: {  	s22 =	simm.s32 $0x1A000  }
0xcb: {  	[tilespmem:s22], [sflag:$0x3] =	stream.indirect_vreg.gather [hbm4b:s18+s4], $0x80, v3, vm0, $0xb8;
	[tilespmem:$0x1E800] =	vst v63  }
0xcc: {  	v3 =	vld [tilespmem:s0+$0x10];
	_ =	sdelay $0x4  }
0xcd: {  	v63 =	vshll.u32 v3, $0x3  }
0xce: {  	v3 =	vand.u32 $0x7, v3;
	v4 =	vand.u32 $0xFFFFFFC0, v63  }
0xcf: {  	v3 =	vor.u32 v3, v4  }
0xd0: {  	v4 =	vperm.xlane v3, v0;
	_ =	sdelay $0x1  }
0xd1: {  	v4 =	vadd.s32 v1, v4;
	_ =	sdelay $0x3  }
0xd2: {  	s23 =	simm.s32 $0x1A800  }
0xd3: {  	[tilespmem:s23], [sflag:$0x3] =	stream.indirect_vreg.gather [hbm4b:s14+s4], $0x80, v4, vm0, $0xb8;
	[tilespmem:$0x1E800] =	vst v63  }
0xd4: {  	s24 =	simm.s32 $0x1B000;
	v3 =	vperm.xlane v3, v2  }
0xd5: {  	[tilespmem:s24], [sflag:$0x3] =	stream.indirect_vreg.gather [hbm4b:s16+s4], $0x80, v4, vm0, $0xb8;
	[tilespmem:$0x1E800] =	vst v63  }
0xd6: {  	s25 =	simm.s32 $0x1B800;
	v3 =	vadd.s32 v1, v3  }
0xd7: {  	[tilespmem:s25], [sflag:$0x3] =	stream.indirect_vreg.gather [hbm4b:s17+s4], $0x80, v4, vm0, $0xb8;
	[tilespmem:$0x1E800] =	vst v63  }
0xd8: {  	s26 =	simm.s32 $0x1C000  }
0xd9: {  	[tilespmem:s26], [sflag:$0x3] =	stream.indirect_vreg.gather [hbm4b:s18+s4], $0x80, v4, vm0, $0xb8;
	[tilespmem:$0x1E800] =	vst v63  }
0xda: {  	s28 =	simm.s32 $0x1C800  }
0xdb: {  	[tilespmem:s28], [sflag:$0x3] =	stream.indirect_vreg.gather [hbm4b:s14+s4], $0x80, v3, vm0, $0xb8;
	[tilespmem:$0x1E800] =	vst v63  }
0xdc: {  	s29 =	simm.s32 $0x1D000  }
0xdd: {  	[tilespmem:s29], [sflag:$0x3] =	stream.indirect_vreg.gather [hbm4b:s16+s4], $0x80, v3, vm0, $0xb8;
	[tilespmem:$0x1E800] =	vst v63  }
0xde: {  	s30 =	simm.s32 $0x1D800  }
0xdf: {  	[tilespmem:s30], [sflag:$0x3] =	stream.indirect_vreg.gather [hbm4b:s17+s4], $0x80, v3, vm0, $0xb8;
	[tilespmem:$0x1E800] =	vst v63  }
0xe0: {  	s31 =	simm.s32 $0x1E000  }
0xe1: {  	[tilespmem:s31], [sflag:$0x3] =	stream.indirect_vreg.gather [hbm4b:s18+s4], $0x80, v3, vm0, $0xb8;
	[tilespmem:$0x1E800] =	vst v63  }
.LBB2_6:
0xe2: {  	[dreg:$0x10] =	wrdreg s7;
	s2 =	simm.s32 $0x1  }
0xe3: {  	_ =	swait.ge [sflag:s2], $0x2000  }
0xe4: {  	s0 =	simm.s32 $0x0;
	[sflag:s2] =	ssyncset.done $0x0  }
0xe5: {  	s1 =	simm.s32 $0x0;
	s6 =	sand.u32 $0x40, s0;
	[sflag:s2] =	ssyncadd.s32 $0xFFFFE000  }
0xe6: {  	s3 =	sand.u32 $0x1C00, s0;
	s25 =	sand.u32 $0xFFFFFF80, s1;
	_ =	swait.ge [sflag:s2], $0x8000  }
0xe7: {  	s26 =	sadd.s32 s3, s25;
	s31 =	sor.u32 $0x30, s6;
	[sflag:s2] =	ssyncset.done $0x0  }
0xe8: {  	s11 =	sor.u32 s31, s26;
	[sflag:s2] =	ssyncadd.s32 $0xFFFF8000  }
0xe9: {  	v9 =	vld [tilespmem:s11+$0x800]  }
0xea: {  	s13 =	sor.u32 s6, s26;
	v3 =	vld [tilespmem:s11+$0x6800]  }
0xeb: {  	s5 =	sor.u32 $0x10, s6;
	v12 =	vld [tilespmem:s13+$0x800]  }
0xec: {  	s14 =	sor.u32 s5, s26;
	v5 =	vld [tilespmem:s13+$0x6800]  }
0xed: {  	s12 =	sor.u32 $0x20, s6;
	v4 =	vld [tilespmem:s14+$0x800]  }
0xee: {  	s15 =	simm.s32 $0x200;
	s1 =	sand.u32 $0x3FFFFF80, s1;
	s7 =	sor.u32 s12, s26;
	v6 =	vld [tilespmem:s14+$0x6800]  }
0xef: {  	s17 =	simm.s32 $0x8;
	s18 =	simm.s32 $0x40;
	s1 =	sadd.s32 s3, s1;
	v8 =	vld [tilespmem:s7+$0x6800];
	v7 =	vadd.f32 v3, v9  }
0xf0: {  	s15 =	sand.u32 $0x1C00, s15;
	s8 =	sand.u32 $0xFFFFFF80, s17;
	s3 =	sadd.s32 $0x8800, s1;
	v3 =	vld [tilespmem:s7+$0x800]  }
0xf1: {  	s18 =	sand.u32 $0x40, s18;
	s9 =	sadd.s32 s15, s8;
	s2 =	sor.u32 s31, s3;
	v5 =	vadd.f32 v5, v12;
	[tilespmem:s11+$0x6800] =	vst v7  }
0xf2: {  	s22 =	sor.u32 s18, s9;
	v7 =	vld [tilespmem:s2+$0x0]  }
0xf3: {  	s16 =	sor.u32 s6, s3;
	v16 =	vld [tilespmem:s22+$0x6800];
	[tilespmem:s13+$0x6800] =	vst v5;
	s13 =	sor.u32 $0x30, s18  }
0xf4: {  	v6 =	vadd.f32 v6, v4;
	v10 =	vld [tilespmem:s16+$0x0];
	s20 =	sor.u32 s13, s9  }
0xf5: {  	v13 =	vld [tilespmem:s20+$0x800];
	v5 =	vadd.f32 v8, v3  }
0xf6: {  	s19 =	sor.u32 s5, s3;
	[tilespmem:s14+$0x6800] =	vst v6;
	v11 =	vld [tilespmem:s20+$0x6800]  }
0xf7: {  	s3 =	sor.u32 s12, s3;
	v8 =	vld [tilespmem:s19+$0x0];
	[tilespmem:s7+$0x6800] =	vst v5;
	v6 =	vadd.f32 v7, v9  }
0xf8: {  	s21 =	sadd.s32 $0xA800, s1;
	v14 =	vld [tilespmem:s3+$0x0]  }
0xf9: {  	s10 =	sor.u32 s31, s21;
	s7 =	sor.u32 $0x10, s18;
	v7 =	vld [tilespmem:s22+$0x800];
	[tilespmem:s2+$0x0] =	vst v6  }
0xfa: {  	s24 =	sor.u32 s7, s9;
	v15 =	vld [tilespmem:s10+$0x0]  }
0xfb: {  	v10 =	vadd.f32 v10, v12;
	v5 =	vld [tilespmem:s24+$0x800]  }
0xfc: {  	s17 =	sand.u32 $0x3FFFFF80, s17;
	s26 =	sor.u32 $0x20, s18;
	v11 =	vadd.f32 v11, v13;
	v17 =	vld [tilespmem:s24+$0x6800]  }
0xfd: {  	s15 =	sadd.s32 s15, s17;
	s14 =	sor.u32 s26, s9;
	[tilespmem:s16+$0x0] =	vst v10;
	v8 =	vadd.f32 v8, v4  }
0xfe: {  	s25 =	sadd.s32 $0x8800, s15;
	v6 =	vld [tilespmem:s14+$0x800];
	[tilespmem:s20+$0x6800] =	vst v11;
	v10 =	vadd.f32 v16, v7  }
0xff: {  	s23 =	sor.u32 s13, s25;
	[tilespmem:s19+$0x0] =	vst v8;
	v16 =	vld [tilespmem:s14+$0x6800];
	v11 =	vadd.f32 v15, v9  }
0x100: {  	s28 =	sor.u32 s6, s21;
	v14 =	vadd.f32 v14, v3;
	[tilespmem:s22+$0x6800] =	vst v10;
	v15 =	vld [tilespmem:s23+$0x0]  }
0x101: {  	s29 =	sor.u32 s18, s25;
	v8 =	vadd.f32 v17, v5;
	[tilespmem:s10+$0x0] =	vst v11;
	v11 =	vld [tilespmem:s28+$0x0]  }
0x102: {  	s22 =	sor.u32 s5, s21;
	[tilespmem:s3+$0x0] =	vst v14;
	v19 =	vld [tilespmem:s29+$0x0]  }
0x103: {  	s17 =	sadd.s32 $0xC800, s1;
	s2 =	sor.u32 s7, s25;
	v14 =	vld [tilespmem:s22+$0x0];
	[tilespmem:s24+$0x6800] =	vst v8  }
0x104: {  	s1 =	sor.u32 s31, s17;
	s16 =	simm.s32 $0x80;
	v8 =	vadd.f32 v16, v6;
	v16 =	vld [tilespmem:s2+$0x0]  }
0x105: {  	s11 =	simm.s32 $0x400;
	s0 =	sand.u32 $0x40, s16;
	s21 =	sor.u32 s12, s21;
	v18 =	vld [tilespmem:s1+$0x0];
	v10 =	vadd.f32 v15, v13  }
0x106: {  	s19 =	sor.u32 s26, s25;
	s3 =	sadd.s32 $0xA800, s15;
	s24 =	simm.s32 $0x10;
	[tilespmem:s14+$0x6800] =	vst v8;
	v15 =	vld [tilespmem:s21+$0x0];
	v11 =	vadd.f32 v11, v12  }
0x107: {  	s25 =	sand.u32 $0x1C00, s11;
	s31 =	sor.u32 s13, s3;
	s10 =	sand.u32 $0xFFFFFF80, s24;
	v20 =	vld [tilespmem:s19+$0x0];
	[tilespmem:s23+$0x0] =	vst v10  }
0x108: {  	s14 =	sor.u32 $0x30, s0;
	s23 =	sor.u32 s6, s17;
	v17 =	vld [tilespmem:s31+$0x0];
	[tilespmem:s28+$0x0] =	vst v11;
	s28 =	sadd.s32 s25, s10  }
0x109: {  	v21 =	vld [tilespmem:s23+$0x0];
	s8 =	sor.u32 s14, s28  }
0x10a: {  	v8 =	vld [tilespmem:s8+$0x800]  }
0x10b: {  	v9 =	vadd.f32 v18, v9;
	s9 =	sor.u32 s0, s28;
	v11 =	vld [tilespmem:s8+$0x6800]  }
0x10c: {  	s6 =	sor.u32 $0x10, s0;
	v18 =	vadd.f32 v19, v7;
	v10 =	vld [tilespmem:s9+$0x800]  }
0x10d: {  	[tilespmem:s1+$0x0] =	vst v9;
	s10 =	sor.u32 s6, s28;
	v19 =	vld [tilespmem:s9+$0x6800];
	v17 =	vadd.f32 v17, v13  }
0x10e: {  	v14 =	vadd.f32 v14, v4;
	s1 =	sadd.s32 $0xC800, s15;
	[tilespmem:s29+$0x0] =	vst v18;
	v9 =	vld [tilespmem:s10+$0x800]  }
0x10f: {  	s24 =	sand.u32 $0x3FFFFF80, s24;
	v15 =	vadd.f32 v15, v3;
	s15 =	sor.u32 $0x20, s0;
	v18 =	vld [tilespmem:s10+$0x6800];
	[tilespmem:s31+$0x0] =	vst v17;
	s31 =	sor.u32 s13, s1  }
0x110: {  	[tilespmem:s22+$0x0] =	vst v14;
	s30 =	sor.u32 s15, s28;
	s13 =	sadd.s32 s25, s24;
	v17 =	vld [tilespmem:s31+$0x0];
	v14 =	vadd.f32 v11, v8  }
0x111: {  	v16 =	vadd.f32 v16, v5;
	[tilespmem:s21+$0x0] =	vst v15;
	s22 =	sadd.s32 $0x8800, s13;
	v11 =	vld [tilespmem:s30+$0x800]  }
0x112: {  	v15 =	vadd.f32 v19, v10;
	v19 =	vld [tilespmem:s30+$0x6800];
	s24 =	sor.u32 s14, s22;
	[tilespmem:s8+$0x6800] =	vst v14  }
0x113: {  	[tilespmem:s2+$0x0] =	vst v16;
	v16 =	vadd.f32 v20, v6;
	s21 =	sor.u32 s18, s3;
	v20 =	vld [tilespmem:s24+$0x0]  }
0x114: {  	v12 =	vadd.f32 v21, v12;
	s29 =	sor.u32 s0, s22;
	[tilespmem:s9+$0x6800] =	vst v15;
	v14 =	vld [tilespmem:s21+$0x0]  }
0x115: {  	[tilespmem:s19+$0x0] =	vst v16;
	s25 =	sor.u32 s7, s3;
	v16 =	vadd.f32 v18, v9;
	v15 =	vld [tilespmem:s29+$0x0]  }
0x116: {  	s20 =	sor.u32 s5, s17;
	s12 =	sor.u32 s12, s17;
	s17 =	sor.u32 s26, s3;
	[tilespmem:s23+$0x0] =	vst v12;
	v17 =	vadd.f32 v17, v13;
	v13 =	vld [tilespmem:s25+$0x0]  }
0x117: {  	s5 =	sor.u32 s18, s1;
	s19 =	sor.u32 s7, s1;
	s28 =	sor.u32 s6, s22;
	v12 =	vld [tilespmem:s17+$0x0];
	[tilespmem:s10+$0x6800] =	vst v16;
	v18 =	vadd.f32 v19, v11  }
0x118: {  	s18 =	sor.u32 s26, s1;
	s7 =	simm.s32 $0x8;
	s26 =	sor.u32 s15, s22;
	v16 =	vld [tilespmem:s28+$0x0];
	[tilespmem:s31+$0x0] =	vst v17;
	v17 =	vadd.f32 v20, v8  }
.LBB2_7:
0x119: {  	s7 =	sadd.s32 $0x4, s7;
	s2 =	sadd.s32 $0xA800, s13;
	[tilespmem:s30+$0x6800] =	vst v18;
	s11 =	sadd.s32 $0x200, s11;
	v14 =	vadd.f32 v14, v7;
	v18 =	vld [tilespmem:s20+$0x0]  }
0x11a: {  	s16 =	sadd.s32 $0x40, s16;
	s1 =	sshll.u32 s7, $0x1;
	v15 =	vadd.f32 v15, v10;
	v19 =	vld [tilespmem:s26+$0x0];
	[tilespmem:s24+$0x0] =	vst v17;
	s8 =	sor.u32 s14, s2  }
0x11b: {  	s9 =	sand.u32 $0x40, s16;
	s10 =	sand.u32 $0x1C00, s11;
	s3 =	sand.u32 $0xFFFFFF80, s1;
	v17 =	vld [tilespmem:s8+$0x0];
	[tilespmem:s21+$0x0] =	vst v14;
	v13 =	vadd.f32 v13, v5  }
0x11c: {  	s23 =	sor.u32 $0x10, s9;
	s31 =	sor.u32 $0x30, s9;
	s21 =	sadd.s32 s10, s3;
	[tilespmem:s29+$0x0] =	vst v15;
	v14 =	vld [tilespmem:s5+$0x0];
	v12 =	vadd.f32 v12, v6  }
0x11d: {  	s29 =	sor.u32 $0x20, s9;
	s3 =	sor.u32 s9, s21;
	s24 =	sor.u32 s31, s21;
	v15 =	vadd.f32 v16, v9;
	[tilespmem:s25+$0x0] =	vst v13;
	v13 =	vld [tilespmem:s12+$0x0]  }
0x11e: {  	s22 =	sor.u32 s23, s21;
	s30 =	sor.u32 s29, s21;
	s21 =	sor.u32 s0, s2;
	v16 =	vld [tilespmem:s24+$0x800];
	[tilespmem:s17+$0x0] =	vst v12;
	v12 =	vadd.f32 v18, v4;
	v4 =	vmov v5;
	v5 =	vmov v9  }
0x11f: {  	p0 =	slt.u32 s7, $0x1FC;
	s25 =	sor.u32 s6, s2;
	s17 =	sor.u32 s15, s2;
	v18 =	vld [tilespmem:s24+$0x6800];
	[tilespmem:s28+$0x0] =	vst v15;
	v9 =	vadd.f32 v19, v11  }
0x120: {  	v15 =	vld [tilespmem:s3+$0x800];
	v17 =	vadd.f32 v17, v8;
	[tilespmem:s20+$0x0] =	vst v12;
	s20 =	smov.u32 s19  }
0x121: {  	s2 =	sadd.s32 $0xC800, s13;
	v12 =	vld [tilespmem:s3+$0x6800];
	[tilespmem:s26+$0x0] =	vst v9;
	v14 =	vadd.f32 v14, v7;
	v7 =	vmov v10  }
0x122: {  	s19 =	sor.u32 s6, s2;
	s26 =	sor.u32 s0, s2;
	v9 =	vld [tilespmem:s22+$0x800];
	[tilespmem:s8+$0x0] =	vst v17;
	s8 =	sor.u32 s14, s2;
	v19 =	vadd.f32 v13, v3;
	v3 =	vmov v6;
	v6 =	vmov v11  }
0x123: {  	s1 =	sand.u32 $0x3FFFFF80, s1;
	s0 =	smov.u32 s9;
	s2 =	sor.u32 s15, s2;
	v13 =	vld [tilespmem:s8+$0x0];
	[tilespmem:s5+$0x0] =	vst v14  }
0x124: {  	s13 =	sadd.s32 s10, s1;
	s6 =	smov.u32 s23;
	s14 =	smov.u32 s31;
	v17 =	vld [tilespmem:s22+$0x6800];
	v14 =	vadd.f32 v18, v16;
	[tilespmem:s12+$0x0] =	vst v19  }
0x125: {  	s1 =	sadd.s32 $0x8800, s13;
	s15 =	smov.u32 s29;
	s5 =	smov.u32 s26;
	v11 =	vld [tilespmem:s30+$0x800];
	v10 =	vmov v15  }
0x126: {  	s28 =	sor.u32 s6, s1;
	s29 =	sor.u32 s0, s1;
	v12 =	vadd.f32 v12, v10;
	v18 =	vld [tilespmem:s30+$0x6800];
	[tilespmem:s24+$0x6800] =	vst v14;
	s24 =	sor.u32 s14, s1  }
0x127: {  	s26 =	sor.u32 s15, s1;
	s12 =	smov.u32 s18;
	s18 =	smov.u32 s2;
	v19 =	vld [tilespmem:s24+$0x0]  }
.Ltmp4:
0x128: {  	[tilespmem:s3+$0x6800] =	vst v12;
	v14 =	vld [tilespmem:s21+$0x0];
	v12 =	vadd.f32 v13, v8;
	v8 =	vmov v16;
	(pc) =	sbr.rel @p0 .LBB2_7-.Ltmp4, $4  }
0x129: {  	v15 =	vld [tilespmem:s29+$0x0];
	v16 =	vadd.f32 v17, v9  }
0x12a: {  	v13 =	vld [tilespmem:s25+$0x0];
	[tilespmem:s8+$0x0] =	vst v12  }
0x12b: {  	[tilespmem:s22+$0x6800] =	vst v16;
	v18 =	vadd.f32 v18, v11;
	v12 =	vld [tilespmem:s17+$0x0]  }
0x12c: {  	v16 =	vld [tilespmem:s28+$0x0];
	v17 =	vadd.f32 v19, v8  }
0x12d: {  	[tilespmem:s30+$0x6800] =	vst v18;
	s1 =	sadd.s32 $0xA800, s13  }
0x12e: {  	v18 =	vld [tilespmem:s26+$0x0];
	v15 =	vadd.f32 v15, v10;
	[tilespmem:s24+$0x0] =	vst v17;
	s2 =	sor.u32 s14, s1  }
0x12f: {  	v14 =	vadd.f32 v14, v7;
	v17 =	vld [tilespmem:s2+$0x0]  }
0x130: {  	v19 =	vld [tilespmem:s20+$0x0];
	s3 =	sor.u32 s0, s1;
	v13 =	vadd.f32 v13, v5;
	[tilespmem:s29+$0x0] =	vst v15  }
0x131: {  	[tilespmem:s21+$0x0] =	vst v14;
	v12 =	vadd.f32 v12, v6;
	v50 =	vld [tilespmem:s3+$0x0]  }
0x132: {  	v53 =	vld [tilespmem:s12+$0x0];
	v48 =	vadd.f32 v16, v9;
	[tilespmem:s25+$0x0] =	vst v13  }
0x133: {  	v52 =	vld [tilespmem:s5+$0x0];
	[tilespmem:s17+$0x0] =	vst v12;
	v49 =	vadd.f32 v18, v11  }
0x134: {  	s7 =	sor.u32 s6, s1;
	v56 =	vld [tilespmem:s19+$0x0];
	[tilespmem:s28+$0x0] =	vst v48;
	v51 =	vadd.f32 v17, v8  }
0x135: {  	s8 =	sadd.s32 $0xC800, s13;
	s1 =	sor.u32 s15, s1;
	v4 =	vadd.f32 v19, v4;
	v15 =	vld [tilespmem:s7+$0x0];
	[tilespmem:s26+$0x0] =	vst v49  }
0x136: {  	s14 =	sor.u32 s14, s8;
	v16 =	vld [tilespmem:s1+$0x0];
	[tilespmem:s2+$0x0] =	vst v51;
	v54 =	vadd.f32 v50, v10  }
0x137: {  	v3 =	vadd.f32 v53, v3;
	[tilespmem:s20+$0x0] =	vst v4;
	v55 =	vld [tilespmem:s14+$0x0]  }
0x138: {  	s16 =	sor.u32 s0, s8;
	v59 =	vld [tilespmem:s18+$0x0];
	v58 =	vadd.f32 v52, v7;
	[tilespmem:s3+$0x0] =	vst v54  }
0x139: {  	[tilespmem:s12+$0x0] =	vst v3;
	v3 =	vadd.f32 v56, v5;
	v57 =	vld [tilespmem:s16+$0x0]  }
0x13a: {  	[tilespmem:s5+$0x0] =	vst v58;
	v15 =	vadd.f32 v15, v9  }
0x13b: {  	[tilespmem:s19+$0x0] =	vst v3;
	v16 =	vadd.f32 v16, v11  }
0x13c: {  	s17 =	sor.u32 s6, s8;
	[tilespmem:s7+$0x0] =	vst v15;
	v61 =	vadd.f32 v55, v8  }
0x13d: {  	s20 =	sor.u32 s15, s8;
	v3 =	vadd.f32 v59, v6;
	v60 =	vld [tilespmem:s17+$0x0];
	[tilespmem:s1+$0x0] =	vst v16  }
0x13e: {  	v62 =	vld [tilespmem:s20+$0x0];
	[tilespmem:s14+$0x0] =	vst v61;
	v4 =	vadd.f32 v57, v10  }
0x13f: {  	s7 =	rddreg [dreg:$0x10];
	[tilespmem:s18+$0x0] =	vst v3  }
0x140: {  	s21 =	smul.u32 $0x18, s7;
	[tilespmem:s16+$0x0] =	vst v4  }
0x141: {  	s0 =	rddreg [dreg:$0x5]  }
0x142: {  	v63 =	vadd.f32 v60, v9;
	s0 =	sadd.s32 s0, s21  }
0x143: {  	v3 =	vadd.f32 v62, v11;
	s0 =	sshll.u32 s0, $0x7  }
0x144: {  	s22 =	rddreg [dreg:$0x3];
	[tilespmem:s17+$0x0] =	vst v63;
	s25 =	sand.u32 $0x1FFFFF80, s0  }
0x145: {  	s24 =	simm.s32 $0x6800;
	s23 =	sadd.s32 s22, s0;
	[tilespmem:s20+$0x0] =	vst v3;
	s1 =	sadd.s32 s22, s25  }
0x146: {  	[hbm4b:s23+s4] =	stream.linear.scatter [tilespmem:s24], [sflag:$0x4], $0x2000, $0x38;
	[tilespmem:$0x1E800] =	vst v63  }
0x147: {  	s28 =	simm.s32 $0x8800;
	p0 =	seq.s32 s7, $0x5;
	s26 =	sadd.s32 $0x80000, s1  }
0x148: {  	[hbm4b:s26+s4] =	stream.linear.scatter [tilespmem:s28], [sflag:$0x4], $0x2000, $0x38;
	[tilespmem:$0x1E800] =	vst v63  }
.Ltmp5:
0x149: {  	s0 =	sor.u32 $0x100000, s0;
	(pc) =	sbr.rel @p0 .LBB2_16-.Ltmp5, $4  }
0x14a: {  	s29 =	simm.s32 $0xA800;
	s0 =	sadd.s32 s22, s0  }
0x14b: {  	[hbm4b:s0+s4] =	stream.linear.scatter [tilespmem:s29], [sflag:$0x4], $0x2000, $0x38;
	[tilespmem:$0x1E800] =	vst v63  }
0x14c: {  	s31 =	simm.s32 $0xC800;
	s30 =	sadd.s32 $0x180000, s1  }
0x14d: {  	[hbm4b:s30+s4] =	stream.linear.scatter [tilespmem:s31], [sflag:$0x4], $0x2000, $0x38;
	[tilespmem:$0x1E800] =	vst v63  }
0x14e: {  	s2 =	simm.s32 $0x4  }
0x14f: {  	_ =	swait.ge [sflag:s2], $0x2000  }
0x150: {  	[sflag:s2] =	ssyncset.done $0x0  }
0x151: {  	[sflag:s2] =	ssyncadd.s32 $0xFFFFE000  }
0x152: {  	_ =	swait.ge [sflag:s2], $0x2000  }
0x153: {  	[sflag:s2] =	ssyncset.done $0x0  }
0x154: {  	[sflag:s2] =	ssyncadd.s32 $0xFFFFE000  }
0x155: {  	_ =	swait.ge [sflag:s2], $0x2000  }
0x156: {  	[sflag:s2] =	ssyncset.done $0x0;
	s0 =	rddreg [dreg:$0x11]  }
0x157: {  	s20 =	simm.s32 $0x0;
	[sflag:s2] =	ssyncadd.s32 $0xFFFFE000;
	s0 =	sadd.s32 $0x3, s0  }
0x158: {  	s3 =	simm.s32 $0x800;
	_ =	swait.ge [sflag:s2], $0x2000;
	s1 =	sshll.u32 s0, $0xA  }
0x159: {  	s0 =	sshll.u32 s0, $0x7;
	[sflag:s2] =	ssyncset.done $0x0;
	s19 =	rddreg [dreg:$0x7]  }
0x15a: {  	s0 =	sand.u32 $0x3FFFFF80, s0;
	[sflag:s2] =	ssyncadd.s32 $0xFFFFE000;
	s1 =	sadd.s32 s1, s19  }
0x15b: {  	[tilespmem:s3], [sflag:$0x1] =	stream.linear.gather [hbm4b:s1+s20], $0x2000, $0x38;
	[tilespmem:$0x1E800] =	vst v63  }
0x15c: {  	v3 =	vld [tilespmem:s0+$0x0];
	_ =	sdelay $0x4  }
0x15d: {  	v4 =	vshll.u32 v3, $0x3  }
0x15e: {  	v3 =	vand.u32 $0x7, v3;
	v4 =	vand.u32 $0xFFFFFFC0, v4  }
0x15f: {  	v3 =	vor.u32 v3, v4  }
0x160: {  	v4 =	vperm.xlane v3, v0;
	_ =	sdelay $0x1  }
0x161: {  	v4 =	vadd.s32 v1, v4;
	_ =	sdelay $0x3  }
0x162: {  	s22 =	simm.s32 $0x6800;
	s21 =	rddreg [dreg:$0x1]  }
0x163: {  	[tilespmem:s22], [sflag:$0x1] =	stream.indirect_vreg.gather [hbm4b:s21+s20], $0x80, v4, vm0, $0xb8;
	[tilespmem:$0x1E800] =	vst v63  }
0x164: {  	s4 =	simm.s32 $0x7000;
	s23 =	rddreg [dreg:$0x8];
	v3 =	vperm.xlane v3, v2  }
0x165: {  	[tilespmem:s4], [sflag:$0x1] =	stream.indirect_vreg.gather [hbm4b:s23+s20], $0x80, v4, vm0, $0xb8;
	[tilespmem:$0x1E800] =	vst v63  }
0x166: {  	s5 =	simm.s32 $0x7800;
	s24 =	rddreg [dreg:$0x9];
	v3 =	vadd.s32 v1, v3  }
0x167: {  	[tilespmem:s5], [sflag:$0x1] =	stream.indirect_vreg.gather [hbm4b:s24+s20], $0x80, v4, vm0, $0xb8;
	[tilespmem:$0x1E800] =	vst v63  }
0x168: {  	s6 =	simm.s32 $0x8000;
	s25 =	rddreg [dreg:$0xa]  }
0x169: {  	[tilespmem:s6], [sflag:$0x1] =	stream.indirect_vreg.gather [hbm4b:s25+s20], $0x80, v4, vm0, $0xb8;
	[tilespmem:$0x1E800] =	vst v63  }
0x16a: {  	s26 =	simm.s32 $0x8800  }
0x16b: {  	[tilespmem:s26], [sflag:$0x1] =	stream.indirect_vreg.gather [hbm4b:s21+s20], $0x80, v3, vm0, $0xb8;
	[tilespmem:$0x1E800] =	vst v63  }
0x16c: {  	s29 =	simm.s32 $0x9000  }
0x16d: {  	[tilespmem:s29], [sflag:$0x1] =	stream.indirect_vreg.gather [hbm4b:s23+s20], $0x80, v3, vm0, $0xb8;
	[tilespmem:$0x1E800] =	vst v63  }
0x16e: {  	s30 =	simm.s32 $0x9800  }
0x16f: {  	[tilespmem:s30], [sflag:$0x1] =	stream.indirect_vreg.gather [hbm4b:s24+s20], $0x80, v3, vm0, $0xb8;
	[tilespmem:$0x1E800] =	vst v63  }
0x170: {  	s31 =	simm.s32 $0xA000  }
0x171: {  	[tilespmem:s31], [sflag:$0x1] =	stream.indirect_vreg.gather [hbm4b:s25+s20], $0x80, v3, vm0, $0xb8;
	[tilespmem:$0x1E800] =	vst v63  }
0x172: {  	v3 =	vld [tilespmem:s0+$0x10];
	_ =	sdelay $0x4  }
0x173: {  	v4 =	vshll.u32 v3, $0x3  }
0x174: {  	v3 =	vand.u32 $0x7, v3;
	v4 =	vand.u32 $0xFFFFFFC0, v4  }
0x175: {  	v3 =	vor.u32 v3, v4  }
0x176: {  	v4 =	vperm.xlane v3, v0;
	_ =	sdelay $0x1  }
0x177: {  	v4 =	vadd.s32 v1, v4;
	_ =	sdelay $0x3  }
0x178: {  	s6 =	simm.s32 $0xA800  }
0x179: {  	[tilespmem:s6], [sflag:$0x1] =	stream.indirect_vreg.gather [hbm4b:s21+s20], $0x80, v4, vm0, $0xb8;
	[tilespmem:$0x1E800] =	vst v63  }
0x17a: {  	s7 =	simm.s32 $0xB000;
	v3 =	vperm.xlane v3, v2  }
0x17b: {  	[tilespmem:s7], [sflag:$0x1] =	stream.indirect_vreg.gather [hbm4b:s23+s20], $0x80, v4, vm0, $0xb8;
	[tilespmem:$0x1E800] =	vst v63  }
0x17c: {  	s8 =	simm.s32 $0xB800;
	v3 =	vadd.s32 v1, v3  }
0x17d: {  	[tilespmem:s8], [sflag:$0x1] =	stream.indirect_vreg.gather [hbm4b:s24+s20], $0x80, v4, vm0, $0xb8;
	[tilespmem:$0x1E800] =	vst v63  }
0x17e: {  	s9 =	simm.s32 $0xC000  }
0x17f: {  	[tilespmem:s9], [sflag:$0x1] =	stream.indirect_vreg.gather [hbm4b:s25+s20], $0x80, v4, vm0, $0xb8;
	[tilespmem:$0x1E800] =	vst v63  }
0x180: {  	s10 =	simm.s32 $0xC800  }
0x181: {  	[tilespmem:s10], [sflag:$0x1] =	stream.indirect_vreg.gather [hbm4b:s21+s20], $0x80, v3, vm0, $0xb8;
	[tilespmem:$0x1E800] =	vst v63  }
0x182: {  	s11 =	simm.s32 $0xD000  }
0x183: {  	[tilespmem:s11], [sflag:$0x1] =	stream.indirect_vreg.gather [hbm4b:s23+s20], $0x80, v3, vm0, $0xb8;
	[tilespmem:$0x1E800] =	vst v63  }
0x184: {  	s12 =	simm.s32 $0xD800  }
0x185: {  	[tilespmem:s12], [sflag:$0x1] =	stream.indirect_vreg.gather [hbm4b:s24+s20], $0x80, v3, vm0, $0xb8;
	[tilespmem:$0x1E800] =	vst v63  }
0x186: {  	s13 =	simm.s32 $0xE000;
	s14 =	simm.s32 $0x2  }
0x187: {  	[tilespmem:s13], [sflag:$0x1] =	stream.indirect_vreg.gather [hbm4b:s25+s20], $0x80, v3, vm0, $0xb8;
	[tilespmem:$0x1E800] =	vst v63  }
0x188: {  	_ =	swait.ge [sflag:s14], $0x2000  }
0x189: {  	s15 =	simm.s32 $0x0;
	[sflag:s14] =	ssyncset.done $0x0  }
0x18a: {  	s16 =	sand.u32 $0x1C00, s20;
	s17 =	sand.u32 $0xFFFFFF80, s15;
	[sflag:s14] =	ssyncadd.s32 $0xFFFFE000  }
0x18b: {  	s5 =	sand.u32 $0x40, s20;
	s0 =	sadd.s32 s17, s16;
	_ =	swait.ge [sflag:s14], $0x8000  }
0x18c: {  	s18 =	sadd.s32 $0x2800, s0;
	s6 =	sor.u32 $0x30, s5;
	[sflag:s14] =	ssyncset.done $0x0  }
0x18d: {  	s19 =	sor.u32 s6, s18;
	s7 =	sadd.s32 $0xE800, s0;
	[sflag:s14] =	ssyncadd.s32 $0xFFFF8000  }
0x18e: {  	s8 =	sor.u32 s6, s7;
	v7 =	vld [tilespmem:s19+$0x0]  }
0x18f: {  	s9 =	sor.u32 s5, s18;
	v3 =	vld [tilespmem:s8+$0x0]  }
0x190: {  	s0 =	sor.u32 $0x10, s5;
	s10 =	sor.u32 s5, s7;
	v8 =	vld [tilespmem:s9+$0x0]  }
0x191: {  	s20 =	sor.u32 s0, s18;
	v4 =	vld [tilespmem:s10+$0x0]  }
0x192: {  	s12 =	sor.u32 $0x20, s5;
	s13 =	sor.u32 s0, s7;
	v10 =	vld [tilespmem:s20+$0x0]  }
0x193: {  	s21 =	sor.u32 s12, s7;
	v5 =	vld [tilespmem:s13+$0x0]  }
0x194: {  	s1 =	sand.u32 $0x3FFFFF80, s15;
	s2 =	sor.u32 s12, s18;
	v9 =	vld [tilespmem:s21+$0x0]  }
0x195: {  	s3 =	sadd.s32 s16, s1;
	v6 =	vadd.f32 v3, v7;
	v3 =	vld [tilespmem:s2+$0x0]  }
0x196: {  	s22 =	sadd.s32 $0x10800, s3;
	s26 =	simm.s32 $0x8;
	s25 =	simm.s32 $0x200  }
0x197: {  	s29 =	simm.s32 $0x40;
	s30 =	sand.u32 $0xFFFFFF80, s26;
	s14 =	sand.u32 $0x1C00, s25;
	v4 =	vadd.f32 v4, v8  }
0x198: {  	s17 =	sand.u32 $0x40, s29;
	s23 =	sor.u32 s6, s22;
	s31 =	sadd.s32 s30, s14;
	v5 =	vadd.f32 v5, v10;
	[tilespmem:s8+$0x0] =	vst v6  }
0x199: {  	s24 =	sor.u32 s5, s22;
	s11 =	sor.u32 s12, s22;
	s1 =	sadd.s32 $0xE800, s31;
	[tilespmem:s10+$0x0] =	vst v4;
	v6 =	vld [tilespmem:s23+$0x0]  }
0x19a: {  	s16 =	sadd.s32 $0x2800, s31;
	s20 =	sor.u32 s17, s1;
	[tilespmem:s13+$0x0] =	vst v5;
	s13 =	sor.u32 $0x30, s17;
	v4 =	vadd.f32 v9, v3;
	v9 =	vld [tilespmem:s24+$0x0]  }
0x19b: {  	s7 =	sor.u32 $0x10, s17;
	s9 =	sor.u32 s0, s22;
	v13 =	vld [tilespmem:s20+$0x0];
	s22 =	sor.u32 s13, s16  }
0x19c: {  	s19 =	sor.u32 $0x20, s17;
	v15 =	vld [tilespmem:s22+$0x0];
	s22 =	sor.u32 s7, s1  }
0x19d: {  	s18 =	sor.u32 s13, s1;
	s1 =	sor.u32 s19, s1;
	v16 =	vld [tilespmem:s22+$0x0]  }
0x19e: {  	v18 =	vld [tilespmem:s1+$0x0];
	v5 =	vadd.f32 v6, v7  }
0x19f: {  	[tilespmem:s21+$0x0] =	vst v4;
	v4 =	vadd.f32 v9, v8;
	v9 =	vld [tilespmem:s18+$0x0]  }
0x1a0: {  	s15 =	sadd.s32 $0x12800, s3;
	v6 =	vld [tilespmem:s9+$0x0];
	[tilespmem:s23+$0x0] =	vst v5;
	s23 =	sor.u32 s17, s16  }
0x1a1: {  	s4 =	sor.u32 s6, s15;
	v5 =	vld [tilespmem:s23+$0x0]  }
0x1a2: {  	v12 =	vld [tilespmem:s4+$0x0]  }
0x1a3: {  	s25 =	sand.u32 $0x3FFFFF80, s26;
	s21 =	sor.u32 s5, s15;
	v11 =	vld [tilespmem:s11+$0x0];
	[tilespmem:s24+$0x0] =	vst v4  }
0x1a4: {  	s26 =	sor.u32 s19, s16;
	s24 =	sor.u32 s7, s16;
	s16 =	sadd.s32 s14, s25;
	v14 =	vld [tilespmem:s21+$0x0];
	v9 =	vadd.f32 v9, v15  }
0x1a5: {  	v4 =	vld [tilespmem:s24+$0x0];
	v17 =	vadd.f32 v6, v10;
	s8 =	sadd.s32 $0x10800, s16  }
0x1a6: {  	v6 =	vld [tilespmem:s26+$0x0];
	s29 =	sor.u32 s13, s8;
	v13 =	vadd.f32 v13, v5;
	[tilespmem:s18+$0x0] =	vst v9  }
0x1a7: {  	s30 =	sor.u32 s0, s15;
	[tilespmem:s9+$0x0] =	vst v17;
	v9 =	vadd.f32 v12, v7;
	v12 =	vld [tilespmem:s29+$0x0]  }
0x1a8: {  	v11 =	vadd.f32 v11, v3;
	s23 =	sor.u32 s17, s8;
	s18 =	sadd.s32 $0x14800, s3;
	[tilespmem:s20+$0x0] =	vst v13;
	v13 =	vld [tilespmem:s30+$0x0]  }
0x1a9: {  	v14 =	vadd.f32 v14, v8;
	s2 =	sor.u32 s6, s18;
	[tilespmem:s4+$0x0] =	vst v9;
	v9 =	vld [tilespmem:s23+$0x0]  }
0x1aa: {  	[tilespmem:s11+$0x0] =	vst v11;
	s20 =	sor.u32 s12, s15;
	v16 =	vadd.f32 v16, v4;
	v11 =	vld [tilespmem:s2+$0x0]  }
0x1ab: {  	s5 =	sor.u32 s5, s18;
	v17 =	vadd.f32 v18, v6;
	[tilespmem:s21+$0x0] =	vst v14;
	v14 =	vld [tilespmem:s20+$0x0]  }
0x1ac: {  	s11 =	simm.s32 $0x400;
	s3 =	sadd.s32 $0x12800, s16;
	s21 =	sor.u32 s7, s8;
	[tilespmem:s22+$0x0] =	vst v16;
	v16 =	vld [tilespmem:s5+$0x0];
	v12 =	vadd.f32 v12, v15  }
0x1ad: {  	s6 =	simm.s32 $0x80;
	s8 =	sor.u32 s19, s8;
	s22 =	simm.s32 $0x10;
	[tilespmem:s1+$0x0] =	vst v17;
	v18 =	vld [tilespmem:s21+$0x0];
	v13 =	vadd.f32 v13, v10  }
0x1ae: {  	s4 =	sor.u32 s13, s3;
	s1 =	sand.u32 $0x1C00, s11;
	s31 =	sand.u32 $0xFFFFFF80, s22;
	v17 =	vld [tilespmem:s8+$0x0];
	v9 =	vadd.f32 v9, v5;
	[tilespmem:s29+$0x0] =	vst v12  }
0x1af: {  	s26 =	sor.u32 s0, s18;
	s0 =	sand.u32 $0x40, s6;
	s29 =	sadd.s32 s31, s1;
	[tilespmem:s30+$0x0] =	vst v13;
	v12 =	vld [tilespmem:s4+$0x0]  }
0x1b0: {  	s9 =	sor.u32 s17, s3;
	s14 =	sor.u32 $0x30, s0;
	s24 =	sadd.s32 $0x2800, s29;
	[tilespmem:s23+$0x0] =	vst v9;
	v13 =	vld [tilespmem:s26+$0x0]  }
0x1b1: {  	s23 =	sadd.s32 $0xE800, s29;
	s30 =	sor.u32 s14, s24;
	v19 =	vld [tilespmem:s9+$0x0]  }
0x1b2: {  	v9 =	vadd.f32 v11, v7;
	s28 =	sor.u32 s14, s23;
	v7 =	vld [tilespmem:s30+$0x0]  }
0x1b3: {  	v11 =	vadd.f32 v14, v3;
	s25 =	sor.u32 s0, s24;
	v14 =	vld [tilespmem:s28+$0x0]  }
0x1b4: {  	s15 =	sor.u32 $0x10, s0;
	[tilespmem:s2+$0x0] =	vst v9;
	v9 =	vld [tilespmem:s25+$0x0];
	s2 =	sor.u32 s0, s23;
	v12 =	vadd.f32 v12, v15  }
0x1b5: {  	v16 =	vadd.f32 v16, v8;
	s29 =	sadd.s32 $0x14800, s16;
	s31 =	sor.u32 s15, s24;
	[tilespmem:s20+$0x0] =	vst v11;
	v11 =	vld [tilespmem:s2+$0x0]  }
0x1b6: {  	v8 =	vld [tilespmem:s31+$0x0];
	[tilespmem:s4+$0x0] =	vst v12;
	v12 =	vadd.f32 v18, v4;
	s4 =	sor.u32 s13, s29  }
0x1b7: {  	s22 =	sand.u32 $0x3FFFFF80, s22;
	s16 =	sor.u32 $0x20, s0;
	[tilespmem:s5+$0x0] =	vst v16;
	s30 =	sor.u32 s15, s23;
	v16 =	vadd.f32 v17, v6;
	v17 =	vld [tilespmem:s4+$0x0]  }
0x1b8: {  	s5 =	sadd.s32 s1, s22;
	s25 =	sor.u32 s16, s23;
	v14 =	vadd.f32 v14, v7;
	[tilespmem:s21+$0x0] =	vst v12;
	v12 =	vld [tilespmem:s30+$0x0]  }
0x1b9: {  	s24 =	sor.u32 s16, s24;
	s31 =	sadd.s32 $0x10800, s5;
	[tilespmem:s8+$0x0] =	vst v16;
	v16 =	vld [tilespmem:s25+$0x0];
	v13 =	vadd.f32 v13, v10  }
0x1ba: {  	v10 =	vld [tilespmem:s24+$0x0];
	s24 =	sor.u32 s14, s31;
	v11 =	vadd.f32 v11, v9;
	[tilespmem:s28+$0x0] =	vst v14  }
0x1bb: {  	s20 =	sor.u32 s7, s3;
	[tilespmem:s26+$0x0] =	vst v13;
	v18 =	vadd.f32 v19, v5;
	v14 =	vld [tilespmem:s24+$0x0]  }
0x1bc: {  	s28 =	sor.u32 s0, s31;
	[tilespmem:s2+$0x0] =	vst v11;
	v13 =	vld [tilespmem:s20+$0x0];
	v11 =	vadd.f32 v17, v15  }
0x1bd: {  	s18 =	sor.u32 s12, s18;
	s13 =	sor.u32 s19, s3;
	[tilespmem:s9+$0x0] =	vst v18;
	v15 =	vld [tilespmem:s28+$0x0];
	v17 =	vadd.f32 v12, v8  }
0x1be: {  	s17 =	sor.u32 s17, s29;
	s12 =	sor.u32 s7, s29;
	s7 =	sor.u32 s16, s31;
	v12 =	vld [tilespmem:s13+$0x0];
	[tilespmem:s4+$0x0] =	vst v11  }
0x1bf: {  	s19 =	sor.u32 s19, s29;
	s26 =	sor.u32 s15, s31;
	s21 =	simm.s32 $0x8;
	v16 =	vadd.f32 v16, v10;
	v11 =	vld [tilespmem:s17+$0x0];
	[tilespmem:s30+$0x0] =	vst v17  }
.LBB2_10:
0x1c0: {  	s21 =	sadd.s32 $0x4, s21;
	v17 =	vld [tilespmem:s26+$0x0];
	v14 =	vadd.f32 v14, v7;
	s11 =	sadd.s32 $0x200, s11  }
0x1c1: {  	s2 =	sadd.s32 $0x12800, s5;
	s6 =	sadd.s32 $0x40, s6;
	s3 =	sshll.u32 s21, $0x1;
	[tilespmem:s25+$0x0] =	vst v16;
	v13 =	vadd.f32 v13, v4;
	v16 =	vld [tilespmem:s18+$0x0]  }
0x1c2: {  	s22 =	sand.u32 $0x1C00, s11;
	s9 =	sor.u32 s14, s2;
	s8 =	sand.u32 $0xFFFFFF80, s3;
	v15 =	vadd.f32 v15, v9;
	v18 =	vld [tilespmem:s7+$0x0];
	[tilespmem:s24+$0x0] =	vst v14  }
0x1c3: {  	s1 =	sand.u32 $0x40, s6;
	s24 =	sor.u32 s0, s2;
	s8 =	sadd.s32 s8, s22;
	v14 =	vld [tilespmem:s9+$0x0];
	[tilespmem:s20+$0x0] =	vst v13;
	v12 =	vadd.f32 v12, v6  }
0x1c4: {  	s23 =	sor.u32 $0x10, s1;
	s31 =	sor.u32 $0x30, s1;
	s10 =	sadd.s32 $0x2800, s8;
	[tilespmem:s28+$0x0] =	vst v15;
	v11 =	vadd.f32 v11, v5;
	v13 =	vld [tilespmem:s12+$0x0];
	v5 =	vmov v9  }
0x1c5: {  	s8 =	sadd.s32 $0xE800, s8;
	s28 =	sor.u32 $0x20, s1;
	s20 =	sor.u32 s31, s10;
	v15 =	vld [tilespmem:s24+$0x0];
	v9 =	vadd.f32 v17, v8;
	[tilespmem:s13+$0x0] =	vst v12  }
0x1c6: {  	s13 =	sor.u32 s1, s10;
	s30 =	sor.u32 s1, s8;
	s4 =	sor.u32 s31, s8;
	v12 =	vld [tilespmem:s20+$0x0];
	[tilespmem:s17+$0x0] =	vst v11;
	v11 =	vadd.f32 v16, v3;
	v3 =	vmov v6;
	v6 =	vmov v10  }
0x1c7: {  	s29 =	sor.u32 s23, s8;
	s17 =	sor.u32 s23, s10;
	s10 =	sor.u32 s28, s10;
	v10 =	vld [tilespmem:s4+$0x0];
	[tilespmem:s26+$0x0] =	vst v9;
	v16 =	vadd.f32 v18, v6  }
0x1c8: {  	s25 =	sor.u32 s28, s8;
	s20 =	sor.u32 s15, s2;
	v9 =	vld [tilespmem:s13+$0x0];
	s13 =	sor.u32 s16, s2;
	v14 =	vadd.f32 v14, v7;
	[tilespmem:s18+$0x0] =	vst v11  }
0x1c9: {  	p0 =	slt.u32 s21, $0x1FC;
	s2 =	sadd.s32 $0x14800, s5;
	s18 =	smov.u32 s19;
	v11 =	vld [tilespmem:s30+$0x0];
	[tilespmem:s7+$0x0] =	vst v16;
	v13 =	vadd.f32 v13, v4;
	v4 =	vmov v8  }
0x1ca: {  	s7 =	sor.u32 s15, s2;
	s8 =	sor.u32 s14, s2;
	v8 =	vld [tilespmem:s17+$0x0];
	v15 =	vadd.f32 v15, v5;
	s17 =	sor.u32 s0, s2;
	[tilespmem:s9+$0x0] =	vst v14  }
0x1cb: {  	s3 =	sand.u32 $0x3FFFFF80, s3;
	s19 =	sor.u32 s16, s2;
	s0 =	smov.u32 s1;
	v16 =	vld [tilespmem:s8+$0x0];
	[tilespmem:s12+$0x0] =	vst v13  }
0x1cc: {  	s5 =	sadd.s32 s22, s3;
	s15 =	smov.u32 s23;
	s14 =	smov.u32 s31;
	v17 =	vld [tilespmem:s29+$0x0];
	v13 =	vadd.f32 v10, v12;
	[tilespmem:s24+$0x0] =	vst v15  }
0x1cd: {  	s16 =	smov.u32 s28;
	s1 =	sadd.s32 $0x10800, s5;
	s12 =	smov.u32 s7;
	v10 =	vld [tilespmem:s10+$0x0]  }
0x1ce: {  	s28 =	sor.u32 s0, s1;
	s26 =	sor.u32 s15, s1;
	s24 =	sor.u32 s14, s1;
	v11 =	vadd.f32 v11, v9;
	v18 =	vld [tilespmem:s25+$0x0];
	[tilespmem:s4+$0x0] =	vst v13  }
.Ltmp6:
0x1cf: {  	s7 =	sor.u32 s16, s1;
	v14 =	vld [tilespmem:s24+$0x0];
	(pc) =	sbr.rel @p0 .LBB2_10-.Ltmp6, $4  }
0x1d0: {  	[tilespmem:s30+$0x0] =	vst v11;
	v13 =	vld [tilespmem:s20+$0x0];
	v11 =	vadd.f32 v16, v7;
	v7 =	vmov v12  }
0x1d1: {  	v15 =	vld [tilespmem:s28+$0x0];
	v16 =	vadd.f32 v17, v8  }
0x1d2: {  	v12 =	vld [tilespmem:s13+$0x0];
	[tilespmem:s8+$0x0] =	vst v11  }
0x1d3: {  	[tilespmem:s29+$0x0] =	vst v16;
	v16 =	vadd.f32 v18, v10;
	v11 =	vld [tilespmem:s17+$0x0]  }
0x1d4: {  	_ = 	snop  }
0x1d5: {  	v17 =	vld [tilespmem:s26+$0x0];
	v14 =	vadd.f32 v14, v7;
	[tilespmem:s25+$0x0] =	vst v16  }
0x1d6: {  	s1 =	sadd.s32 $0x12800, s5;
	v16 =	vld [tilespmem:s7+$0x0];
	v15 =	vadd.f32 v15, v9  }
0x1d7: {  	s2 =	sor.u32 s14, s1;
	[tilespmem:s24+$0x0] =	vst v14  }
0x1d8: {  	s3 =	sor.u32 s0, s1;
	v14 =	vld [tilespmem:s2+$0x0];
	[tilespmem:s28+$0x0] =	vst v15  }
0x1d9: {  	v53 =	vld [tilespmem:s3+$0x0]  }
0x1da: {  	v52 =	vadd.f32 v17, v8  }
0x1db: {  	v16 =	vadd.f32 v16, v10  }
0x1dc: {  	v18 =	vld [tilespmem:s18+$0x0];
	s4 =	sor.u32 s15, s1;
	v13 =	vadd.f32 v13, v4;
	[tilespmem:s26+$0x0] =	vst v52  }
0x1dd: {  	s1 =	sor.u32 s16, s1;
	v15 =	vld [tilespmem:s4+$0x0];
	v14 =	vadd.f32 v14, v7;
	[tilespmem:s7+$0x0] =	vst v16  }
0x1de: {  	s11 =	sadd.s32 $0x14800, s5;
	[tilespmem:s20+$0x0] =	vst v13;
	v16 =	vld [tilespmem:s1+$0x0];
	v54 =	vadd.f32 v53, v9  }
0x1df: {  	s14 =	sor.u32 s14, s11;
	v12 =	vadd.f32 v12, v6;
	v55 =	vld [tilespmem:s12+$0x0];
	[tilespmem:s2+$0x0] =	vst v14  }
0x1e0: {  	s6 =	sor.u32 s0, s11;
	v5 =	vadd.f32 v11, v5;
	v14 =	vld [tilespmem:s14+$0x0];
	[tilespmem:s3+$0x0] =	vst v54  }
0x1e1: {  	[tilespmem:s13+$0x0] =	vst v12;
	v3 =	vadd.f32 v18, v3;
	v57 =	vld [tilespmem:s6+$0x0]  }
0x1e2: {  	v59 =	vld [tilespmem:s19+$0x0];
	[tilespmem:s17+$0x0] =	vst v5;
	v56 =	vadd.f32 v15, v8  }
0x1e3: {  	[tilespmem:s18+$0x0] =	vst v3;
	v58 =	vadd.f32 v16, v10  }
0x1e4: {  	s15 =	sor.u32 s15, s11;
	v60 =	vadd.f32 v55, v4;
	[tilespmem:s4+$0x0] =	vst v56  }
0x1e5: {  	s20 =	sor.u32 s16, s11;
	v13 =	vld [tilespmem:s15+$0x0];
	v3 =	vadd.f32 v14, v7;
	[tilespmem:s1+$0x0] =	vst v58  }
0x1e6: {  	[tilespmem:s12+$0x0] =	vst v60;
	v61 =	vld [tilespmem:s20+$0x0];
	v62 =	vadd.f32 v57, v9  }
0x1e7: {  	[tilespmem:s14+$0x0] =	vst v3;
	v3 =	vadd.f32 v59, v6  }
0x1e8: {  	s7 =	rddreg [dreg:$0x10];
	[tilespmem:s6+$0x0] =	vst v62  }
0x1e9: {  	s21 =	smul.u32 $0x6000, s7;
	[tilespmem:s19+$0x0] =	vst v3  }
0x1ea: {  	v63 =	vadd.f32 v13, v8;
	s22 =	rddreg [dreg:$0xc]  }
0x1eb: {  	[dreg:$0x12] =	wrdreg s21;
	s1 =	sadd.s32 s21, s22;
	v3 =	vadd.f32 v61, v10  }
0x1ec: {  	s23 =	rddreg [dreg:$0x3];
	[tilespmem:s15+$0x0] =	vst v63;
	s1 =	sshrl.u32 s1, $0x3  }
0x1ed: {  	s25 =	simm.s32 $0xE800;
	s4 =	simm.s32 $0x0;
	s24 =	sadd.s32 s23, s1;
	[tilespmem:s20+$0x0] =	vst v3  }
0x1ee: {  	[hbm4b:s24+s4] =	stream.linear.scatter [tilespmem:s25], [sflag:$0x5], $0x2000, $0x38;
	[tilespmem:$0x1E800] =	vst v63  }
0x1ef: {  	s28 =	simm.s32 $0x10800;
	p0 =	sgt.u32 s7, $0x3;
	s26 =	sadd.s32 $0x80000, s24  }
0x1f0: {  	[hbm4b:s26+s4] =	stream.linear.scatter [tilespmem:s28], [sflag:$0x5], $0x2000, $0x38;
	[tilespmem:$0x1E800] =	vst v63  }
.Ltmp7:
0x1f1: {  	s1 =	sor.u32 $0x100000, s1;
	(pc) =	sbr.rel @p0 .LBB2_13-.Ltmp7, $4  }
0x1f2: {  	s29 =	simm.s32 $0x12800;
	s1 =	sadd.s32 s23, s1  }
0x1f3: {  	[hbm4b:s1+s4] =	stream.linear.scatter [tilespmem:s29], [sflag:$0x5], $0x2000, $0x38;
	[tilespmem:$0x1E800] =	vst v63  }
0x1f4: {  	s31 =	simm.s32 $0x14800;
	s30 =	sadd.s32 $0x180000, s24  }
0x1f5: {  	[hbm4b:s30+s4] =	stream.linear.scatter [tilespmem:s31], [sflag:$0x5], $0x2000, $0x38;
	[tilespmem:$0x1E800] =	vst v63  }
0x1f6: {  	s0 =	simm.s32 $0x5  }
0x1f7: {  	_ =	swait.ge [sflag:s0], $0x2000  }
0x1f8: {  	[sflag:s0] =	ssyncset.done $0x0  }
0x1f9: {  	[sflag:s0] =	ssyncadd.s32 $0xFFFFE000  }
0x1fa: {  	_ =	swait.ge [sflag:s0], $0x2000  }
0x1fb: {  	[sflag:s0] =	ssyncset.done $0x0  }
0x1fc: {  	[sflag:s0] =	ssyncadd.s32 $0xFFFFE000  }
0x1fd: {  	_ =	swait.ge [sflag:s0], $0x2000  }
0x1fe: {  	[sflag:s0] =	ssyncset.done $0x0;
	s1 =	rddreg [dreg:$0x11]  }
0x1ff: {  	[sflag:s0] =	ssyncadd.s32 $0xFFFFE000;
	s1 =	sadd.s32 $0x4, s1  }
0x200: {  	s13 =	simm.s32 $0x2800;
	_ =	swait.ge [sflag:s0], $0x2000;
	s2 =	sshll.u32 s1, $0xA  }
0x201: {  	s1 =	sshll.u32 s1, $0x7;
	[sflag:s0] =	ssyncset.done $0x0;
	s12 =	rddreg [dreg:$0x7]  }
0x202: {  	s1 =	sand.u32 $0x3FFFFF80, s1;
	[sflag:s0] =	ssyncadd.s32 $0xFFFFE000;
	s2 =	sadd.s32 s2, s12  }
0x203: {  	[tilespmem:s13], [sflag:$0x2] =	stream.linear.gather [hbm4b:s2+s4], $0x2000, $0x38;
	[tilespmem:$0x1E800] =	vst v63  }
0x204: {  	v3 =	vld [tilespmem:s1+$0x0];
	_ =	sdelay $0x4  }
0x205: {  	v4 =	vshll.u32 v3, $0x3  }
0x206: {  	v3 =	vand.u32 $0x7, v3;
	v4 =	vand.u32 $0xFFFFFFC0, v4  }
0x207: {  	v3 =	vor.u32 v3, v4  }
0x208: {  	v4 =	vperm.xlane v3, v0;
	_ =	sdelay $0x1  }
0x209: {  	v4 =	vadd.s32 v1, v4;
	_ =	sdelay $0x3  }
0x20a: {  	s15 =	simm.s32 $0xE800;
	s14 =	rddreg [dreg:$0x1]  }
0x20b: {  	[tilespmem:s15], [sflag:$0x2] =	stream.indirect_vreg.gather [hbm4b:s14+s4], $0x80, v4, vm0, $0xb8;
	[tilespmem:$0x1E800] =	vst v63  }
0x20c: {  	s3 =	simm.s32 $0xF000;
	s16 =	rddreg [dreg:$0x8];
	v3 =	vperm.xlane v3, v2  }
0x20d: {  	[tilespmem:s3], [sflag:$0x2] =	stream.indirect_vreg.gather [hbm4b:s16+s4], $0x80, v4, vm0, $0xb8;
	[tilespmem:$0x1E800] =	vst v63  }
0x20e: {  	s5 =	simm.s32 $0xF800;
	s17 =	rddreg [dreg:$0x9];
	v3 =	vadd.s32 v1, v3  }
0x20f: {  	[tilespmem:s5], [sflag:$0x2] =	stream.indirect_vreg.gather [hbm4b:s17+s4], $0x80, v4, vm0, $0xb8;
	[tilespmem:$0x1E800] =	vst v63  }
0x210: {  	s6 =	simm.s32 $0x10000;
	s18 =	rddreg [dreg:$0xa]  }
0x211: {  	[tilespmem:s6], [sflag:$0x2] =	stream.indirect_vreg.gather [hbm4b:s18+s4], $0x80, v4, vm0, $0xb8;
	[tilespmem:$0x1E800] =	vst v63  }
0x212: {  	s19 =	simm.s32 $0x10800  }
0x213: {  	[tilespmem:s19], [sflag:$0x2] =	stream.indirect_vreg.gather [hbm4b:s14+s4], $0x80, v3, vm0, $0xb8;
	[tilespmem:$0x1E800] =	vst v63  }
0x214: {  	s20 =	simm.s32 $0x11000  }
0x215: {  	[tilespmem:s20], [sflag:$0x2] =	stream.indirect_vreg.gather [hbm4b:s16+s4], $0x80, v3, vm0, $0xb8;
	[tilespmem:$0x1E800] =	vst v63  }
0x216: {  	s21 =	simm.s32 $0x11800  }
0x217: {  	[tilespmem:s21], [sflag:$0x2] =	stream.indirect_vreg.gather [hbm4b:s17+s4], $0x80, v3, vm0, $0xb8;
	[tilespmem:$0x1E800] =	vst v63  }
0x218: {  	s22 =	simm.s32 $0x12000  }
0x219: {  	[tilespmem:s22], [sflag:$0x2] =	stream.indirect_vreg.gather [hbm4b:s18+s4], $0x80, v3, vm0, $0xb8;
	[tilespmem:$0x1E800] =	vst v63  }
0x21a: {  	v3 =	vld [tilespmem:s1+$0x10];
	_ =	sdelay $0x4  }
0x21b: {  	v63 =	vshll.u32 v3, $0x3  }
0x21c: {  	v3 =	vand.u32 $0x7, v3;
	v4 =	vand.u32 $0xFFFFFFC0, v63  }
0x21d: {  	v3 =	vor.u32 v3, v4  }
0x21e: {  	v4 =	vperm.xlane v3, v0;
	_ =	sdelay $0x1  }
0x21f: {  	v4 =	vadd.s32 v1, v4;
	_ =	sdelay $0x3  }
0x220: {  	s23 =	simm.s32 $0x12800  }
0x221: {  	[tilespmem:s23], [sflag:$0x2] =	stream.indirect_vreg.gather [hbm4b:s14+s4], $0x80, v4, vm0, $0xb8;
	[tilespmem:$0x1E800] =	vst v63  }
0x222: {  	s24 =	simm.s32 $0x13000;
	v3 =	vperm.xlane v3, v2  }
0x223: {  	[tilespmem:s24], [sflag:$0x2] =	stream.indirect_vreg.gather [hbm4b:s16+s4], $0x80, v4, vm0, $0xb8;
	[tilespmem:$0x1E800] =	vst v63  }
0x224: {  	s25 =	simm.s32 $0x13800;
	v3 =	vadd.s32 v1, v3  }
0x225: {  	[tilespmem:s25], [sflag:$0x2] =	stream.indirect_vreg.gather [hbm4b:s17+s4], $0x80, v4, vm0, $0xb8;
	[tilespmem:$0x1E800] =	vst v63  }
0x226: {  	s26 =	simm.s32 $0x14000  }
0x227: {  	[tilespmem:s26], [sflag:$0x2] =	stream.indirect_vreg.gather [hbm4b:s18+s4], $0x80, v4, vm0, $0xb8;
	[tilespmem:$0x1E800] =	vst v63  }
0x228: {  	s28 =	simm.s32 $0x14800  }
0x229: {  	[tilespmem:s28], [sflag:$0x2] =	stream.indirect_vreg.gather [hbm4b:s14+s4], $0x80, v3, vm0, $0xb8;
	[tilespmem:$0x1E800] =	vst v63  }
0x22a: {  	s29 =	simm.s32 $0x15000  }
0x22b: {  	[tilespmem:s29], [sflag:$0x2] =	stream.indirect_vreg.gather [hbm4b:s16+s4], $0x80, v3, vm0, $0xb8;
	[tilespmem:$0x1E800] =	vst v63  }
0x22c: {  	s30 =	simm.s32 $0x15800  }
0x22d: {  	[tilespmem:s30], [sflag:$0x2] =	stream.indirect_vreg.gather [hbm4b:s17+s4], $0x80, v3, vm0, $0xb8;
	[tilespmem:$0x1E800] =	vst v63  }
0x22e: {  	s31 =	simm.s32 $0x16000  }
0x22f: {  	[tilespmem:s31], [sflag:$0x2] =	stream.indirect_vreg.gather [hbm4b:s18+s4], $0x80, v3, vm0, $0xb8;
	[tilespmem:$0x1E800] =	vst v63  }
.LBB2_13:
0x230: {  	s0 =	simm.s32 $0x3  }
0x231: {  	_ =	swait.ge [sflag:s0], $0x2000  }
0x232: {  	s1 =	simm.s32 $0x0;
	s3 =	simm.s32 $0x0;
	[sflag:s0] =	ssyncset.done $0x0  }
0x233: {  	s4 =	sand.u32 $0x1C00, s1;
	s2 =	sand.u32 $0xFFFFFF80, s3;
	[sflag:s0] =	ssyncadd.s32 $0xFFFFE000  }
0x234: {  	s5 =	sand.u32 $0x40, s1;
	s18 =	sadd.s32 s2, s4;
	_ =	swait.ge [sflag:s0], $0x8000  }
0x235: {  	s6 =	sor.u32 $0x30, s5;
	s7 =	sadd.s32 $0x4800, s18;
	[sflag:s0] =	ssyncset.done $0x0  }
0x236: {  	s1 =	sadd.s32 $0x16800, s18;
	s19 =	sor.u32 s6, s7;
	[sflag:s0] =	ssyncadd.s32 $0xFFFF8000  }
0x237: {  	s8 =	sor.u32 s6, s1;
	v7 =	vld [tilespmem:s19+$0x0]  }
0x238: {  	s9 =	sor.u32 s5, s7;
	v3 =	vld [tilespmem:s8+$0x0]  }
0x239: {  	s2 =	sor.u32 $0x10, s5;
	s10 =	sor.u32 s5, s1;
	v8 =	vld [tilespmem:s9+$0x0]  }
0x23a: {  	s20 =	sor.u32 s2, s7;
	v4 =	vld [tilespmem:s10+$0x0]  }
0x23b: {  	s13 =	sor.u32 s2, s1;
	v10 =	vld [tilespmem:s20+$0x0]  }
0x23c: {  	s12 =	sor.u32 $0x20, s5;
	v5 =	vld [tilespmem:s13+$0x0]  }
0x23d: {  	s3 =	sand.u32 $0x3FFFFF80, s3;
	s1 =	sor.u32 s12, s1  }
0x23e: {  	s23 =	simm.s32 $0x200;
	s3 =	sadd.s32 s4, s3;
	s7 =	sor.u32 s12, s7;
	v9 =	vld [tilespmem:s1+$0x0];
	v6 =	vadd.f32 v3, v7  }
0x23f: {  	s24 =	simm.s32 $0x8;
	s25 =	simm.s32 $0x40;
	s4 =	sadd.s32 $0x18800, s3;
	v3 =	vld [tilespmem:s7+$0x0]  }
0x240: {  	s14 =	sand.u32 $0xFFFFFF80, s24;
	s21 =	sor.u32 s6, s4;
	s22 =	sor.u32 s5, s4;
	v4 =	vadd.f32 v4, v8;
	[tilespmem:s8+$0x0] =	vst v6  }
0x241: {  	s11 =	sor.u32 s12, s4;
	s9 =	sor.u32 s2, s4;
	s4 =	sand.u32 $0x1C00, s23;
	v5 =	vadd.f32 v5, v10;
	v6 =	vld [tilespmem:s21+$0x0]  }
0x242: {  	s17 =	sand.u32 $0x40, s25;
	s26 =	sadd.s32 s14, s4;
	[tilespmem:s10+$0x0] =	vst v4  }
0x243: {  	s16 =	sadd.s32 $0x4800, s26;
	[tilespmem:s13+$0x0] =	vst v5;
	s13 =	sor.u32 $0x30, s17  }
0x244: {  	s30 =	sor.u32 s13, s16;
	v4 =	vadd.f32 v9, v3;
	v9 =	vld [tilespmem:s22+$0x0]  }
0x245: {  	v15 =	vld [tilespmem:s30+$0x0]  }
0x246: {  	[tilespmem:s1+$0x0] =	vst v4;
	s1 =	sadd.s32 $0x16800, s26;
	v5 =	vadd.f32 v6, v7;
	v6 =	vld [tilespmem:s9+$0x0]  }
0x247: {  	v11 =	vld [tilespmem:s11+$0x0];
	s20 =	sor.u32 s17, s1  }
0x248: {  	s18 =	sor.u32 s13, s1;
	v13 =	vld [tilespmem:s20+$0x0]  }
0x249: {  	s15 =	sadd.s32 $0x1A800, s3;
	s31 =	sor.u32 s17, s16;
	v4 =	vadd.f32 v9, v8;
	v9 =	vld [tilespmem:s18+$0x0]  }
0x24a: {  	s29 =	sor.u32 s6, s15;
	s7 =	sor.u32 $0x10, s17;
	[tilespmem:s21+$0x0] =	vst v5;
	v5 =	vld [tilespmem:s31+$0x0]  }
0x24b: {  	s0 =	sor.u32 s7, s16;
	v12 =	vld [tilespmem:s29+$0x0]  }
0x24c: {  	s21 =	sor.u32 s5, s15;
	[tilespmem:s22+$0x0] =	vst v4;
	v4 =	vld [tilespmem:s0+$0x0]  }
0x24d: {  	s19 =	sor.u32 $0x20, s17;
	s10 =	sand.u32 $0x3FFFFF80, s24;
	s22 =	sor.u32 s7, s1;
	v14 =	vld [tilespmem:s21+$0x0]  }
0x24e: {  	s23 =	sor.u32 s19, s16;
	s16 =	sadd.s32 s4, s10;
	v16 =	vld [tilespmem:s22+$0x0];
	v9 =	vadd.f32 v9, v15  }
0x24f: {  	s4 =	sadd.s32 $0x18800, s16;
	s1 =	sor.u32 s19, s1;
	v17 =	vadd.f32 v6, v10;
	v6 =	vld [tilespmem:s23+$0x0]  }
0x250: {  	s24 =	sor.u32 s13, s4;
	v18 =	vld [tilespmem:s1+$0x0];
	v13 =	vadd.f32 v13, v5;
	[tilespmem:s18+$0x0] =	vst v9  }
0x251: {  	s25 =	sor.u32 s2, s15;
	[tilespmem:s9+$0x0] =	vst v17;
	v9 =	vadd.f32 v12, v7;
	v12 =	vld [tilespmem:s24+$0x0]  }
0x252: {  	s30 =	sor.u32 s17, s4;
	v11 =	vadd.f32 v11, v3;
	s18 =	sadd.s32 $0x1C800, s3;
	[tilespmem:s20+$0x0] =	vst v13;
	v13 =	vld [tilespmem:s25+$0x0]  }
0x253: {  	v14 =	vadd.f32 v14, v8;
	s20 =	sor.u32 s6, s18;
	[tilespmem:s29+$0x0] =	vst v9;
	v9 =	vld [tilespmem:s30+$0x0]  }
0x254: {  	s23 =	sor.u32 s12, s15;
	[tilespmem:s11+$0x0] =	vst v11;
	s11 =	simm.s32 $0x400;
	v16 =	vadd.f32 v16, v4;
	v11 =	vld [tilespmem:s20+$0x0]  }
0x255: {  	s3 =	sadd.s32 $0x1A800, s16;
	s5 =	sor.u32 s5, s18;
	v17 =	vadd.f32 v18, v6;
	s6 =	simm.s32 $0x80;
	[tilespmem:s21+$0x0] =	vst v14;
	v14 =	vld [tilespmem:s23+$0x0]  }
0x256: {  	s0 =	sor.u32 s13, s3;
	s21 =	sor.u32 s7, s4;
	[tilespmem:s22+$0x0] =	vst v16;
	s22 =	simm.s32 $0x10;
	v16 =	vld [tilespmem:s5+$0x0];
	v12 =	vadd.f32 v12, v15  }
0x257: {  	s4 =	sor.u32 s19, s4;
	[tilespmem:s1+$0x0] =	vst v17;
	s1 =	sand.u32 $0x1C00, s11;
	v18 =	vld [tilespmem:s21+$0x0];
	s31 =	sand.u32 $0xFFFFFF80, s22;
	v13 =	vadd.f32 v13, v10  }
0x258: {  	s26 =	sor.u32 s2, s18;
	s2 =	sand.u32 $0x40, s6;
	v17 =	vld [tilespmem:s4+$0x0];
	s29 =	sadd.s32 s31, s1;
	[tilespmem:s24+$0x0] =	vst v12  }
0x259: {  	s14 =	sor.u32 $0x30, s2;
	s10 =	sadd.s32 $0x16800, s29;
	v9 =	vadd.f32 v9, v5;
	[tilespmem:s25+$0x0] =	vst v13;
	v12 =	vld [tilespmem:s0+$0x0]  }
0x25a: {  	s28 =	sor.u32 s14, s10;
	v13 =	vld [tilespmem:s26+$0x0]  }
0x25b: {  	s9 =	sor.u32 s17, s3;
	s24 =	sadd.s32 $0x4800, s29;
	[tilespmem:s30+$0x0] =	vst v9;
	v9 =	vadd.f32 v11, v7;
	v11 =	vadd.f32 v14, v3;
	v14 =	vld [tilespmem:s28+$0x0]  }
0x25c: {  	s30 =	sor.u32 s14, s24;
	v19 =	vld [tilespmem:s9+$0x0]  }
0x25d: {  	s25 =	sor.u32 s2, s24;
	v7 =	vld [tilespmem:s30+$0x0]  }
0x25e: {  	s15 =	sor.u32 $0x10, s2;
	s29 =	sor.u32 s2, s10;
	[tilespmem:s20+$0x0] =	vst v9;
	v9 =	vld [tilespmem:s25+$0x0];
	v12 =	vadd.f32 v12, v15  }
0x25f: {  	v16 =	vadd.f32 v16, v8;
	s31 =	sor.u32 s15, s24;
	[tilespmem:s23+$0x0] =	vst v11;
	v11 =	vld [tilespmem:s29+$0x0];
	s23 =	sadd.s32 $0x1C800, s16  }
0x260: {  	v8 =	vld [tilespmem:s31+$0x0];
	[tilespmem:s0+$0x0] =	vst v12;
	v12 =	vadd.f32 v18, v4;
	s0 =	sor.u32 s13, s23  }
0x261: {  	s22 =	sand.u32 $0x3FFFFF80, s22;
	s30 =	sor.u32 s15, s10;
	s16 =	sor.u32 $0x20, s2;
	[tilespmem:s5+$0x0] =	vst v16;
	v16 =	vadd.f32 v17, v6;
	v17 =	vld [tilespmem:s0+$0x0]  }
0x262: {  	s5 =	sadd.s32 s1, s22;
	s24 =	sor.u32 s16, s24;
	v14 =	vadd.f32 v14, v7;
	[tilespmem:s21+$0x0] =	vst v12;
	v12 =	vld [tilespmem:s30+$0x0]  }
0x263: {  	s25 =	sor.u32 s16, s10;
	s31 =	sadd.s32 $0x18800, s5;
	[tilespmem:s4+$0x0] =	vst v16;
	v13 =	vadd.f32 v13, v10;
	v10 =	vld [tilespmem:s24+$0x0]  }
0x264: {  	v16 =	vld [tilespmem:s25+$0x0];
	s24 =	sor.u32 s14, s31;
	v11 =	vadd.f32 v11, v9;
	[tilespmem:s28+$0x0] =	vst v14  }
0x265: {  	s20 =	sor.u32 s7, s3;
	[tilespmem:s26+$0x0] =	vst v13;
	v18 =	vadd.f32 v19, v5;
	v14 =	vld [tilespmem:s24+$0x0]  }
0x266: {  	s28 =	sor.u32 s2, s31;
	[tilespmem:s29+$0x0] =	vst v11;
	v13 =	vld [tilespmem:s20+$0x0];
	v11 =	vadd.f32 v17, v15  }
0x267: {  	s18 =	sor.u32 s12, s18;
	s13 =	sor.u32 s19, s3;
	[tilespmem:s9+$0x0] =	vst v18;
	v15 =	vld [tilespmem:s28+$0x0];
	v17 =	vadd.f32 v12, v8  }
0x268: {  	s17 =	sor.u32 s17, s23;
	s12 =	sor.u32 s7, s23;
	s7 =	sor.u32 s16, s31;
	v12 =	vld [tilespmem:s13+$0x0];
	[tilespmem:s0+$0x0] =	vst v11  }
0x269: {  	s26 =	sor.u32 s15, s31;
	s19 =	sor.u32 s19, s23;
	s21 =	simm.s32 $0x8;
	v16 =	vadd.f32 v16, v10;
	v11 =	vld [tilespmem:s17+$0x0];
	[tilespmem:s30+$0x0] =	vst v17  }
.LBB2_14:
0x26a: {  	s21 =	sadd.s32 $0x4, s21;
	v17 =	vld [tilespmem:s26+$0x0];
	v14 =	vadd.f32 v14, v7;
	s11 =	sadd.s32 $0x200, s11  }
0x26b: {  	s4 =	sadd.s32 $0x1A800, s5;
	s6 =	sadd.s32 $0x40, s6;
	s3 =	sshll.u32 s21, $0x1;
	[tilespmem:s25+$0x0] =	vst v16;
	v13 =	vadd.f32 v13, v4;
	v16 =	vld [tilespmem:s18+$0x0]  }
0x26c: {  	s22 =	sand.u32 $0x1C00, s11;
	s9 =	sor.u32 s14, s4;
	s8 =	sand.u32 $0xFFFFFF80, s3;
	v15 =	vadd.f32 v15, v9;
	v18 =	vld [tilespmem:s7+$0x0];
	[tilespmem:s24+$0x0] =	vst v14  }
0x26d: {  	s1 =	sand.u32 $0x40, s6;
	s24 =	sor.u32 s2, s4;
	s8 =	sadd.s32 s8, s22;
	v14 =	vld [tilespmem:s9+$0x0];
	[tilespmem:s20+$0x0] =	vst v13;
	v12 =	vadd.f32 v12, v6  }
0x26e: {  	s23 =	sor.u32 $0x10, s1;
	s31 =	sor.u32 $0x30, s1;
	s10 =	sadd.s32 $0x4800, s8;
	[tilespmem:s28+$0x0] =	vst v15;
	v11 =	vadd.f32 v11, v5;
	v13 =	vld [tilespmem:s12+$0x0];
	v5 =	vmov v9  }
0x26f: {  	s8 =	sadd.s32 $0x16800, s8;
	s28 =	sor.u32 $0x20, s1;
	s20 =	sor.u32 s31, s10;
	v15 =	vld [tilespmem:s24+$0x0];
	v9 =	vadd.f32 v17, v8;
	[tilespmem:s13+$0x0] =	vst v12  }
0x270: {  	s13 =	sor.u32 s1, s10;
	s30 =	sor.u32 s1, s8;
	s0 =	sor.u32 s31, s8;
	v12 =	vld [tilespmem:s20+$0x0];
	[tilespmem:s17+$0x0] =	vst v11;
	v11 =	vadd.f32 v16, v3;
	v3 =	vmov v6;
	v6 =	vmov v10  }
0x271: {  	s29 =	sor.u32 s23, s8;
	s17 =	sor.u32 s23, s10;
	s10 =	sor.u32 s28, s10;
	v10 =	vld [tilespmem:s0+$0x0];
	[tilespmem:s26+$0x0] =	vst v9;
	v16 =	vadd.f32 v18, v6  }
0x272: {  	s25 =	sor.u32 s28, s8;
	s20 =	sor.u32 s15, s4;
	v9 =	vld [tilespmem:s13+$0x0];
	s13 =	sor.u32 s16, s4;
	v14 =	vadd.f32 v14, v7;
	[tilespmem:s18+$0x0] =	vst v11  }
0x273: {  	p0 =	slt.u32 s21, $0x1FC;
	s4 =	sadd.s32 $0x1C800, s5;
	s18 =	smov.u32 s19;
	v11 =	vld [tilespmem:s30+$0x0];
	[tilespmem:s7+$0x0] =	vst v16;
	v13 =	vadd.f32 v13, v4;
	v4 =	vmov v8  }
0x274: {  	s7 =	sor.u32 s15, s4;
	s8 =	sor.u32 s14, s4;
	v8 =	vld [tilespmem:s17+$0x0];
	v15 =	vadd.f32 v15, v5;
	s17 =	sor.u32 s2, s4;
	[tilespmem:s9+$0x0] =	vst v14  }
0x275: {  	s3 =	sand.u32 $0x3FFFFF80, s3;
	s19 =	sor.u32 s16, s4;
	s2 =	smov.u32 s1;
	v16 =	vld [tilespmem:s8+$0x0];
	[tilespmem:s12+$0x0] =	vst v13  }
0x276: {  	s5 =	sadd.s32 s22, s3;
	s15 =	smov.u32 s23;
	s14 =	smov.u32 s31;
	v17 =	vld [tilespmem:s29+$0x0];
	v13 =	vadd.f32 v10, v12;
	[tilespmem:s24+$0x0] =	vst v15  }
0x277: {  	s16 =	smov.u32 s28;
	s1 =	sadd.s32 $0x18800, s5;
	s12 =	smov.u32 s7;
	v10 =	vld [tilespmem:s10+$0x0]  }
0x278: {  	s28 =	sor.u32 s2, s1;
	s26 =	sor.u32 s15, s1;
	s24 =	sor.u32 s14, s1;
	v11 =	vadd.f32 v11, v9;
	v18 =	vld [tilespmem:s25+$0x0];
	[tilespmem:s0+$0x0] =	vst v13  }
.Ltmp8:
0x279: {  	s7 =	sor.u32 s16, s1;
	v14 =	vld [tilespmem:s24+$0x0];
	(pc) =	sbr.rel @p0 .LBB2_14-.Ltmp8, $4  }
0x27a: {  	[tilespmem:s30+$0x0] =	vst v11;
	v13 =	vld [tilespmem:s20+$0x0];
	v11 =	vadd.f32 v16, v7;
	v7 =	vmov v12  }
0x27b: {  	v15 =	vld [tilespmem:s28+$0x0];
	v16 =	vadd.f32 v17, v8  }
0x27c: {  	v12 =	vld [tilespmem:s13+$0x0];
	[tilespmem:s8+$0x0] =	vst v11  }
0x27d: {  	[tilespmem:s29+$0x0] =	vst v16;
	v16 =	vadd.f32 v18, v10;
	v11 =	vld [tilespmem:s17+$0x0]  }
0x27e: {  	_ = 	snop  }
0x27f: {  	v14 =	vadd.f32 v14, v7  }
0x280: {  	v17 =	vld [tilespmem:s26+$0x0];
	s0 =	sadd.s32 $0x1A800, s5;
	[tilespmem:s25+$0x0] =	vst v16;
	v15 =	vadd.f32 v15, v9  }
0x281: {  	s1 =	sor.u32 s14, s0;
	v16 =	vld [tilespmem:s7+$0x0];
	[tilespmem:s24+$0x0] =	vst v14  }
0x282: {  	s3 =	sor.u32 s2, s0;
	v14 =	vld [tilespmem:s1+$0x0];
	[tilespmem:s28+$0x0] =	vst v15  }
0x283: {  	v53 =	vld [tilespmem:s3+$0x0]  }
0x284: {  	v13 =	vadd.f32 v13, v4  }
0x285: {  	v52 =	vadd.f32 v17, v8  }
0x286: {  	v18 =	vld [tilespmem:s18+$0x0];
	[tilespmem:s20+$0x0] =	vst v13;
	v16 =	vadd.f32 v16, v10  }
0x287: {  	s4 =	sor.u32 s15, s0;
	v55 =	vld [tilespmem:s12+$0x0];
	[tilespmem:s26+$0x0] =	vst v52;
	v14 =	vadd.f32 v14, v7  }
0x288: {  	s11 =	sadd.s32 $0x1C800, s5;
	s0 =	sor.u32 s16, s0;
	v15 =	vld [tilespmem:s4+$0x0];
	[tilespmem:s7+$0x0] =	vst v16;
	v54 =	vadd.f32 v53, v9  }
0x289: {  	s14 =	sor.u32 s14, s11;
	v12 =	vadd.f32 v12, v6;
	v16 =	vld [tilespmem:s0+$0x0];
	[tilespmem:s1+$0x0] =	vst v14  }
0x28a: {  	s20 =	sor.u32 s2, s11;
	v5 =	vadd.f32 v11, v5;
	v14 =	vld [tilespmem:s14+$0x0];
	[tilespmem:s3+$0x0] =	vst v54  }
0x28b: {  	[tilespmem:s13+$0x0] =	vst v12;
	v3 =	vadd.f32 v18, v3;
	v57 =	vld [tilespmem:s20+$0x0]  }
0x28c: {  	v59 =	vld [tilespmem:s19+$0x0];
	[tilespmem:s17+$0x0] =	vst v5;
	v60 =	vadd.f32 v55, v4  }
0x28d: {  	[tilespmem:s18+$0x0] =	vst v3;
	v56 =	vadd.f32 v15, v8  }
0x28e: {  	[tilespmem:s12+$0x0] =	vst v60;
	v58 =	vadd.f32 v16, v10  }
0x28f: {  	s21 =	sor.u32 s15, s11;
	[tilespmem:s4+$0x0] =	vst v56;
	v3 =	vadd.f32 v14, v7  }
0x290: {  	s22 =	sor.u32 s16, s11;
	v13 =	vld [tilespmem:s21+$0x0];
	[tilespmem:s0+$0x0] =	vst v58;
	v62 =	vadd.f32 v57, v9  }
0x291: {  	v61 =	vld [tilespmem:s22+$0x0];
	[tilespmem:s14+$0x0] =	vst v3;
	v3 =	vadd.f32 v59, v6  }
0x292: {  	[tilespmem:s20+$0x0] =	vst v62  }
0x293: {  	[tilespmem:s19+$0x0] =	vst v3  }
0x294: {  	s0 =	rddreg [dreg:$0xd]  }
0x295: {  	v63 =	vadd.f32 v13, v8;
	s1 =	rddreg [dreg:$0x12]  }
0x296: {  	s0 =	sadd.s32 s1, s0;
	v3 =	vadd.f32 v61, v10  }
0x297: {  	s23 =	rddreg [dreg:$0x3];
	[tilespmem:s21+$0x0] =	vst v63;
	s0 =	sshrl.u32 s0, $0x3  }
0x298: {  	s25 =	simm.s32 $0x16800;
	s4 =	simm.s32 $0x0;
	s24 =	sadd.s32 s23, s0;
	[tilespmem:s22+$0x0] =	vst v3  }
0x299: {  	[hbm4b:s24+s4] =	stream.linear.scatter [tilespmem:s25], [sflag:$0x6], $0x2000, $0x38;
	[tilespmem:$0x1E800] =	vst v63  }
0x29a: {  	s7 =	rddreg [dreg:$0x10]  }
0x29b: {  	s28 =	simm.s32 $0x18800;
	s26 =	sadd.s32 $0x80000, s24;
	s7 =	sadd.s32 $0x1, s7  }
0x29c: {  	[hbm4b:s26+s4] =	stream.linear.scatter [tilespmem:s28], [sflag:$0x6], $0x2000, $0x38;
	[tilespmem:$0x1E800] =	vst v63  }
0x29d: {  	p0 =	sne.s32 s7, $0x6  }
.Ltmp9:
0x29e: {  	s0 =	sor.u32 $0x100000, s0;
	(pc) =	sbr.rel @p0 .LBB2_2-.Ltmp9, $4  }
.Ltmp10:
0x29f: {  	s29 =	simm.s32 $0x1A800;
	s0 =	sadd.s32 s23, s0;
	(pc) =	sbr.rel @!p0 .LBB2_16-.Ltmp10, $4  }
0x2a0: {  	[hbm4b:s0+s4] =	stream.linear.scatter [tilespmem:s29], [sflag:$0x6], $0x2000, $0x38;
	[tilespmem:$0x1E800] =	vst v63  }
0x2a1: {  	s31 =	simm.s32 $0x1C800;
	s30 =	sadd.s32 $0x180000, s24  }
0x2a2: {  	[hbm4b:s30+s4] =	stream.linear.scatter [tilespmem:s31], [sflag:$0x6], $0x2000, $0x38;
	[tilespmem:$0x1E800] =	vst v63  }
0x2a3: {  	_ = 	snop  }
.LBB2_17:
0x2a4: {  	_ =	sfence.sel $0x180000  }
0x2a5: {  	[bflag:$0x0] =	sbarrier.arrive $0xFFFF  }
0x2a6: {  	_ =	strace $0x90000047  }
0x2a7: {  	s0 =	stileid.u32;
	[bflag:$0x2] =	sbarrier.arrive $0xFFFF  }
0x2a8: {  	p0 =	sne.s32 s0, $0x0;
	s0 =	rddreg [dreg:$0x4]  }
0x2a9: {  	s0 =	sadd.s32 @!p0 $0x100000, s0  }
0x2aa: {  	[sflag:s0] =	ssyncadd.tile.s32 @!p0 $0x1;
	_ =	shalt  }
.Lfunc_end2:
_tile_overlayer_lowered:
.L_overlay_start_2:
0x2ab: {  	(tag) =	ssettag $0x2  }
0x2ac: {  	s0 =	rddreg [dreg:$0x0];
	s2 =	stileid.u32  }
0x2ad: {  	s1 =	rddreg [dreg:$0x1];
	p0 =	sne.s32 s2, $0x0  }
0x2ae: {  	s3 =	rddreg [dreg:$0x2];
	[bflag:$0x3] =	sbarrier.arrive $0xFFFF;
	s2 =	simm.s32 @!p0 $0x1C07  }
0x2af: {  	[timem:s3], [sflag:s2] =	dma.local @!p0 [hbm:s0], s1  }
0x2b0: {  	s0 =	simm.s32 @!p0 $0x7  }
0x2b1: {  	_ =	swait.ge @!p0 [sflag:s0], s1  }
0x2b2: {  	s1 =	ssub.s32 @!p0 $0x0, s1;
	[sflag:s0] =	ssyncset.done @!p0 $0x0  }
0x2b3: {  	[sflag:s0] =	ssyncadd.s32 @!p0 s1  }
0x2b4: {  	[bflag:$0x3] =	sbarrier.arrive $0xFFFF  }
0x2b5: {  	_ =	shalt  }

</sc_bundles>
